<compile_context>
chip_gen: v7x
topology: tpu7x:2x2x1
jax: 0.10.2.dev20260603
libtpu: 0.0.44.dev20260713+nightly
codegen_flags: <defaults>
</compile_context>

<pallas_src>
import jax
import jax.numpy as jnp
from jax import lax
from jax.experimental import pallas as pl
from jax.experimental.pallas import tpu as pltpu
from jax.experimental.pallas import tpu_sc as plsc

N = 10000
E = 320000
G = 64
D = 128
DO = 64
NP = 10240
NC, NS = 2, 16
NW = NC * NS
CHUNK = 128
CPW = 80
EP = NW * CPW * CHUNK
RPS = NP // NS
ACH = 64
APW = (EP // NW) // ACH
AHB = 32
NBUF = 4
NCHUNKS = NW * APW
RCH = (128,) * 5
RCHA = (64,) * 10
RB = 2560
NBLK = NP // RB

_f32 = jnp.float32
_bf16 = jnp.bfloat16
_mesh = plsc.VectorSubcoreMesh(core_axis_name="c", subcore_axis_name="s",
                               num_cores=NC, num_subcores=NS)



def _deg_body(dst_hbm, out_hbm, idx_v, buf_v, acc_sh):
    c = lax.axis_index("c")
    s = lax.axis_index("s")
    w = s * NC + c

    def zrow(r, carry):
        buf_v[r, pl.ds(0, 16)] = jnp.zeros((16,), _f32)
        return carry

    lax.fori_loop(0, CHUNK, zrow, 0)
    off = 0
    for nr in RCH:
        pltpu.sync_copy(buf_v.at[pl.ds(0, nr)],
                        acc_sh.at[pl.ds(s * RPS + off, nr)])
        off += nr

    def orow(r, carry):
        buf_v[r, pl.ds(0, 16)] = jnp.ones((16,), _f32)
        return carry

    lax.fori_loop(0, CHUNK, orow, 0)
    pltpu.sync_copy(dst_hbm.at[pl.ds(w * CPW, CPW)], idx_v)
    plsc.subcore_barrier()

    def chunk(j, carry):
        pltpu.sync_copy(buf_v, acc_sh.at[idx_v.at[j]], add=True)
        return carry

    lax.fori_loop(0, CPW, chunk, 0)
    plsc.subcore_barrier()
    off = 0
    for nr in RCH:
        r0 = s * RPS + off
        pltpu.sync_copy(acc_sh.at[pl.ds(r0, nr)], out_hbm.at[c, pl.ds(r0, nr)])
        off += nr


_deg_call = pl.kernel(
    _deg_body,
    out_type=jax.ShapeDtypeStruct((NC, NP, 16), _f32),
    mesh=_mesh,
    scratch_types=[
        pltpu.VMEM((CPW, CHUNK), jnp.int32),
        pltpu.VMEM((CHUNK, 16), _f32),
        pltpu.VMEM_SHARED((NP, 16), _f32),
    ],
    compiler_params=pltpu.CompilerParams(use_tc_tiling_on_sc=False),
)


def _agg_body(src_hbm, dst_hbm, y_hbm, out_hbm,
              idxs_v, idxd_v, g0, g1, g2, g3, acc_sh,
              s0, s1, s2, s3):
    c = lax.axis_index("c")
    s = lax.axis_index("s")
    w = s * NC + c
    gbufs = (g0, g1, g2, g3)
    sems = (s0, s1, s2, s3)

    def zrow(t2, carry):
        r = pl.multiple_of(2 * t2, 2)
        for k in range(D // 16):
            g0[pl.ds(r, 2), pl.ds(k * 16, 16)] = jnp.zeros((2, 16), _bf16)
        return carry

    lax.fori_loop(0, ACH // 2, zrow, 0)
    off = 0
    for nr in RCHA:
        pltpu.sync_copy(g0.at[pl.ds(0, nr)],
                        acc_sh.at[pl.ds(s * RPS + off, nr)])
        off += nr
    plsc.subcore_barrier()

    def half(h, carry):
        base = w * APW + h * AHB
        pltpu.sync_copy(src_hbm.at[pl.ds(base, AHB)], idxs_v)
        pltpu.sync_copy(dst_hbm.at[pl.ds(base, AHB)], idxd_v)
        pltpu.async_copy(y_hbm.at[idxs_v.at[0]], gbufs[0], sems[0])
        pltpu.async_copy(y_hbm.at[idxs_v.at[1]], gbufs[1], sems[1])

        def step(t, carry2):
            for b in range(NBUF):
                j = NBUF * t + b
                pltpu.make_async_copy(y_hbm.at[idxs_v.at[j]], gbufs[b],
                                      sems[b]).wait()
                jn = j + 2
                bn = (b + 2) % NBUF

                @pl.when(jn < AHB)
                def _():
                    pltpu.async_copy(y_hbm.at[idxs_v.at[jn]], gbufs[bn],
                                    sems[bn])

                pltpu.sync_copy(gbufs[b], acc_sh.at[idxd_v.at[j]], add=True)
            return carry2

        lax.fori_loop(0, AHB // NBUF, step, 0)
        return carry

    lax.fori_loop(0, APW // AHB, half, 0)
    plsc.subcore_barrier()
    off = 0
    for nr in RCH:
        rr = s * RPS + off
        pltpu.sync_copy(acc_sh.at[pl.ds(rr, nr)], out_hbm.at[c, pl.ds(rr, nr)])
        off += nr


_agg_call = pl.kernel(
    _agg_body,
    out_type=jax.ShapeDtypeStruct((NC, NP, D), _bf16),
    mesh=_mesh,
    scratch_types=[
        pltpu.VMEM((AHB, ACH), jnp.int32),
        pltpu.VMEM((AHB, ACH), jnp.int32),
        pltpu.VMEM((ACH, D), _bf16),
        pltpu.VMEM((ACH, D), _bf16),
        pltpu.VMEM((ACH, D), _bf16),
        pltpu.VMEM((ACH, D), _bf16),
        pltpu.VMEM_SHARED((NP, D), _bf16),
        pltpu.SemaphoreType.DMA,
        pltpu.SemaphoreType.DMA,
        pltpu.SemaphoreType.DMA,
        pltpu.SemaphoreType.DMA,
    ],
    compiler_params=pltpu.CompilerParams(use_tc_tiling_on_sc=False),
)



def _pre_body(x_ref, w_ref, d0_ref, d1_ref, y_ref, dv_ref):
    deg = d0_ref[:, 0:1] + d1_ref[:, 0:1] + 1.0
    dvb = jnp.broadcast_to(lax.rsqrt(deg), (RB, D))
    dv_ref[...] = dvb
    y_ref[...] = (jnp.dot(x_ref[...], w_ref[...],
                          preferred_element_type=_f32) * dvb).astype(_bf16)


def _mid_body(a0_ref, a1_ref, y1_ref, dv_ref, b_ref, w_ref, y2_ref):
    dv = dv_ref[...]
    acc = (a0_ref[...].astype(_f32) + a1_ref[...].astype(_f32)
           + y1_ref[...].astype(_f32))
    t = jnp.maximum(acc * dv + b_ref[...], 0.0)
    y2_ref[...] = (jnp.dot(t, w_ref[...], preferred_element_type=_f32)
                   * dv).astype(_bf16)


def _post_body(a0_ref, a1_ref, y2_ref, dv_ref, b_ref, bt_ref, wfc_ref, bfc_ref,
               out_ref, ssum, smax, scnt):
    i = pl.program_id(0)

    @pl.when(i == 0)
    def _():
        ssum[...] = jnp.zeros_like(ssum)
        scnt[...] = jnp.zeros_like(scnt)
        smax[...] = jnp.full_like(smax, -jnp.inf)

    dv = dv_ref[...]
    acc = (a0_ref[...].astype(_f32) + a1_ref[...].astype(_f32)
           + y2_ref[...].astype(_f32))
    t = jnp.maximum(acc * dv + b_ref[...], 0.0)
    bb = bt_ref[...]
    gi = lax.broadcasted_iota(jnp.int32, (RB, 128), 1)
    mask = (bb == gi).astype(_f32)
    dn = (((0,), (0,)), ((), ()))
    ssum[...] += lax.dot_general(mask, t, dn, preferred_element_type=_f32)
    scnt[...] += lax.dot_general(mask, jnp.ones((RB, D), _f32), dn,
                                 preferred_element_type=_f32)

    glo = jnp.min(bb)
    ghi = jnp.max(bb)

    def gbody(g, carry):
        m = bb == g
        v = jnp.where(m, t, -jnp.inf)
        mx = jnp.max(v, axis=0, keepdims=True)
        smax[pl.ds(g, 1), :] = jnp.maximum(smax[pl.ds(g, 1), :], mx)
        return carry

    lax.fori_loop(glo, ghi + 1, gbody, 0)

    @pl.when(i == NBLK - 1)
    def _():
        cnt = jnp.maximum(scnt[...], 1.0)
        mean = ssum[...] / cnt
        w = wfc_ref[...]
        o = (jnp.dot(mean[0:G, :], w[0:D, :], preferred_element_type=_f32)
             + jnp.dot(smax[0:G, :], w[D:2 * D, :], preferred_element_type=_f32)
             + jnp.dot(ssum[0:G, :], w[2 * D:3 * D, :],
                       preferred_element_type=_f32))
        out_ref[...] = o + bfc_ref[...]


_pre_call = pl.pallas_call(
    _pre_body,
    grid=(NBLK,),
    in_specs=[
        pl.BlockSpec((RB, D), lambda i: (i, 0)),
        pl.BlockSpec((D, D), lambda i: (0, 0)),
        pl.BlockSpec((RB, 16), lambda i: (i, 0)),
        pl.BlockSpec((RB, 16), lambda i: (i, 0)),
    ],
    out_specs=[
        pl.BlockSpec((RB, D), lambda i: (i, 0)),
        pl.BlockSpec((RB, D), lambda i: (i, 0)),
    ],
    out_shape=[
        jax.ShapeDtypeStruct((NP, D), _bf16),
        jax.ShapeDtypeStruct((NP, D), _f32),
    ],
)

_mid_call = pl.pallas_call(
    _mid_body,
    grid=(NBLK,),
    in_specs=[
        pl.BlockSpec((RB, D), lambda i: (i, 0)),
        pl.BlockSpec((RB, D), lambda i: (i, 0)),
        pl.BlockSpec((RB, D), lambda i: (i, 0)),
        pl.BlockSpec((RB, D), lambda i: (i, 0)),
        pl.BlockSpec((1, D), lambda i: (0, 0)),
        pl.BlockSpec((D, D), lambda i: (0, 0)),
    ],
    out_specs=pl.BlockSpec((RB, D), lambda i: (i, 0)),
    out_shape=jax.ShapeDtypeStruct((NP, D), _bf16),
)

_post_call = pl.pallas_call(
    _post_body,
    grid=(NBLK,),
    in_specs=[
        pl.BlockSpec((RB, D), lambda i: (i, 0)),
        pl.BlockSpec((RB, D), lambda i: (i, 0)),
        pl.BlockSpec((RB, D), lambda i: (i, 0)),
        pl.BlockSpec((RB, D), lambda i: (i, 0)),
        pl.BlockSpec((1, D), lambda i: (0, 0)),
        pl.BlockSpec((RB, 1), lambda i: (i, 0)),
        pl.BlockSpec((3 * D, DO), lambda i: (0, 0)),
        pl.BlockSpec((1, DO), lambda i: (0, 0)),
    ],
    out_specs=pl.BlockSpec((G, DO), lambda i: (0, 0)),
    out_shape=jax.ShapeDtypeStruct((G, DO), _f32),
    scratch_shapes=[
        pltpu.VMEM((128, D), _f32),
        pltpu.VMEM((128, D), _f32),
        pltpu.VMEM((128, D), _f32),
    ],
)





def kernel(x, edge_index, batch, W1, b1, W2, b2, Wfc, bfc):
    src = edge_index[0]
    dst = edge_index[1]
    src_f = jnp.concatenate([src, jnp.zeros((EP - E,), jnp.int32)])
    dst_f = jnp.concatenate([dst, jnp.full((EP - E,), N, jnp.int32)])
    src_p = src_f.reshape(NCHUNKS, ACH)
    dst_p = dst_f.reshape(NCHUNKS, ACH)
    dst_deg = dst_f.reshape(NW * CPW, CHUNK)
    x_p = jnp.concatenate([x, jnp.zeros((NP - N, D), x.dtype)], axis=0)
    batch_p = jnp.concatenate(
        [batch, jnp.full((NP - N,), G, jnp.int32)])[:, None]

    deg = _deg_call(dst_deg)
    y1, dvb = _pre_call(x_p, W1, deg[0], deg[1])
    acc1 = _agg_call(src_p, dst_p, y1)
    y2 = _mid_call(acc1[0], acc1[1], y1, dvb, b1.reshape(1, D), W2)
    acc2 = _agg_call(src_p, dst_p, y2)
    return _post_call(acc2[0], acc2[1], y2, dvb, b2.reshape(1, D), batch_p,
                      Wfc, bfc.reshape(1, DO))

# --- scband reference (transcript-rebuilt; emitter-appended) ---
"""Pipeline reference for scband-enhanced-gnn-11450382811735 (READ-ONLY COPY).

The authoritative reference and input builder live on the scoring server;
editing this copy changes nothing except your own understanding.
"""

import jax, jax.numpy as jnp
import numpy as np

N_NODES = 10000
N_EDGES = 320000
N_GRAPHS = 64
D_IN = 128
D_HID = 128
D_OUT = 64


def setup_inputs(seed: int = 0):
    key = jax.random.key(seed)
    ks = jax.random.split(key, 9)
    x = jax.random.normal(ks[0], (N_NODES, D_IN), dtype=jnp.float32)
    edge_index = jax.random.randint(ks[1], (2, N_EDGES), 0, N_NODES, dtype=jnp.int32)
    batch = jnp.sort(jax.random.randint(ks[2], (N_NODES,), 0, N_GRAPHS, dtype=jnp.int32))
    s1 = 1.0 / np.sqrt(D_IN)
    W1 = jax.random.uniform(ks[3], (D_IN, D_HID), jnp.float32, -s1, s1)
    b1 = jnp.zeros((D_HID,), jnp.float32)
    s2 = 1.0 / np.sqrt(D_HID)
    W2 = jax.random.uniform(ks[4], (D_HID, D_HID), jnp.float32, -s2, s2)
    b2 = jnp.zeros((D_HID,), jnp.float32)
    s3 = 1.0 / np.sqrt(3 * D_HID)
    Wfc = jax.random.uniform(ks[5], (3 * D_HID, D_OUT), jnp.float32, -s3, s3)
    bfc = jax.random.uniform(ks[6], (D_OUT,), jnp.float32, -s3, s3)
    return {"x": x, "edge_index": edge_index, "batch": batch,
            "W1": W1, "b1": b1, "W2": W2, "b2": b2, "Wfc": Wfc, "bfc": bfc}


def _gcn_conv(x, src, dst, W, b):
    # GCNConv with self-loops and symmetric normalization: D^-1/2 (A+I) D^-1/2 X W + b
    n = x.shape[0]
    si = jnp.arange(n, dtype=src.dtype)
    s = jnp.concatenate([src, si])
    d = jnp.concatenate([dst, si])
    deg = jnp.zeros((n,), x.dtype).at[d].add(1.0)
    dinv = jax.lax.rsqrt(deg)
    norm = dinv[s] * dinv[d]
    h = x @ W
    msg = h[s] * norm[:, None]
    out = jnp.zeros_like(h).at[d].add(msg)
    return out + b


def reference(x, edge_index, batch, W1, b1, W2, b2, Wfc, bfc):
    # dropout_adj / F.dropout are identity in eval mode (deterministic reference)
    src, dst = edge_index[0], edge_index[1]
    h = _gcn_conv(x, src, dst, W1, b1)
    h = jax.nn.relu(h)
    h = _gcn_conv(h, src, dst, W2, b2)
    h = jax.nn.relu(h)
    xsum = jax.ops.segment_sum(h, batch, num_segments=N_GRAPHS)
    cnt = jax.ops.segment_sum(jnp.ones((h.shape[0], 1), h.dtype), batch, num_segments=N_GRAPHS)
    xmean = xsum / jnp.maximum(cnt, 1.0)
    xmax = jax.ops.segment_max(h, batch, num_segments=N_GRAPHS)
    feat = jnp.concatenate([xmean, xmax, xsum], axis=1)
    return feat @ Wfc + bfc

if __name__ == "__main__":
    import jax
    _d = setup_inputs()
    print(jax.jit(kernel)(*tuple(_d.values())))

</pallas_src>

<mosaic_0001>
#map = affine_map<(d0, d1) -> (0, 0)>
#map1 = affine_map<(d0, d1) -> (0, 0, 0)>
module attributes {stable_mosaic.version = 14 : i64} {
  func.func @_agg_body(%arg0: i32, %arg1: i32, %arg2: memref<5120x64xi32, #tpu.memory_space<hbm>>, %arg3: memref<5120x64xi32, #tpu.memory_space<hbm>>, %arg4: memref<10240x128xbf16, #tpu.memory_space<hbm>>, %arg5: memref<2x10240x128xbf16, #tpu.memory_space<hbm>>, %arg6: memref<32x64xi32, #tpu.memory_space<vmem>>, %arg7: memref<32x64xi32, #tpu.memory_space<vmem>>, %arg8: memref<64x128xbf16, #tpu.memory_space<vmem>>, %arg9: memref<64x128xbf16, #tpu.memory_space<vmem>>, %arg10: memref<64x128xbf16, #tpu.memory_space<vmem>>, %arg11: memref<64x128xbf16, #tpu.memory_space<vmem>>, %arg12: memref<10240x128xbf16, #tpu.memory_space<vmem_shared>>, %arg13: memref<!tpu.dma_semaphore, #tpu.memory_space<semaphore_mem>>, %arg14: memref<!tpu.dma_semaphore, #tpu.memory_space<semaphore_mem>>, %arg15: memref<!tpu.dma_semaphore, #tpu.memory_space<semaphore_mem>>, %arg16: memref<!tpu.dma_semaphore, #tpu.memory_space<semaphore_mem>>) attributes {dimension_semantics = [#tpu.dimension_semantics<core_parallel>, #tpu.dimension_semantics<subcore_parallel>], iteration_bounds = array<i64: 2, 16>, scalar_prefetch = 0 : i64, scratch_operands = 11 : i64, tpu.core_type = #tpu.core_type<sc_vector_subcore>, window_params = [{transform_indices = #map}, {transform_indices = #map}, {transform_indices = #map}, {transform_indices = #map1}]} {
    %mul3A = arith.constant 2 : i32
    %mul3A_0 = arith.muli %arg1, %mul3A : i32
    %add3A = arith.addi %mul3A_0, %arg0 : i32
    %scan3A = arith.constant 0 : i32
    %scan3A_1 = arith.constant 0 : i32
    %scan3A_2 = arith.constant 32 : i32
    %scan3A_3 = arith.addi %scan3A_1, %scan3A_2 : i32
    %scan3A_4 = arith.constant 1 : i32
    scf.for %scan3A_73 = %scan3A_1 to %scan3A_3 step %scan3A_4  : i32 {
      %mul3A_74 = arith.constant 2 : i32
      %mul3A_75 = arith.muli %mul3A_74, %scan3A_73 : i32
      %multiple_of3A = tpu.assume_multiple %mul3A_75, 2 : i32
      %broadcast_in_dim3A = arith.constant 0.000000e+00 : bf16
      %broadcast_in_dim3A_76 = vector.broadcast %broadcast_in_dim3A : bf16 to vector<2x16xbf16>
      %swap3A = arith.index_cast %multiple_of3A : i32 to index
      %swap3A_77 = arith.constant 0 : index
      %swap3A_78 = tpu.vector_load %arg8[%swap3A, %swap3A_77] {strides = array<i32>} : memref<64x128xbf16, #tpu.memory_space<vmem>>, vector<2x16xbf16>,
      %swap3A_79 = vector.shape_cast %swap3A_78 : vector<2x16xbf16> to vector<2x16xbf16>
      %swap3A_80 = vector.shape_cast %broadcast_in_dim3A_76 : vector<2x16xbf16> to vector<2x16xbf16>
      tpu.vector_store %arg8[%swap3A, %swap3A_77], %swap3A_80 {strides = array<i32>} : memref<64x128xbf16, #tpu.memory_space<vmem>>, vector<2x16xbf16>,
      %broadcast_in_dim3A_81 = arith.constant 0.000000e+00 : bf16
      %broadcast_in_dim3A_82 = vector.broadcast %broadcast_in_dim3A_81 : bf16 to vector<2x16xbf16>
      %swap3A_83 = arith.index_cast %multiple_of3A : i32 to index
      %swap3A_84 = arith.constant 16 : index
      %swap3A_85 = tpu.vector_load %arg8[%swap3A_83, %swap3A_84] {strides = array<i32>} : memref<64x128xbf16, #tpu.memory_space<vmem>>, vector<2x16xbf16>,
      %swap3A_86 = vector.shape_cast %swap3A_85 : vector<2x16xbf16> to vector<2x16xbf16>
      %swap3A_87 = vector.shape_cast %broadcast_in_dim3A_82 : vector<2x16xbf16> to vector<2x16xbf16>
      tpu.vector_store %arg8[%swap3A_83, %swap3A_84], %swap3A_87 {strides = array<i32>} : memref<64x128xbf16, #tpu.memory_space<vmem>>, vector<2x16xbf16>,
      %broadcast_in_dim3A_88 = arith.constant 0.000000e+00 : bf16
      %broadcast_in_dim3A_89 = vector.broadcast %broadcast_in_dim3A_88 : bf16 to vector<2x16xbf16>
      %swap3A_90 = arith.index_cast %multiple_of3A : i32 to index
      %swap3A_91 = arith.constant 32 : index
      %swap3A_92 = tpu.vector_load %arg8[%swap3A_90, %swap3A_91] {strides = array<i32>} : memref<64x128xbf16, #tpu.memory_space<vmem>>, vector<2x16xbf16>,
      %swap3A_93 = vector.shape_cast %swap3A_92 : vector<2x16xbf16> to vector<2x16xbf16>
      %swap3A_94 = vector.shape_cast %broadcast_in_dim3A_89 : vector<2x16xbf16> to vector<2x16xbf16>
      tpu.vector_store %arg8[%swap3A_90, %swap3A_91], %swap3A_94 {strides = array<i32>} : memref<64x128xbf16, #tpu.memory_space<vmem>>, vector<2x16xbf16>,
      %broadcast_in_dim3A_95 = arith.constant 0.000000e+00 : bf16
      %broadcast_in_dim3A_96 = vector.broadcast %broadcast_in_dim3A_95 : bf16 to vector<2x16xbf16>
      %swap3A_97 = arith.index_cast %multiple_of3A : i32 to index
      %swap3A_98 = arith.constant 48 : index
      %swap3A_99 = tpu.vector_load %arg8[%swap3A_97, %swap3A_98] {strides = array<i32>} : memref<64x128xbf16, #tpu.memory_space<vmem>>, vector<2x16xbf16>,
      %swap3A_100 = vector.shape_cast %swap3A_99 : vector<2x16xbf16> to vector<2x16xbf16>
      %swap3A_101 = vector.shape_cast %broadcast_in_dim3A_96 : vector<2x16xbf16> to vector<2x16xbf16>
      tpu.vector_store %arg8[%swap3A_97, %swap3A_98], %swap3A_101 {strides = array<i32>} : memref<64x128xbf16, #tpu.memory_space<vmem>>, vector<2x16xbf16>,
      %broadcast_in_dim3A_102 = arith.constant 0.000000e+00 : bf16
      %broadcast_in_dim3A_103 = vector.broadcast %broadcast_in_dim3A_102 : bf16 to vector<2x16xbf16>
      %swap3A_104 = arith.index_cast %multiple_of3A : i32 to index
      %swap3A_105 = arith.constant 64 : index
      %swap3A_106 = tpu.vector_load %arg8[%swap3A_104, %swap3A_105] {strides = array<i32>} : memref<64x128xbf16, #tpu.memory_space<vmem>>, vector<2x16xbf16>,
      %swap3A_107 = vector.shape_cast %swap3A_106 : vector<2x16xbf16> to vector<2x16xbf16>
      %swap3A_108 = vector.shape_cast %broadcast_in_dim3A_103 : vector<2x16xbf16> to vector<2x16xbf16>
      tpu.vector_store %arg8[%swap3A_104, %swap3A_105], %swap3A_108 {strides = array<i32>} : memref<64x128xbf16, #tpu.memory_space<vmem>>, vector<2x16xbf16>,
      %broadcast_in_dim3A_109 = arith.constant 0.000000e+00 : bf16
      %broadcast_in_dim3A_110 = vector.broadcast %broadcast_in_dim3A_109 : bf16 to vector<2x16xbf16>
      %swap3A_111 = arith.index_cast %multiple_of3A : i32 to index
      %swap3A_112 = arith.constant 80 : index
      %swap3A_113 = tpu.vector_load %arg8[%swap3A_111, %swap3A_112] {strides = array<i32>} : memref<64x128xbf16, #tpu.memory_space<vmem>>, vector<2x16xbf16>,
      %swap3A_114 = vector.shape_cast %swap3A_113 : vector<2x16xbf16> to vector<2x16xbf16>
      %swap3A_115 = vector.shape_cast %broadcast_in_dim3A_110 : vector<2x16xbf16> to vector<2x16xbf16>
      tpu.vector_store %arg8[%swap3A_111, %swap3A_112], %swap3A_115 {strides = array<i32>} : memref<64x128xbf16, #tpu.memory_space<vmem>>, vector<2x16xbf16>,
      %broadcast_in_dim3A_116 = arith.constant 0.000000e+00 : bf16
      %broadcast_in_dim3A_117 = vector.broadcast %broadcast_in_dim3A_116 : bf16 to vector<2x16xbf16>
      %swap3A_118 = arith.index_cast %multiple_of3A : i32 to index
      %swap3A_119 = arith.constant 96 : index
      %swap3A_120 = tpu.vector_load %arg8[%swap3A_118, %swap3A_119] {strides = array<i32>} : memref<64x128xbf16, #tpu.memory_space<vmem>>, vector<2x16xbf16>,
      %swap3A_121 = vector.shape_cast %swap3A_120 : vector<2x16xbf16> to vector<2x16xbf16>
      %swap3A_122 = vector.shape_cast %broadcast_in_dim3A_117 : vector<2x16xbf16> to vector<2x16xbf16>
      tpu.vector_store %arg8[%swap3A_118, %swap3A_119], %swap3A_122 {strides = array<i32>} : memref<64x128xbf16, #tpu.memory_space<vmem>>, vector<2x16xbf16>,
      %broadcast_in_dim3A_123 = arith.constant 0.000000e+00 : bf16
      %broadcast_in_dim3A_124 = vector.broadcast %broadcast_in_dim3A_123 : bf16 to vector<2x16xbf16>
      %swap3A_125 = arith.index_cast %multiple_of3A : i32 to index
      %swap3A_126 = arith.constant 112 : index
      %swap3A_127 = tpu.vector_load %arg8[%swap3A_125, %swap3A_126] {strides = array<i32>} : memref<64x128xbf16, #tpu.memory_space<vmem>>, vector<2x16xbf16>,
      %swap3A_128 = vector.shape_cast %swap3A_127 : vector<2x16xbf16> to vector<2x16xbf16>
      %swap3A_129 = vector.shape_cast %broadcast_in_dim3A_124 : vector<2x16xbf16> to vector<2x16xbf16>
      tpu.vector_store %arg8[%swap3A_125, %swap3A_126], %swap3A_129 {strides = array<i32>} : memref<64x128xbf16, #tpu.memory_space<vmem>>, vector<2x16xbf16>,
    }
    %scan3A_5 = arith.constant 32 : i32
    %mul3A_6 = arith.constant 640 : i32
    %mul3A_7 = arith.muli %arg1, %mul3A_6 : i32
    %add3A_8 = arith.constant 0 : i32
    %add3A_9 = arith.addi %mul3A_7, %add3A_8 : i32
    "tpu.region"() ({
      %run_scoped3A = tpu.sem_alloc : memref<!tpu.dma_semaphore, #tpu.memory_space<semaphore_mem>>
      %dma_start3A = arith.constant 0 : i32
      %dma_start3A_73 = arith.constant 0 : i32
      %dma_start3A_74 = tpu.memref_slice %arg8[%dma_start3A, %dma_start3A_73] : memref<64x128xbf16, #tpu.memory_space<vmem>> -> memref<64x128xbf16, #tpu.memory_space<vmem>>
      %dma_start3A_75 = arith.constant 0 : i32
      %dma_start3A_76 = tpu.memref_slice %arg12[%add3A_9, %dma_start3A_75] : memref<10240x128xbf16, #tpu.memory_space<vmem_shared>> -> memref<64x128xbf16, #tpu.memory_space<vmem_shared>>
      %dma_start3A_77 = arith.constant 0 : i32
      %dma_start3A_78 = tpu.memref_slice %arg12[%add3A_9, %dma_start3A_77] : memref<10240x128xbf16, #tpu.memory_space<vmem_shared>> -> memref<64x128xbf16, #tpu.memory_space<vmem_shared>>
      %dma_start3A_79 = arith.constant 0 : i32
      %dma_start3A_80 = arith.constant 0 : i32
      %dma_start3A_81 = tpu.memref_slice %arg8[%dma_start3A_79, %dma_start3A_80] : memref<64x128xbf16, #tpu.memory_space<vmem>> -> memref<64x128xbf16, #tpu.memory_space<vmem>>
      tpu.enqueue_dma source(%dma_start3A_81 : memref<64x128xbf16, #tpu.memory_space<vmem>>) target(%dma_start3A_78 : memref<64x128xbf16, #tpu.memory_space<vmem_shared>>) target_semaphore(%run_scoped3A : memref<!tpu.dma_semaphore, #tpu.memory_space<semaphore_mem>>)
      %dma_wait3A = arith.constant 0 : i32
      %dma_wait3A_82 = arith.constant 0 : i32
      %dma_wait3A_83 = tpu.memref_slice %arg8[%dma_wait3A, %dma_wait3A_82] : memref<64x128xbf16, #tpu.memory_space<vmem>> -> memref<64x128xbf16, #tpu.memory_space<vmem>>
      %dma_wait3A_84 = arith.constant 0 : i32
      %dma_wait3A_85 = tpu.memref_slice %arg12[%add3A_9, %dma_wait3A_84] : memref<10240x128xbf16, #tpu.memory_space<vmem_shared>> -> memref<64x128xbf16, #tpu.memory_space<vmem_shared>>
      %dma_wait3A_86 = arith.constant 0 : i32
      %dma_wait3A_87 = tpu.memref_slice %arg12[%add3A_9, %dma_wait3A_86] : memref<10240x128xbf16, #tpu.memory_space<vmem_shared>> -> memref<64x128xbf16, #tpu.memory_space<vmem_shared>>
      %dma_wait3A_88 = arith.constant 0 : i32
      %dma_wait3A_89 = arith.constant 0 : i32
      %dma_wait3A_90 = tpu.memref_slice %arg8[%dma_wait3A_88, %dma_wait3A_89] : memref<64x128xbf16, #tpu.memory_space<vmem>> -> memref<64x128xbf16, #tpu.memory_space<vmem>>
      tpu.wait_dma2 semaphore(%run_scoped3A : memref<!tpu.dma_semaphore, #tpu.memory_space<semaphore_mem>>) src(%dma_wait3A_90 : memref<64x128xbf16, #tpu.memory_space<vmem>>) dst(%dma_wait3A_87 : memref<64x128xbf16, #tpu.memory_space<vmem_shared>>)
      tpu.yield
    }) : () -> ()
    %mul3A_10 = arith.constant 640 : i32
    %mul3A_11 = arith.muli %arg1, %mul3A_10 : i32
    %add3A_12 = arith.constant 64 : i32
    %add3A_13 = arith.addi %mul3A_11, %add3A_12 : i32
    "tpu.region"() ({
      %run_scoped3A = tpu.sem_alloc : memref<!tpu.dma_semaphore, #tpu.memory_space<semaphore_mem>>
      %dma_start3A = arith.constant 0 : i32
      %dma_start3A_73 = arith.constant 0 : i32
      %dma_start3A_74 = tpu.memref_slice %arg8[%dma_start3A, %dma_start3A_73] : memref<64x128xbf16, #tpu.memory_space<vmem>> -> memref<64x128xbf16, #tpu.memory_space<vmem>>
      %dma_start3A_75 = arith.constant 0 : i32
      %dma_start3A_76 = tpu.memref_slice %arg12[%add3A_13, %dma_start3A_75] : memref<10240x128xbf16, #tpu.memory_space<vmem_shared>> -> memref<64x128xbf16, #tpu.memory_space<vmem_shared>>
      %dma_start3A_77 = arith.constant 0 : i32
      %dma_start3A_78 = tpu.memref_slice %arg12[%add3A_13, %dma_start3A_77] : memref<10240x128xbf16, #tpu.memory_space<vmem_shared>> -> memref<64x128xbf16, #tpu.memory_space<vmem_shared>>
      %dma_start3A_79 = arith.constant 0 : i32
      %dma_start3A_80 = arith.constant 0 : i32
      %dma_start3A_81 = tpu.memref_slice %arg8[%dma_start3A_79, %dma_start3A_80] : memref<64x128xbf16, #tpu.memory_space<vmem>> -> memref<64x128xbf16, #tpu.memory_space<vmem>>
      tpu.enqueue_dma source(%dma_start3A_81 : memref<64x128xbf16, #tpu.memory_space<vmem>>) target(%dma_start3A_78 : memref<64x128xbf16, #tpu.memory_space<vmem_shared>>) target_semaphore(%run_scoped3A : memref<!tpu.dma_semaphore, #tpu.memory_space<semaphore_mem>>)
      %dma_wait3A = arith.constant 0 : i32
      %dma_wait3A_82 = arith.constant 0 : i32
      %dma_wait3A_83 = tpu.memref_slice %arg8[%dma_wait3A, %dma_wait3A_82] : memref<64x128xbf16, #tpu.memory_space<vmem>> -> memref<64x128xbf16, #tpu.memory_space<vmem>>
      %dma_wait3A_84 = arith.constant 0 : i32
      %dma_wait3A_85 = tpu.memref_slice %arg12[%add3A_13, %dma_wait3A_84] : memref<10240x128xbf16, #tpu.memory_space<vmem_shared>> -> memref<64x128xbf16, #tpu.memory_space<vmem_shared>>
      %dma_wait3A_86 = arith.constant 0 : i32
      %dma_wait3A_87 = tpu.memref_slice %arg12[%add3A_13, %dma_wait3A_86] : memref<10240x128xbf16, #tpu.memory_space<vmem_shared>> -> memref<64x128xbf16, #tpu.memory_space<vmem_shared>>
      %dma_wait3A_88 = arith.constant 0 : i32
      %dma_wait3A_89 = arith.constant 0 : i32
      %dma_wait3A_90 = tpu.memref_slice %arg8[%dma_wait3A_88, %dma_wait3A_89] : memref<64x128xbf16, #tpu.memory_space<vmem>> -> memref<64x128xbf16, #tpu.memory_space<vmem>>
      tpu.wait_dma2 semaphore(%run_scoped3A : memref<!tpu.dma_semaphore, #tpu.memory_space<semaphore_mem>>) src(%dma_wait3A_90 : memref<64x128xbf16, #tpu.memory_space<vmem>>) dst(%dma_wait3A_87 : memref<64x128xbf16, #tpu.memory_space<vmem_shared>>)
      tpu.yield
    }) : () -> ()
    %mul3A_14 = arith.constant 640 : i32
    %mul3A_15 = arith.muli %arg1, %mul3A_14 : i32
    %add3A_16 = arith.constant 128 : i32
    %add3A_17 = arith.addi %mul3A_15, %add3A_16 : i32
    "tpu.region"() ({
      %run_scoped3A = tpu.sem_alloc : memref<!tpu.dma_semaphore, #tpu.memory_space<semaphore_mem>>
      %dma_start3A = arith.constant 0 : i32
      %dma_start3A_73 = arith.constant 0 : i32
      %dma_start3A_74 = tpu.memref_slice %arg8[%dma_start3A, %dma_start3A_73] : memref<64x128xbf16, #tpu.memory_space<vmem>> -> memref<64x128xbf16, #tpu.memory_space<vmem>>
      %dma_start3A_75 = arith.constant 0 : i32
      %dma_start3A_76 = tpu.memref_slice %arg12[%add3A_17, %dma_start3A_75] : memref<10240x128xbf16, #tpu.memory_space<vmem_shared>> -> memref<64x128xbf16, #tpu.memory_space<vmem_shared>>
      %dma_start3A_77 = arith.constant 0 : i32
      %dma_start3A_78 = tpu.memref_slice %arg12[%add3A_17, %dma_start3A_77] : memref<10240x128xbf16, #tpu.memory_space<vmem_shared>> -> memref<64x128xbf16, #tpu.memory_space<vmem_shared>>
      %dma_start3A_79 = arith.constant 0 : i32
      %dma_start3A_80 = arith.constant 0 : i32
      %dma_start3A_81 = tpu.memref_slice %arg8[%dma_start3A_79, %dma_start3A_80] : memref<64x128xbf16, #tpu.memory_space<vmem>> -> memref<64x128xbf16, #tpu.memory_space<vmem>>
      tpu.enqueue_dma source(%dma_start3A_81 : memref<64x128xbf16, #tpu.memory_space<vmem>>) target(%dma_start3A_78 : memref<64x128xbf16, #tpu.memory_space<vmem_shared>>) target_semaphore(%run_scoped3A : memref<!tpu.dma_semaphore, #tpu.memory_space<semaphore_mem>>)
      %dma_wait3A = arith.constant 0 : i32
      %dma_wait3A_82 = arith.constant 0 : i32
      %dma_wait3A_83 = tpu.memref_slice %arg8[%dma_wait3A, %dma_wait3A_82] : memref<64x128xbf16, #tpu.memory_space<vmem>> -> memref<64x128xbf16, #tpu.memory_space<vmem>>
      %dma_wait3A_84 = arith.constant 0 : i32
      %dma_wait3A_85 = tpu.memref_slice %arg12[%add3A_17, %dma_wait3A_84] : memref<10240x128xbf16, #tpu.memory_space<vmem_shared>> -> memref<64x128xbf16, #tpu.memory_space<vmem_shared>>
      %dma_wait3A_86 = arith.constant 0 : i32
      %dma_wait3A_87 = tpu.memref_slice %arg12[%add3A_17, %dma_wait3A_86] : memref<10240x128xbf16, #tpu.memory_space<vmem_shared>> -> memref<64x128xbf16, #tpu.memory_space<vmem_shared>>
      %dma_wait3A_88 = arith.constant 0 : i32
      %dma_wait3A_89 = arith.constant 0 : i32
      %dma_wait3A_90 = tpu.memref_slice %arg8[%dma_wait3A_88, %dma_wait3A_89] : memref<64x128xbf16, #tpu.memory_space<vmem>> -> memref<64x128xbf16, #tpu.memory_space<vmem>>
      tpu.wait_dma2 semaphore(%run_scoped3A : memref<!tpu.dma_semaphore, #tpu.memory_space<semaphore_mem>>) src(%dma_wait3A_90 : memref<64x128xbf16, #tpu.memory_space<vmem>>) dst(%dma_wait3A_87 : memref<64x128xbf16, #tpu.memory_space<vmem_shared>>)
      tpu.yield
    }) : () -> ()
    %mul3A_18 = arith.constant 640 : i32
    %mul3A_19 = arith.muli %arg1, %mul3A_18 : i32
    %add3A_20 = arith.constant 192 : i32
    %add3A_21 = arith.addi %mul3A_19, %add3A_20 : i32
    "tpu.region"() ({
      %run_scoped3A = tpu.sem_alloc : memref<!tpu.dma_semaphore, #tpu.memory_space<semaphore_mem>>
      %dma_start3A = arith.constant 0 : i32
      %dma_start3A_73 = arith.constant 0 : i32
      %dma_start3A_74 = tpu.memref_slice %arg8[%dma_start3A, %dma_start3A_73] : memref<64x128xbf16, #tpu.memory_space<vmem>> -> memref<64x128xbf16, #tpu.memory_space<vmem>>
      %dma_start3A_75 = arith.constant 0 : i32
      %dma_start3A_76 = tpu.memref_slice %arg12[%add3A_21, %dma_start3A_75] : memref<10240x128xbf16, #tpu.memory_space<vmem_shared>> -> memref<64x128xbf16, #tpu.memory_space<vmem_shared>>
      %dma_start3A_77 = arith.constant 0 : i32
      %dma_start3A_78 = tpu.memref_slice %arg12[%add3A_21, %dma_start3A_77] : memref<10240x128xbf16, #tpu.memory_space<vmem_shared>> -> memref<64x128xbf16, #tpu.memory_space<vmem_shared>>
      %dma_start3A_79 = arith.constant 0 : i32
      %dma_start3A_80 = arith.constant 0 : i32
      %dma_start3A_81 = tpu.memref_slice %arg8[%dma_start3A_79, %dma_start3A_80] : memref<64x128xbf16, #tpu.memory_space<vmem>> -> memref<64x128xbf16, #tpu.memory_space<vmem>>
      tpu.enqueue_dma source(%dma_start3A_81 : memref<64x128xbf16, #tpu.memory_space<vmem>>) target(%dma_start3A_78 : memref<64x128xbf16, #tpu.memory_space<vmem_shared>>) target_semaphore(%run_scoped3A : memref<!tpu.dma_semaphore, #tpu.memory_space<semaphore_mem>>)
      %dma_wait3A = arith.constant 0 : i32
      %dma_wait3A_82 = arith.constant 0 : i32
      %dma_wait3A_83 = tpu.memref_slice %arg8[%dma_wait3A, %dma_wait3A_82] : memref<64x128xbf16, #tpu.memory_space<vmem>> -> memref<64x128xbf16, #tpu.memory_space<vmem>>
      %dma_wait3A_84 = arith.constant 0 : i32
      %dma_wait3A_85 = tpu.memref_slice %arg12[%add3A_21, %dma_wait3A_84] : memref<10240x128xbf16, #tpu.memory_space<vmem_shared>> -> memref<64x128xbf16, #tpu.memory_space<vmem_shared>>
      %dma_wait3A_86 = arith.constant 0 : i32
      %dma_wait3A_87 = tpu.memref_slice %arg12[%add3A_21, %dma_wait3A_86] : memref<10240x128xbf16, #tpu.memory_space<vmem_shared>> -> memref<64x128xbf16, #tpu.memory_space<vmem_shared>>
      %dma_wait3A_88 = arith.constant 0 : i32
      %dma_wait3A_89 = arith.constant 0 : i32
      %dma_wait3A_90 = tpu.memref_slice %arg8[%dma_wait3A_88, %dma_wait3A_89] : memref<64x128xbf16, #tpu.memory_space<vmem>> -> memref<64x128xbf16, #tpu.memory_space<vmem>>
      tpu.wait_dma2 semaphore(%run_scoped3A : memref<!tpu.dma_semaphore, #tpu.memory_space<semaphore_mem>>) src(%dma_wait3A_90 : memref<64x128xbf16, #tpu.memory_space<vmem>>) dst(%dma_wait3A_87 : memref<64x128xbf16, #tpu.memory_space<vmem_shared>>)
      tpu.yield
    }) : () -> ()
    %mul3A_22 = arith.constant 640 : i32
    %mul3A_23 = arith.muli %arg1, %mul3A_22 : i32
    %add3A_24 = arith.constant 256 : i32
    %add3A_25 = arith.addi %mul3A_23, %add3A_24 : i32
    "tpu.region"() ({
      %run_scoped3A = tpu.sem_alloc : memref<!tpu.dma_semaphore, #tpu.memory_space<semaphore_mem>>
      %dma_start3A = arith.constant 0 : i32
      %dma_start3A_73 = arith.constant 0 : i32
      %dma_start3A_74 = tpu.memref_slice %arg8[%dma_start3A, %dma_start3A_73] : memref<64x128xbf16, #tpu.memory_space<vmem>> -> memref<64x128xbf16, #tpu.memory_space<vmem>>
      %dma_start3A_75 = arith.constant 0 : i32
      %dma_start3A_76 = tpu.memref_slice %arg12[%add3A_25, %dma_start3A_75] : memref<10240x128xbf16, #tpu.memory_space<vmem_shared>> -> memref<64x128xbf16, #tpu.memory_space<vmem_shared>>
      %dma_start3A_77 = arith.constant 0 : i32
      %dma_start3A_78 = tpu.memref_slice %arg12[%add3A_25, %dma_start3A_77] : memref<10240x128xbf16, #tpu.memory_space<vmem_shared>> -> memref<64x128xbf16, #tpu.memory_space<vmem_shared>>
      %dma_start3A_79 = arith.constant 0 : i32
      %dma_start3A_80 = arith.constant 0 : i32
      %dma_start3A_81 = tpu.memref_slice %arg8[%dma_start3A_79, %dma_start3A_80] : memref<64x128xbf16, #tpu.memory_space<vmem>> -> memref<64x128xbf16, #tpu.memory_space<vmem>>
      tpu.enqueue_dma source(%dma_start3A_81 : memref<64x128xbf16, #tpu.memory_space<vmem>>) target(%dma_start3A_78 : memref<64x128xbf16, #tpu.memory_space<vmem_shared>>) target_semaphore(%run_scoped3A : memref<!tpu.dma_semaphore, #tpu.memory_space<semaphore_mem>>)
      %dma_wait3A = arith.constant 0 : i32
      %dma_wait3A_82 = arith.constant 0 : i32
      %dma_wait3A_83 = tpu.memref_slice %arg8[%dma_wait3A, %dma_wait3A_82] : memref<64x128xbf16, #tpu.memory_space<vmem>> -> memref<64x128xbf16, #tpu.memory_space<vmem>>
      %dma_wait3A_84 = arith.constant 0 : i32
      %dma_wait3A_85 = tpu.memref_slice %arg12[%add3A_25, %dma_wait3A_84] : memref<10240x128xbf16, #tpu.memory_space<vmem_shared>> -> memref<64x128xbf16, #tpu.memory_space<vmem_shared>>
      %dma_wait3A_86 = arith.constant 0 : i32
      %dma_wait3A_87 = tpu.memref_slice %arg12[%add3A_25, %dma_wait3A_86] : memref<10240x128xbf16, #tpu.memory_space<vmem_shared>> -> memref<64x128xbf16, #tpu.memory_space<vmem_shared>>
      %dma_wait3A_88 = arith.constant 0 : i32
      %dma_wait3A_89 = arith.constant 0 : i32
      %dma_wait3A_90 = tpu.memref_slice %arg8[%dma_wait3A_88, %dma_wait3A_89] : memref<64x128xbf16, #tpu.memory_space<vmem>> -> memref<64x128xbf16, #tpu.memory_space<vmem>>
      tpu.wait_dma2 semaphore(%run_scoped3A : memref<!tpu.dma_semaphore, #tpu.memory_space<semaphore_mem>>) src(%dma_wait3A_90 : memref<64x128xbf16, #tpu.memory_space<vmem>>) dst(%dma_wait3A_87 : memref<64x128xbf16, #tpu.memory_space<vmem_shared>>)
      tpu.yield
    }) : () -> ()
    %mul3A_26 = arith.constant 640 : i32
    %mul3A_27 = arith.muli %arg1, %mul3A_26 : i32
    %add3A_28 = arith.constant 320 : i32
    %add3A_29 = arith.addi %mul3A_27, %add3A_28 : i32
    "tpu.region"() ({
      %run_scoped3A = tpu.sem_alloc : memref<!tpu.dma_semaphore, #tpu.memory_space<semaphore_mem>>
      %dma_start3A = arith.constant 0 : i32
      %dma_start3A_73 = arith.constant 0 : i32
      %dma_start3A_74 = tpu.memref_slice %arg8[%dma_start3A, %dma_start3A_73] : memref<64x128xbf16, #tpu.memory_space<vmem>> -> memref<64x128xbf16, #tpu.memory_space<vmem>>
      %dma_start3A_75 = arith.constant 0 : i32
      %dma_start3A_76 = tpu.memref_slice %arg12[%add3A_29, %dma_start3A_75] : memref<10240x128xbf16, #tpu.memory_space<vmem_shared>> -> memref<64x128xbf16, #tpu.memory_space<vmem_shared>>
      %dma_start3A_77 = arith.constant 0 : i32
      %dma_start3A_78 = tpu.memref_slice %arg12[%add3A_29, %dma_start3A_77] : memref<10240x128xbf16, #tpu.memory_space<vmem_shared>> -> memref<64x128xbf16, #tpu.memory_space<vmem_shared>>
      %dma_start3A_79 = arith.constant 0 : i32
      %dma_start3A_80 = arith.constant 0 : i32
      %dma_start3A_81 = tpu.memref_slice %arg8[%dma_start3A_79, %dma_start3A_80] : memref<64x128xbf16, #tpu.memory_space<vmem>> -> memref<64x128xbf16, #tpu.memory_space<vmem>>
      tpu.enqueue_dma source(%dma_start3A_81 : memref<64x128xbf16, #tpu.memory_space<vmem>>) target(%dma_start3A_78 : memref<64x128xbf16, #tpu.memory_space<vmem_shared>>) target_semaphore(%run_scoped3A : memref<!tpu.dma_semaphore, #tpu.memory_space<semaphore_mem>>)
      %dma_wait3A = arith.constant 0 : i32
      %dma_wait3A_82 = arith.constant 0 : i32
      %dma_wait3A_83 = tpu.memref_slice %arg8[%dma_wait3A, %dma_wait3A_82] : memref<64x128xbf16, #tpu.memory_space<vmem>> -> memref<64x128xbf16, #tpu.memory_space<vmem>>
      %dma_wait3A_84 = arith.constant 0 : i32
      %dma_wait3A_85 = tpu.memref_slice %arg12[%add3A_29, %dma_wait3A_84] : memref<10240x128xbf16, #tpu.memory_space<vmem_shared>> -> memref<64x128xbf16, #tpu.memory_space<vmem_shared>>
      %dma_wait3A_86 = arith.constant 0 : i32
      %dma_wait3A_87 = tpu.memref_slice %arg12[%add3A_29, %dma_wait3A_86] : memref<10240x128xbf16, #tpu.memory_space<vmem_shared>> -> memref<64x128xbf16, #tpu.memory_space<vmem_shared>>
      %dma_wait3A_88 = arith.constant 0 : i32
      %dma_wait3A_89 = arith.constant 0 : i32
      %dma_wait3A_90 = tpu.memref_slice %arg8[%dma_wait3A_88, %dma_wait3A_89] : memref<64x128xbf16, #tpu.memory_space<vmem>> -> memref<64x128xbf16, #tpu.memory_space<vmem>>
      tpu.wait_dma2 semaphore(%run_scoped3A : memref<!tpu.dma_semaphore, #tpu.memory_space<semaphore_mem>>) src(%dma_wait3A_90 : memref<64x128xbf16, #tpu.memory_space<vmem>>) dst(%dma_wait3A_87 : memref<64x128xbf16, #tpu.memory_space<vmem_shared>>)
      tpu.yield
    }) : () -> ()
    %mul3A_30 = arith.constant 640 : i32
    %mul3A_31 = arith.muli %arg1, %mul3A_30 : i32
    %add3A_32 = arith.constant 384 : i32
    %add3A_33 = arith.addi %mul3A_31, %add3A_32 : i32
    "tpu.region"() ({
      %run_scoped3A = tpu.sem_alloc : memref<!tpu.dma_semaphore, #tpu.memory_space<semaphore_mem>>
      %dma_start3A = arith.constant 0 : i32
      %dma_start3A_73 = arith.constant 0 : i32
      %dma_start3A_74 = tpu.memref_slice %arg8[%dma_start3A, %dma_start3A_73] : memref<64x128xbf16, #tpu.memory_space<vmem>> -> memref<64x128xbf16, #tpu.memory_space<vmem>>
      %dma_start3A_75 = arith.constant 0 : i32
      %dma_start3A_76 = tpu.memref_slice %arg12[%add3A_33, %dma_start3A_75] : memref<10240x128xbf16, #tpu.memory_space<vmem_shared>> -> memref<64x128xbf16, #tpu.memory_space<vmem_shared>>
      %dma_start3A_77 = arith.constant 0 : i32
      %dma_start3A_78 = tpu.memref_slice %arg12[%add3A_33, %dma_start3A_77] : memref<10240x128xbf16, #tpu.memory_space<vmem_shared>> -> memref<64x128xbf16, #tpu.memory_space<vmem_shared>>
      %dma_start3A_79 = arith.constant 0 : i32
      %dma_start3A_80 = arith.constant 0 : i32
      %dma_start3A_81 = tpu.memref_slice %arg8[%dma_start3A_79, %dma_start3A_80] : memref<64x128xbf16, #tpu.memory_space<vmem>> -> memref<64x128xbf16, #tpu.memory_space<vmem>>
      tpu.enqueue_dma source(%dma_start3A_81 : memref<64x128xbf16, #tpu.memory_space<vmem>>) target(%dma_start3A_78 : memref<64x128xbf16, #tpu.memory_space<vmem_shared>>) target_semaphore(%run_scoped3A : memref<!tpu.dma_semaphore, #tpu.memory_space<semaphore_mem>>)
      %dma_wait3A = arith.constant 0 : i32
      %dma_wait3A_82 = arith.constant 0 : i32
      %dma_wait3A_83 = tpu.memref_slice %arg8[%dma_wait3A, %dma_wait3A_82] : memref<64x128xbf16, #tpu.memory_space<vmem>> -> memref<64x128xbf16, #tpu.memory_space<vmem>>
      %dma_wait3A_84 = arith.constant 0 : i32
      %dma_wait3A_85 = tpu.memref_slice %arg12[%add3A_33, %dma_wait3A_84] : memref<10240x128xbf16, #tpu.memory_space<vmem_shared>> -> memref<64x128xbf16, #tpu.memory_space<vmem_shared>>
      %dma_wait3A_86 = arith.constant 0 : i32
      %dma_wait3A_87 = tpu.memref_slice %arg12[%add3A_33, %dma_wait3A_86] : memref<10240x128xbf16, #tpu.memory_space<vmem_shared>> -> memref<64x128xbf16, #tpu.memory_space<vmem_shared>>
      %dma_wait3A_88 = arith.constant 0 : i32
      %dma_wait3A_89 = arith.constant 0 : i32
      %dma_wait3A_90 = tpu.memref_slice %arg8[%dma_wait3A_88, %dma_wait3A_89] : memref<64x128xbf16, #tpu.memory_space<vmem>> -> memref<64x128xbf16, #tpu.memory_space<vmem>>
      tpu.wait_dma2 semaphore(%run_scoped3A : memref<!tpu.dma_semaphore, #tpu.memory_space<semaphore_mem>>) src(%dma_wait3A_90 : memref<64x128xbf16, #tpu.memory_space<vmem>>) dst(%dma_wait3A_87 : memref<64x128xbf16, #tpu.memory_space<vmem_shared>>)
      tpu.yield
    }) : () -> ()
    %mul3A_34 = arith.constant 640 : i32
    %mul3A_35 = arith.muli %arg1, %mul3A_34 : i32
    %add3A_36 = arith.constant 448 : i32
    %add3A_37 = arith.addi %mul3A_35, %add3A_36 : i32
    "tpu.region"() ({
      %run_scoped3A = tpu.sem_alloc : memref<!tpu.dma_semaphore, #tpu.memory_space<semaphore_mem>>
      %dma_start3A = arith.constant 0 : i32
      %dma_start3A_73 = arith.constant 0 : i32
      %dma_start3A_74 = tpu.memref_slice %arg8[%dma_start3A, %dma_start3A_73] : memref<64x128xbf16, #tpu.memory_space<vmem>> -> memref<64x128xbf16, #tpu.memory_space<vmem>>
      %dma_start3A_75 = arith.constant 0 : i32
      %dma_start3A_76 = tpu.memref_slice %arg12[%add3A_37, %dma_start3A_75] : memref<10240x128xbf16, #tpu.memory_space<vmem_shared>> -> memref<64x128xbf16, #tpu.memory_space<vmem_shared>>
      %dma_start3A_77 = arith.constant 0 : i32
      %dma_start3A_78 = tpu.memref_slice %arg12[%add3A_37, %dma_start3A_77] : memref<10240x128xbf16, #tpu.memory_space<vmem_shared>> -> memref<64x128xbf16, #tpu.memory_space<vmem_shared>>
      %dma_start3A_79 = arith.constant 0 : i32
      %dma_start3A_80 = arith.constant 0 : i32
      %dma_start3A_81 = tpu.memref_slice %arg8[%dma_start3A_79, %dma_start3A_80] : memref<64x128xbf16, #tpu.memory_space<vmem>> -> memref<64x128xbf16, #tpu.memory_space<vmem>>
      tpu.enqueue_dma source(%dma_start3A_81 : memref<64x128xbf16, #tpu.memory_space<vmem>>) target(%dma_start3A_78 : memref<64x128xbf16, #tpu.memory_space<vmem_shared>>) target_semaphore(%run_scoped3A : memref<!tpu.dma_semaphore, #tpu.memory_space<semaphore_mem>>)
      %dma_wait3A = arith.constant 0 : i32
      %dma_wait3A_82 = arith.constant 0 : i32
      %dma_wait3A_83 = tpu.memref_slice %arg8[%dma_wait3A, %dma_wait3A_82] : memref<64x128xbf16, #tpu.memory_space<vmem>> -> memref<64x128xbf16, #tpu.memory_space<vmem>>
      %dma_wait3A_84 = arith.constant 0 : i32
      %dma_wait3A_85 = tpu.memref_slice %arg12[%add3A_37, %dma_wait3A_84] : memref<10240x128xbf16, #tpu.memory_space<vmem_shared>> -> memref<64x128xbf16, #tpu.memory_space<vmem_shared>>
      %dma_wait3A_86 = arith.constant 0 : i32
      %dma_wait3A_87 = tpu.memref_slice %arg12[%add3A_37, %dma_wait3A_86] : memref<10240x128xbf16, #tpu.memory_space<vmem_shared>> -> memref<64x128xbf16, #tpu.memory_space<vmem_shared>>
      %dma_wait3A_88 = arith.constant 0 : i32
      %dma_wait3A_89 = arith.constant 0 : i32
      %dma_wait3A_90 = tpu.memref_slice %arg8[%dma_wait3A_88, %dma_wait3A_89] : memref<64x128xbf16, #tpu.memory_space<vmem>> -> memref<64x128xbf16, #tpu.memory_space<vmem>>
      tpu.wait_dma2 semaphore(%run_scoped3A : memref<!tpu.dma_semaphore, #tpu.memory_space<semaphore_mem>>) src(%dma_wait3A_90 : memref<64x128xbf16, #tpu.memory_space<vmem>>) dst(%dma_wait3A_87 : memref<64x128xbf16, #tpu.memory_space<vmem_shared>>)
      tpu.yield
    }) : () -> ()
    %mul3A_38 = arith.constant 640 : i32
    %mul3A_39 = arith.muli %arg1, %mul3A_38 : i32
    %add3A_40 = arith.constant 512 : i32
    %add3A_41 = arith.addi %mul3A_39, %add3A_40 : i32
    "tpu.region"() ({
      %run_scoped3A = tpu.sem_alloc : memref<!tpu.dma_semaphore, #tpu.memory_space<semaphore_mem>>
      %dma_start3A = arith.constant 0 : i32
      %dma_start3A_73 = arith.constant 0 : i32
      %dma_start3A_74 = tpu.memref_slice %arg8[%dma_start3A, %dma_start3A_73] : memref<64x128xbf16, #tpu.memory_space<vmem>> -> memref<64x128xbf16, #tpu.memory_space<vmem>>
      %dma_start3A_75 = arith.constant 0 : i32
      %dma_start3A_76 = tpu.memref_slice %arg12[%add3A_41, %dma_start3A_75] : memref<10240x128xbf16, #tpu.memory_space<vmem_shared>> -> memref<64x128xbf16, #tpu.memory_space<vmem_shared>>
      %dma_start3A_77 = arith.constant 0 : i32
      %dma_start3A_78 = tpu.memref_slice %arg12[%add3A_41, %dma_start3A_77] : memref<10240x128xbf16, #tpu.memory_space<vmem_shared>> -> memref<64x128xbf16, #tpu.memory_space<vmem_shared>>
      %dma_start3A_79 = arith.constant 0 : i32
      %dma_start3A_80 = arith.constant 0 : i32
      %dma_start3A_81 = tpu.memref_slice %arg8[%dma_start3A_79, %dma_start3A_80] : memref<64x128xbf16, #tpu.memory_space<vmem>> -> memref<64x128xbf16, #tpu.memory_space<vmem>>
      tpu.enqueue_dma source(%dma_start3A_81 : memref<64x128xbf16, #tpu.memory_space<vmem>>) target(%dma_start3A_78 : memref<64x128xbf16, #tpu.memory_space<vmem_shared>>) target_semaphore(%run_scoped3A : memref<!tpu.dma_semaphore, #tpu.memory_space<semaphore_mem>>)
      %dma_wait3A = arith.constant 0 : i32
      %dma_wait3A_82 = arith.constant 0 : i32
      %dma_wait3A_83 = tpu.memref_slice %arg8[%dma_wait3A, %dma_wait3A_82] : memref<64x128xbf16, #tpu.memory_space<vmem>> -> memref<64x128xbf16, #tpu.memory_space<vmem>>
      %dma_wait3A_84 = arith.constant 0 : i32
      %dma_wait3A_85 = tpu.memref_slice %arg12[%add3A_41, %dma_wait3A_84] : memref<10240x128xbf16, #tpu.memory_space<vmem_shared>> -> memref<64x128xbf16, #tpu.memory_space<vmem_shared>>
      %dma_wait3A_86 = arith.constant 0 : i32
      %dma_wait3A_87 = tpu.memref_slice %arg12[%add3A_41, %dma_wait3A_86] : memref<10240x128xbf16, #tpu.memory_space<vmem_shared>> -> memref<64x128xbf16, #tpu.memory_space<vmem_shared>>
      %dma_wait3A_88 = arith.constant 0 : i32
      %dma_wait3A_89 = arith.constant 0 : i32
      %dma_wait3A_90 = tpu.memref_slice %arg8[%dma_wait3A_88, %dma_wait3A_89] : memref<64x128xbf16, #tpu.memory_space<vmem>> -> memref<64x128xbf16, #tpu.memory_space<vmem>>
      tpu.wait_dma2 semaphore(%run_scoped3A : memref<!tpu.dma_semaphore, #tpu.memory_space<semaphore_mem>>) src(%dma_wait3A_90 : memref<64x128xbf16, #tpu.memory_space<vmem>>) dst(%dma_wait3A_87 : memref<64x128xbf16, #tpu.memory_space<vmem_shared>>)
      tpu.yield
    }) : () -> ()
    %mul3A_42 = arith.constant 640 : i32
    %mul3A_43 = arith.muli %arg1, %mul3A_42 : i32
    %add3A_44 = arith.constant 576 : i32
    %add3A_45 = arith.addi %mul3A_43, %add3A_44 : i32
    "tpu.region"() ({
      %run_scoped3A = tpu.sem_alloc : memref<!tpu.dma_semaphore, #tpu.memory_space<semaphore_mem>>
      %dma_start3A = arith.constant 0 : i32
      %dma_start3A_73 = arith.constant 0 : i32
      %dma_start3A_74 = tpu.memref_slice %arg8[%dma_start3A, %dma_start3A_73] : memref<64x128xbf16, #tpu.memory_space<vmem>> -> memref<64x128xbf16, #tpu.memory_space<vmem>>
      %dma_start3A_75 = arith.constant 0 : i32
      %dma_start3A_76 = tpu.memref_slice %arg12[%add3A_45, %dma_start3A_75] : memref<10240x128xbf16, #tpu.memory_space<vmem_shared>> -> memref<64x128xbf16, #tpu.memory_space<vmem_shared>>
      %dma_start3A_77 = arith.constant 0 : i32
      %dma_start3A_78 = tpu.memref_slice %arg12[%add3A_45, %dma_start3A_77] : memref<10240x128xbf16, #tpu.memory_space<vmem_shared>> -> memref<64x128xbf16, #tpu.memory_space<vmem_shared>>
      %dma_start3A_79 = arith.constant 0 : i32
      %dma_start3A_80 = arith.constant 0 : i32
      %dma_start3A_81 = tpu.memref_slice %arg8[%dma_start3A_79, %dma_start3A_80] : memref<64x128xbf16, #tpu.memory_space<vmem>> -> memref<64x128xbf16, #tpu.memory_space<vmem>>
      tpu.enqueue_dma source(%dma_start3A_81 : memref<64x128xbf16, #tpu.memory_space<vmem>>) target(%dma_start3A_78 : memref<64x128xbf16, #tpu.memory_space<vmem_shared>>) target_semaphore(%run_scoped3A : memref<!tpu.dma_semaphore, #tpu.memory_space<semaphore_mem>>)
      %dma_wait3A = arith.constant 0 : i32
      %dma_wait3A_82 = arith.constant 0 : i32
      %dma_wait3A_83 = tpu.memref_slice %arg8[%dma_wait3A, %dma_wait3A_82] : memref<64x128xbf16, #tpu.memory_space<vmem>> -> memref<64x128xbf16, #tpu.memory_space<vmem>>
      %dma_wait3A_84 = arith.constant 0 : i32
      %dma_wait3A_85 = tpu.memref_slice %arg12[%add3A_45, %dma_wait3A_84] : memref<10240x128xbf16, #tpu.memory_space<vmem_shared>> -> memref<64x128xbf16, #tpu.memory_space<vmem_shared>>
      %dma_wait3A_86 = arith.constant 0 : i32
      %dma_wait3A_87 = tpu.memref_slice %arg12[%add3A_45, %dma_wait3A_86] : memref<10240x128xbf16, #tpu.memory_space<vmem_shared>> -> memref<64x128xbf16, #tpu.memory_space<vmem_shared>>
      %dma_wait3A_88 = arith.constant 0 : i32
      %dma_wait3A_89 = arith.constant 0 : i32
      %dma_wait3A_90 = tpu.memref_slice %arg8[%dma_wait3A_88, %dma_wait3A_89] : memref<64x128xbf16, #tpu.memory_space<vmem>> -> memref<64x128xbf16, #tpu.memory_space<vmem>>
      tpu.wait_dma2 semaphore(%run_scoped3A : memref<!tpu.dma_semaphore, #tpu.memory_space<semaphore_mem>>) src(%dma_wait3A_90 : memref<64x128xbf16, #tpu.memory_space<vmem>>) dst(%dma_wait3A_87 : memref<64x128xbf16, #tpu.memory_space<vmem_shared>>)
      tpu.yield
    }) : () -> ()
    %barrier3A = arith.constant 0 : index
    tpu.barrier barrier_id(%barrier3A)
    %scan3A_46 = arith.constant 0 : i32
    %scan3A_47 = arith.constant 0 : i32
    %scan3A_48 = arith.constant 5 : i32
    %scan3A_49 = arith.addi %scan3A_47, %scan3A_48 : i32
    %scan3A_50 = arith.constant 1 : i32
    scf.for %scan3A_73 = %scan3A_47 to %scan3A_49 step %scan3A_50  : i32 {
      %mul3A_74 = arith.constant 160 : i32
      %mul3A_75 = arith.muli %add3A, %mul3A_74 : i32
      %mul3A_76 = arith.constant 32 : i32
      %mul3A_77 = arith.muli %scan3A_73, %mul3A_76 : i32
      %add3A_78 = arith.addi %mul3A_75, %mul3A_77 : i32
      "tpu.region"() ({
        %run_scoped3A = tpu.sem_alloc : memref<!tpu.dma_semaphore, #tpu.memory_space<semaphore_mem>>
        %dma_start3A_98 = arith.constant 0 : i32
        %dma_start3A_99 = tpu.memref_slice %arg2[%add3A_78, %dma_start3A_98] : memref<5120x64xi32, #tpu.memory_space<hbm>> -> memref<32x64xi32, #tpu.memory_space<hbm>>
        %dma_start3A_100 = arith.constant 0 : i32
        %dma_start3A_101 = tpu.memref_slice %arg2[%add3A_78, %dma_start3A_100] : memref<5120x64xi32, #tpu.memory_space<hbm>> -> memref<32x64xi32, #tpu.memory_space<hbm>>
        tpu.enqueue_dma source(%dma_start3A_101 : memref<32x64xi32, #tpu.memory_space<hbm>>) target(%arg6 : memref<32x64xi32, #tpu.memory_space<vmem>>) target_semaphore(%run_scoped3A : memref<!tpu.dma_semaphore, #tpu.memory_space<semaphore_mem>>)
        %dma_wait3A = arith.constant 0 : i32
        %dma_wait3A_102 = tpu.memref_slice %arg2[%add3A_78, %dma_wait3A] : memref<5120x64xi32, #tpu.memory_space<hbm>> -> memref<32x64xi32, #tpu.memory_space<hbm>>
        %dma_wait3A_103 = arith.constant 0 : i32
        %dma_wait3A_104 = tpu.memref_slice %arg2[%add3A_78, %dma_wait3A_103] : memref<5120x64xi32, #tpu.memory_space<hbm>> -> memref<32x64xi32, #tpu.memory_space<hbm>>
        tpu.wait_dma2 semaphore(%run_scoped3A : memref<!tpu.dma_semaphore, #tpu.memory_space<semaphore_mem>>) src(%dma_wait3A_104 : memref<32x64xi32, #tpu.memory_space<hbm>>) dst(%arg6 : memref<32x64xi32, #tpu.memory_space<vmem>>)
        tpu.yield
      }) : () -> ()
      "tpu.region"() ({
        %run_scoped3A = tpu.sem_alloc : memref<!tpu.dma_semaphore, #tpu.memory_space<semaphore_mem>>
        %dma_start3A_98 = arith.constant 0 : i32
        %dma_start3A_99 = tpu.memref_slice %arg3[%add3A_78, %dma_start3A_98] : memref<5120x64xi32, #tpu.memory_space<hbm>> -> memref<32x64xi32, #tpu.memory_space<hbm>>
        %dma_start3A_100 = arith.constant 0 : i32
        %dma_start3A_101 = tpu.memref_slice %arg3[%add3A_78, %dma_start3A_100] : memref<5120x64xi32, #tpu.memory_space<hbm>> -> memref<32x64xi32, #tpu.memory_space<hbm>>
        tpu.enqueue_dma source(%dma_start3A_101 : memref<32x64xi32, #tpu.memory_space<hbm>>) target(%arg7 : memref<32x64xi32, #tpu.memory_space<vmem>>) target_semaphore(%run_scoped3A : memref<!tpu.dma_semaphore, #tpu.memory_space<semaphore_mem>>)
        %dma_wait3A = arith.constant 0 : i32
        %dma_wait3A_102 = tpu.memref_slice %arg3[%add3A_78, %dma_wait3A] : memref<5120x64xi32, #tpu.memory_space<hbm>> -> memref<32x64xi32, #tpu.memory_space<hbm>>
        %dma_wait3A_103 = arith.constant 0 : i32
        %dma_wait3A_104 = tpu.memref_slice %arg3[%add3A_78, %dma_wait3A_103] : memref<5120x64xi32, #tpu.memory_space<hbm>> -> memref<32x64xi32, #tpu.memory_space<hbm>>
        tpu.wait_dma2 semaphore(%run_scoped3A : memref<!tpu.dma_semaphore, #tpu.memory_space<semaphore_mem>>) src(%dma_wait3A_104 : memref<32x64xi32, #tpu.memory_space<hbm>>) dst(%arg7 : memref<32x64xi32, #tpu.memory_space<vmem>>)
        tpu.yield
      }) : () -> ()
      %dma_start3A = arith.constant 0 : i32
      %dma_start3A_79 = arith.constant 0 : i32
      %dma_start3A_80 = tpu.memref_slice %arg6[%dma_start3A, %dma_start3A_79] : memref<32x64xi32, #tpu.memory_space<vmem>> -> memref<1x64xi32, #tpu.memory_space<vmem>>
      %dma_start3A_81 = tpu.memref_squeeze %dma_start3A_80 : memref<1x64xi32, #tpu.memory_space<vmem>> -> memref<64xi32, #tpu.memory_space<vmem>>
      %dma_start3A_82 = arith.constant 0 : i32
      %dma_start3A_83 = arith.constant 0 : i32
      %dma_start3A_84 = tpu.memref_slice %arg4[%dma_start3A_82, %dma_start3A_83] : memref<10240x128xbf16, #tpu.memory_space<hbm>> -> memref<10240x128xbf16, #tpu.memory_space<hbm>>
      tpu.enqueue_indirect_dma source(%dma_start3A_84 : memref<10240x128xbf16, #tpu.memory_space<hbm>>) target(%arg8 : memref<64x128xbf16, #tpu.memory_space<vmem>>) offsets(%dma_start3A_81 : memref<64xi32, #tpu.memory_space<vmem>>) semaphore(%arg13 : memref<!tpu.dma_semaphore, #tpu.memory_space<semaphore_mem>>)
      %dma_start3A_85 = arith.constant 1 : i32
      %dma_start3A_86 = arith.constant 0 : i32
      %dma_start3A_87 = tpu.memref_slice %arg6[%dma_start3A_85, %dma_start3A_86] : memref<32x64xi32, #tpu.memory_space<vmem>> -> memref<1x64xi32, #tpu.memory_space<vmem>>
      %dma_start3A_88 = tpu.memref_squeeze %dma_start3A_87 : memref<1x64xi32, #tpu.memory_space<vmem>> -> memref<64xi32, #tpu.memory_space<vmem>>
      %dma_start3A_89 = arith.constant 0 : i32
      %dma_start3A_90 = arith.constant 0 : i32
      %dma_start3A_91 = tpu.memref_slice %arg4[%dma_start3A_89, %dma_start3A_90] : memref<10240x128xbf16, #tpu.memory_space<hbm>> -> memref<10240x128xbf16, #tpu.memory_space<hbm>>
      tpu.enqueue_indirect_dma source(%dma_start3A_91 : memref<10240x128xbf16, #tpu.memory_space<hbm>>) target(%arg9 : memref<64x128xbf16, #tpu.memory_space<vmem>>) offsets(%dma_start3A_88 : memref<64xi32, #tpu.memory_space<vmem>>) semaphore(%arg14 : memref<!tpu.dma_semaphore, #tpu.memory_space<semaphore_mem>>)
      %scan3A_92 = arith.constant 0 : i32
      %scan3A_93 = arith.constant 0 : i32
      %scan3A_94 = arith.constant 8 : i32
      %scan3A_95 = arith.addi %scan3A_93, %scan3A_94 : i32
      %scan3A_96 = arith.constant 1 : i32
      scf.for %scan3A_98 = %scan3A_93 to %scan3A_95 step %scan3A_96  : i32 {
        %mul3A_99 = arith.constant 4 : i32
        %mul3A_100 = arith.muli %mul3A_99, %scan3A_98 : i32
        %add3A_101 = arith.constant 0 : i32
        %add3A_102 = arith.addi %mul3A_100, %add3A_101 : i32
        %dma_wait3A = arith.constant 0 : i32
        %dma_wait3A_103 = tpu.memref_slice %arg6[%add3A_102, %dma_wait3A] : memref<32x64xi32, #tpu.memory_space<vmem>> -> memref<1x64xi32, #tpu.memory_space<vmem>>
        %dma_wait3A_104 = tpu.memref_squeeze %dma_wait3A_103 : memref<1x64xi32, #tpu.memory_space<vmem>> -> memref<64xi32, #tpu.memory_space<vmem>>
        %dma_wait3A_105 = arith.constant 0 : i32
        %dma_wait3A_106 = arith.constant 0 : i32
        %dma_wait3A_107 = tpu.memref_slice %arg4[%dma_wait3A_105, %dma_wait3A_106] : memref<10240x128xbf16, #tpu.memory_space<hbm>> -> memref<10240x128xbf16, #tpu.memory_space<hbm>>
        tpu.wait_indirect_dma semaphore(%arg13 : memref<!tpu.dma_semaphore, #tpu.memory_space<semaphore_mem>>) src(%dma_wait3A_107 : memref<10240x128xbf16, #tpu.memory_space<hbm>>) dst(%arg8 : memref<64x128xbf16, #tpu.memory_space<vmem>>)
        %add3A_108 = arith.constant 2 : i32
        %add3A_109 = arith.addi %add3A_102, %add3A_108 : i32
        %lt3A = arith.constant 32 : i32
        %lt3A_110 = arith.cmpi slt, %add3A_109, %lt3A : i32
        %convert_element_type3A = arith.extui %lt3A_110 : i1 to i32
        %cond3A = arith.constant 0 : i32
        %cond3A_111 = arith.cmpi ne, %convert_element_type3A, %cond3A : i32
        scf.if %cond3A_111 {
          %dma_start3A_163 = arith.constant 0 : i32
          %dma_start3A_164 = tpu.memref_slice %arg6[%add3A_109, %dma_start3A_163] : memref<32x64xi32, #tpu.memory_space<vmem>> -> memref<1x64xi32, #tpu.memory_space<vmem>>
          %dma_start3A_165 = tpu.memref_squeeze %dma_start3A_164 : memref<1x64xi32, #tpu.memory_space<vmem>> -> memref<64xi32, #tpu.memory_space<vmem>>
          %dma_start3A_166 = arith.constant 0 : i32
          %dma_start3A_167 = arith.constant 0 : i32
          %dma_start3A_168 = tpu.memref_slice %arg4[%dma_start3A_166, %dma_start3A_167] : memref<10240x128xbf16, #tpu.memory_space<hbm>> -> memref<10240x128xbf16, #tpu.memory_space<hbm>>
          tpu.enqueue_indirect_dma source(%dma_start3A_168 : memref<10240x128xbf16, #tpu.memory_space<hbm>>) target(%arg10 : memref<64x128xbf16, #tpu.memory_space<vmem>>) offsets(%dma_start3A_165 : memref<64xi32, #tpu.memory_space<vmem>>) semaphore(%arg15 : memref<!tpu.dma_semaphore, #tpu.memory_space<semaphore_mem>>)
        } else {
        }
        "tpu.region"() ({
          %run_scoped3A = tpu.sem_alloc : memref<!tpu.dma_semaphore, #tpu.memory_space<semaphore_mem>>
          %dma_start3A_163 = arith.constant 0 : i32
          %dma_start3A_164 = tpu.memref_slice %arg7[%add3A_102, %dma_start3A_163] : memref<32x64xi32, #tpu.memory_space<vmem>> -> memref<1x64xi32, #tpu.memory_space<vmem>>
          %dma_start3A_165 = tpu.memref_squeeze %dma_start3A_164 : memref<1x64xi32, #tpu.memory_space<vmem>> -> memref<64xi32, #tpu.memory_space<vmem>>
          %dma_start3A_166 = arith.constant 0 : i32
          %dma_start3A_167 = arith.constant 0 : i32
          %dma_start3A_168 = tpu.memref_slice %arg12[%dma_start3A_166, %dma_start3A_167] : memref<10240x128xbf16, #tpu.memory_space<vmem_shared>> -> memref<10240x128xbf16, #tpu.memory_space<vmem_shared>>
          tpu.enqueue_indirect_dma source(%arg8 : memref<64x128xbf16, #tpu.memory_space<vmem>>) target(%dma_start3A_168 : memref<10240x128xbf16, #tpu.memory_space<vmem_shared>>) offsets(%dma_start3A_165 : memref<64xi32, #tpu.memory_space<vmem>>) semaphore(%run_scoped3A : memref<!tpu.dma_semaphore, #tpu.memory_space<semaphore_mem>>) {add = true}
          %dma_wait3A_169 = arith.constant 0 : i32
          %dma_wait3A_170 = tpu.memref_slice %arg7[%add3A_102, %dma_wait3A_169] : memref<32x64xi32, #tpu.memory_space<vmem>> -> memref<1x64xi32, #tpu.memory_space<vmem>>
          %dma_wait3A_171 = tpu.memref_squeeze %dma_wait3A_170 : memref<1x64xi32, #tpu.memory_space<vmem>> -> memref<64xi32, #tpu.memory_space<vmem>>
          %dma_wait3A_172 = arith.constant 0 : i32
          %dma_wait3A_173 = arith.constant 0 : i32
          %dma_wait3A_174 = tpu.memref_slice %arg12[%dma_wait3A_172, %dma_wait3A_173] : memref<10240x128xbf16, #tpu.memory_space<vmem_shared>> -> memref<10240x128xbf16, #tpu.memory_space<vmem_shared>>
          tpu.wait_indirect_dma semaphore(%run_scoped3A : memref<!tpu.dma_semaphore, #tpu.memory_space<semaphore_mem>>) src(%arg8 : memref<64x128xbf16, #tpu.memory_space<vmem>>) dst(%dma_wait3A_174 : memref<10240x128xbf16, #tpu.memory_space<vmem_shared>>)
          tpu.yield
        }) : () -> ()
        %mul3A_112 = arith.constant 4 : i32
        %mul3A_113 = arith.muli %mul3A_112, %scan3A_98 : i32
        %add3A_114 = arith.constant 1 : i32
        %add3A_115 = arith.addi %mul3A_113, %add3A_114 : i32
        %dma_wait3A_116 = arith.constant 0 : i32
        %dma_wait3A_117 = tpu.memref_slice %arg6[%add3A_115, %dma_wait3A_116] : memref<32x64xi32, #tpu.memory_space<vmem>> -> memref<1x64xi32, #tpu.memory_space<vmem>>
        %dma_wait3A_118 = tpu.memref_squeeze %dma_wait3A_117 : memref<1x64xi32, #tpu.memory_space<vmem>> -> memref<64xi32, #tpu.memory_space<vmem>>
        %dma_wait3A_119 = arith.constant 0 : i32
        %dma_wait3A_120 = arith.constant 0 : i32
        %dma_wait3A_121 = tpu.memref_slice %arg4[%dma_wait3A_119, %dma_wait3A_120] : memref<10240x128xbf16, #tpu.memory_space<hbm>> -> memref<10240x128xbf16, #tpu.memory_space<hbm>>
        tpu.wait_indirect_dma semaphore(%arg14 : memref<!tpu.dma_semaphore, #tpu.memory_space<semaphore_mem>>) src(%dma_wait3A_121 : memref<10240x128xbf16, #tpu.memory_space<hbm>>) dst(%arg9 : memref<64x128xbf16, #tpu.memory_space<vmem>>)
        %add3A_122 = arith.constant 2 : i32
        %add3A_123 = arith.addi %add3A_115, %add3A_122 : i32
        %lt3A_124 = arith.constant 32 : i32
        %lt3A_125 = arith.cmpi slt, %add3A_123, %lt3A_124 : i32
        %convert_element_type3A_126 = arith.extui %lt3A_125 : i1 to i32
        %cond3A_127 = arith.constant 0 : i32
        %cond3A_128 = arith.cmpi ne, %convert_element_type3A_126, %cond3A_127 : i32
        scf.if %cond3A_128 {
          %dma_start3A_163 = arith.constant 0 : i32
          %dma_start3A_164 = tpu.memref_slice %arg6[%add3A_123, %dma_start3A_163] : memref<32x64xi32, #tpu.memory_space<vmem>> -> memref<1x64xi32, #tpu.memory_space<vmem>>
          %dma_start3A_165 = tpu.memref_squeeze %dma_start3A_164 : memref<1x64xi32, #tpu.memory_space<vmem>> -> memref<64xi32, #tpu.memory_space<vmem>>
          %dma_start3A_166 = arith.constant 0 : i32
          %dma_start3A_167 = arith.constant 0 : i32
          %dma_start3A_168 = tpu.memref_slice %arg4[%dma_start3A_166, %dma_start3A_167] : memref<10240x128xbf16, #tpu.memory_space<hbm>> -> memref<10240x128xbf16, #tpu.memory_space<hbm>>
          tpu.enqueue_indirect_dma source(%dma_start3A_168 : memref<10240x128xbf16, #tpu.memory_space<hbm>>) target(%arg11 : memref<64x128xbf16, #tpu.memory_space<vmem>>) offsets(%dma_start3A_165 : memref<64xi32, #tpu.memory_space<vmem>>) semaphore(%arg16 : memref<!tpu.dma_semaphore, #tpu.memory_space<semaphore_mem>>)
        } else {
        }
        "tpu.region"() ({
          %run_scoped3A = tpu.sem_alloc : memref<!tpu.dma_semaphore, #tpu.memory_space<semaphore_mem>>
          %dma_start3A_163 = arith.constant 0 : i32
          %dma_start3A_164 = tpu.memref_slice %arg7[%add3A_115, %dma_start3A_163] : memref<32x64xi32, #tpu.memory_space<vmem>> -> memref<1x64xi32, #tpu.memory_space<vmem>>
          %dma_start3A_165 = tpu.memref_squeeze %dma_start3A_164 : memref<1x64xi32, #tpu.memory_space<vmem>> -> memref<64xi32, #tpu.memory_space<vmem>>
          %dma_start3A_166 = arith.constant 0 : i32
          %dma_start3A_167 = arith.constant 0 : i32
          %dma_start3A_168 = tpu.memref_slice %arg12[%dma_start3A_166, %dma_start3A_167] : memref<10240x128xbf16, #tpu.memory_space<vmem_shared>> -> memref<10240x128xbf16, #tpu.memory_space<vmem_shared>>
          tpu.enqueue_indirect_dma source(%arg9 : memref<64x128xbf16, #tpu.memory_space<vmem>>) target(%dma_start3A_168 : memref<10240x128xbf16, #tpu.memory_space<vmem_shared>>) offsets(%dma_start3A_165 : memref<64xi32, #tpu.memory_space<vmem>>) semaphore(%run_scoped3A : memref<!tpu.dma_semaphore, #tpu.memory_space<semaphore_mem>>) {add = true}
          %dma_wait3A_169 = arith.constant 0 : i32
          %dma_wait3A_170 = tpu.memref_slice %arg7[%add3A_115, %dma_wait3A_169] : memref<32x64xi32, #tpu.memory_space<vmem>> -> memref<1x64xi32, #tpu.memory_space<vmem>>
          %dma_wait3A_171 = tpu.memref_squeeze %dma_wait3A_170 : memref<1x64xi32, #tpu.memory_space<vmem>> -> memref<64xi32, #tpu.memory_space<vmem>>
          %dma_wait3A_172 = arith.constant 0 : i32
          %dma_wait3A_173 = arith.constant 0 : i32
          %dma_wait3A_174 = tpu.memref_slice %arg12[%dma_wait3A_172, %dma_wait3A_173] : memref<10240x128xbf16, #tpu.memory_space<vmem_shared>> -> memref<10240x128xbf16, #tpu.memory_space<vmem_shared>>
          tpu.wait_indirect_dma semaphore(%run_scoped3A : memref<!tpu.dma_semaphore, #tpu.memory_space<semaphore_mem>>) src(%arg9 : memref<64x128xbf16, #tpu.memory_space<vmem>>) dst(%dma_wait3A_174 : memref<10240x128xbf16, #tpu.memory_space<vmem_shared>>)
          tpu.yield
        }) : () -> ()
        %mul3A_129 = arith.constant 4 : i32
        %mul3A_130 = arith.muli %mul3A_129, %scan3A_98 : i32
        %add3A_131 = arith.constant 2 : i32
        %add3A_132 = arith.addi %mul3A_130, %add3A_131 : i32
        %dma_wait3A_133 = arith.constant 0 : i32
        %dma_wait3A_134 = tpu.memref_slice %arg6[%add3A_132, %dma_wait3A_133] : memref<32x64xi32, #tpu.memory_space<vmem>> -> memref<1x64xi32, #tpu.memory_space<vmem>>
        %dma_wait3A_135 = tpu.memref_squeeze %dma_wait3A_134 : memref<1x64xi32, #tpu.memory_space<vmem>> -> memref<64xi32, #tpu.memory_space<vmem>>
        %dma_wait3A_136 = arith.constant 0 : i32
        %dma_wait3A_137 = arith.constant 0 : i32
        %dma_wait3A_138 = tpu.memref_slice %arg4[%dma_wait3A_136, %dma_wait3A_137] : memref<10240x128xbf16, #tpu.memory_space<hbm>> -> memref<10240x128xbf16, #tpu.memory_space<hbm>>
        tpu.wait_indirect_dma semaphore(%arg15 : memref<!tpu.dma_semaphore, #tpu.memory_space<semaphore_mem>>) src(%dma_wait3A_138 : memref<10240x128xbf16, #tpu.memory_space<hbm>>) dst(%arg10 : memref<64x128xbf16, #tpu.memory_space<vmem>>)
        %add3A_139 = arith.constant 2 : i32
        %add3A_140 = arith.addi %add3A_132, %add3A_139 : i32
        %lt3A_141 = arith.constant 32 : i32
        %lt3A_142 = arith.cmpi slt, %add3A_140, %lt3A_141 : i32
        %convert_element_type3A_143 = arith.extui %lt3A_142 : i1 to i32
        %cond3A_144 = arith.constant 0 : i32
        %cond3A_145 = arith.cmpi ne, %convert_element_type3A_143, %cond3A_144 : i32
        scf.if %cond3A_145 {
          %dma_start3A_163 = arith.constant 0 : i32
          %dma_start3A_164 = tpu.memref_slice %arg6[%add3A_140, %dma_start3A_163] : memref<32x64xi32, #tpu.memory_space<vmem>> -> memref<1x64xi32, #tpu.memory_space<vmem>>
          %dma_start3A_165 = tpu.memref_squeeze %dma_start3A_164 : memref<1x64xi32, #tpu.memory_space<vmem>> -> memref<64xi32, #tpu.memory_space<vmem>>
          %dma_start3A_166 = arith.constant 0 : i32
          %dma_start3A_167 = arith.constant 0 : i32
          %dma_start3A_168 = tpu.memref_slice %arg4[%dma_start3A_166, %dma_start3A_167] : memref<10240x128xbf16, #tpu.memory_space<hbm>> -> memref<10240x128xbf16, #tpu.memory_space<hbm>>
          tpu.enqueue_indirect_dma source(%dma_start3A_168 : memref<10240x128xbf16, #tpu.memory_space<hbm>>) target(%arg8 : memref<64x128xbf16, #tpu.memory_space<vmem>>) offsets(%dma_start3A_165 : memref<64xi32, #tpu.memory_space<vmem>>) semaphore(%arg13 : memref<!tpu.dma_semaphore, #tpu.memory_space<semaphore_mem>>)
        } else {
        }
        "tpu.region"() ({
          %run_scoped3A = tpu.sem_alloc : memref<!tpu.dma_semaphore, #tpu.memory_space<semaphore_mem>>
          %dma_start3A_163 = arith.constant 0 : i32
          %dma_start3A_164 = tpu.memref_slice %arg7[%add3A_132, %dma_start3A_163] : memref<32x64xi32, #tpu.memory_space<vmem>> -> memref<1x64xi32, #tpu.memory_space<vmem>>
          %dma_start3A_165 = tpu.memref_squeeze %dma_start3A_164 : memref<1x64xi32, #tpu.memory_space<vmem>> -> memref<64xi32, #tpu.memory_space<vmem>>
          %dma_start3A_166 = arith.constant 0 : i32
          %dma_start3A_167 = arith.constant 0 : i32
          %dma_start3A_168 = tpu.memref_slice %arg12[%dma_start3A_166, %dma_start3A_167] : memref<10240x128xbf16, #tpu.memory_space<vmem_shared>> -> memref<10240x128xbf16, #tpu.memory_space<vmem_shared>>
          tpu.enqueue_indirect_dma source(%arg10 : memref<64x128xbf16, #tpu.memory_space<vmem>>) target(%dma_start3A_168 : memref<10240x128xbf16, #tpu.memory_space<vmem_shared>>) offsets(%dma_start3A_165 : memref<64xi32, #tpu.memory_space<vmem>>) semaphore(%run_scoped3A : memref<!tpu.dma_semaphore, #tpu.memory_space<semaphore_mem>>) {add = true}
          %dma_wait3A_169 = arith.constant 0 : i32
          %dma_wait3A_170 = tpu.memref_slice %arg7[%add3A_132, %dma_wait3A_169] : memref<32x64xi32, #tpu.memory_space<vmem>> -> memref<1x64xi32, #tpu.memory_space<vmem>>
          %dma_wait3A_171 = tpu.memref_squeeze %dma_wait3A_170 : memref<1x64xi32, #tpu.memory_space<vmem>> -> memref<64xi32, #tpu.memory_space<vmem>>
          %dma_wait3A_172 = arith.constant 0 : i32
          %dma_wait3A_173 = arith.constant 0 : i32
          %dma_wait3A_174 = tpu.memref_slice %arg12[%dma_wait3A_172, %dma_wait3A_173] : memref<10240x128xbf16, #tpu.memory_space<vmem_shared>> -> memref<10240x128xbf16, #tpu.memory_space<vmem_shared>>
          tpu.wait_indirect_dma semaphore(%run_scoped3A : memref<!tpu.dma_semaphore, #tpu.memory_space<semaphore_mem>>) src(%arg10 : memref<64x128xbf16, #tpu.memory_space<vmem>>) dst(%dma_wait3A_174 : memref<10240x128xbf16, #tpu.memory_space<vmem_shared>>)
          tpu.yield
        }) : () -> ()
        %mul3A_146 = arith.constant 4 : i32
        %mul3A_147 = arith.muli %mul3A_146, %scan3A_98 : i32
        %add3A_148 = arith.constant 3 : i32
        %add3A_149 = arith.addi %mul3A_147, %add3A_148 : i32
        %dma_wait3A_150 = arith.constant 0 : i32
        %dma_wait3A_151 = tpu.memref_slice %arg6[%add3A_149, %dma_wait3A_150] : memref<32x64xi32, #tpu.memory_space<vmem>> -> memref<1x64xi32, #tpu.memory_space<vmem>>
        %dma_wait3A_152 = tpu.memref_squeeze %dma_wait3A_151 : memref<1x64xi32, #tpu.memory_space<vmem>> -> memref<64xi32, #tpu.memory_space<vmem>>
        %dma_wait3A_153 = arith.constant 0 : i32
        %dma_wait3A_154 = arith.constant 0 : i32
        %dma_wait3A_155 = tpu.memref_slice %arg4[%dma_wait3A_153, %dma_wait3A_154] : memref<10240x128xbf16, #tpu.memory_space<hbm>> -> memref<10240x128xbf16, #tpu.memory_space<hbm>>
        tpu.wait_indirect_dma semaphore(%arg16 : memref<!tpu.dma_semaphore, #tpu.memory_space<semaphore_mem>>) src(%dma_wait3A_155 : memref<10240x128xbf16, #tpu.memory_space<hbm>>) dst(%arg11 : memref<64x128xbf16, #tpu.memory_space<vmem>>)
        %add3A_156 = arith.constant 2 : i32
        %add3A_157 = arith.addi %add3A_149, %add3A_156 : i32
        %lt3A_158 = arith.constant 32 : i32
        %lt3A_159 = arith.cmpi slt, %add3A_157, %lt3A_158 : i32
        %convert_element_type3A_160 = arith.extui %lt3A_159 : i1 to i32
        %cond3A_161 = arith.constant 0 : i32
        %cond3A_162 = arith.cmpi ne, %convert_element_type3A_160, %cond3A_161 : i32
        scf.if %cond3A_162 {
          %dma_start3A_163 = arith.constant 0 : i32
          %dma_start3A_164 = tpu.memref_slice %arg6[%add3A_157, %dma_start3A_163] : memref<32x64xi32, #tpu.memory_space<vmem>> -> memref<1x64xi32, #tpu.memory_space<vmem>>
          %dma_start3A_165 = tpu.memref_squeeze %dma_start3A_164 : memref<1x64xi32, #tpu.memory_space<vmem>> -> memref<64xi32, #tpu.memory_space<vmem>>
          %dma_start3A_166 = arith.constant 0 : i32
          %dma_start3A_167 = arith.constant 0 : i32
          %dma_start3A_168 = tpu.memref_slice %arg4[%dma_start3A_166, %dma_start3A_167] : memref<10240x128xbf16, #tpu.memory_space<hbm>> -> memref<10240x128xbf16, #tpu.memory_space<hbm>>
          tpu.enqueue_indirect_dma source(%dma_start3A_168 : memref<10240x128xbf16, #tpu.memory_space<hbm>>) target(%arg9 : memref<64x128xbf16, #tpu.memory_space<vmem>>) offsets(%dma_start3A_165 : memref<64xi32, #tpu.memory_space<vmem>>) semaphore(%arg14 : memref<!tpu.dma_semaphore, #tpu.memory_space<semaphore_mem>>)
        } else {
        }
        "tpu.region"() ({
          %run_scoped3A = tpu.sem_alloc : memref<!tpu.dma_semaphore, #tpu.memory_space<semaphore_mem>>
          %dma_start3A_163 = arith.constant 0 : i32
          %dma_start3A_164 = tpu.memref_slice %arg7[%add3A_149, %dma_start3A_163] : memref<32x64xi32, #tpu.memory_space<vmem>> -> memref<1x64xi32, #tpu.memory_space<vmem>>
          %dma_start3A_165 = tpu.memref_squeeze %dma_start3A_164 : memref<1x64xi32, #tpu.memory_space<vmem>> -> memref<64xi32, #tpu.memory_space<vmem>>
          %dma_start3A_166 = arith.constant 0 : i32
          %dma_start3A_167 = arith.constant 0 : i32
          %dma_start3A_168 = tpu.memref_slice %arg12[%dma_start3A_166, %dma_start3A_167] : memref<10240x128xbf16, #tpu.memory_space<vmem_shared>> -> memref<10240x128xbf16, #tpu.memory_space<vmem_shared>>
          tpu.enqueue_indirect_dma source(%arg11 : memref<64x128xbf16, #tpu.memory_space<vmem>>) target(%dma_start3A_168 : memref<10240x128xbf16, #tpu.memory_space<vmem_shared>>) offsets(%dma_start3A_165 : memref<64xi32, #tpu.memory_space<vmem>>) semaphore(%run_scoped3A : memref<!tpu.dma_semaphore, #tpu.memory_space<semaphore_mem>>) {add = true}
          %dma_wait3A_169 = arith.constant 0 : i32
          %dma_wait3A_170 = tpu.memref_slice %arg7[%add3A_149, %dma_wait3A_169] : memref<32x64xi32, #tpu.memory_space<vmem>> -> memref<1x64xi32, #tpu.memory_space<vmem>>
          %dma_wait3A_171 = tpu.memref_squeeze %dma_wait3A_170 : memref<1x64xi32, #tpu.memory_space<vmem>> -> memref<64xi32, #tpu.memory_space<vmem>>
          %dma_wait3A_172 = arith.constant 0 : i32
          %dma_wait3A_173 = arith.constant 0 : i32
          %dma_wait3A_174 = tpu.memref_slice %arg12[%dma_wait3A_172, %dma_wait3A_173] : memref<10240x128xbf16, #tpu.memory_space<vmem_shared>> -> memref<10240x128xbf16, #tpu.memory_space<vmem_shared>>
          tpu.wait_indirect_dma semaphore(%run_scoped3A : memref<!tpu.dma_semaphore, #tpu.memory_space<semaphore_mem>>) src(%arg11 : memref<64x128xbf16, #tpu.memory_space<vmem>>) dst(%dma_wait3A_174 : memref<10240x128xbf16, #tpu.memory_space<vmem_shared>>)
          tpu.yield
        }) : () -> ()
      }
      %scan3A_97 = arith.constant 8 : i32
    }
    %scan3A_51 = arith.constant 5 : i32
    %barrier3A_52 = arith.constant 0 : index
    tpu.barrier barrier_id(%barrier3A_52)
    %mul3A_53 = arith.constant 640 : i32
    %mul3A_54 = arith.muli %arg1, %mul3A_53 : i32
    %add3A_55 = arith.constant 0 : i32
    %add3A_56 = arith.addi %mul3A_54, %add3A_55 : i32
    "tpu.region"() ({
      %run_scoped3A = tpu.sem_alloc : memref<!tpu.dma_semaphore, #tpu.memory_space<semaphore_mem>>
      %dma_start3A = arith.constant 0 : i32
      %dma_start3A_73 = tpu.memref_slice %arg5[%arg0, %add3A_56, %dma_start3A] : memref<2x10240x128xbf16, #tpu.memory_space<hbm>> -> memref<1x128x128xbf16, #tpu.memory_space<hbm>>
      %dma_start3A_74 = tpu.memref_squeeze %dma_start3A_73 : memref<1x128x128xbf16, #tpu.memory_space<hbm>> -> memref<128x128xbf16, #tpu.memory_space<hbm>>
      %dma_start3A_75 = arith.constant 0 : i32
      %dma_start3A_76 = tpu.memref_slice %arg12[%add3A_56, %dma_start3A_75] : memref<10240x128xbf16, #tpu.memory_space<vmem_shared>> -> memref<128x128xbf16, #tpu.memory_space<vmem_shared>>
      tpu.enqueue_dma source(%dma_start3A_76 : memref<128x128xbf16, #tpu.memory_space<vmem_shared>>) target(%dma_start3A_74 : memref<128x128xbf16, #tpu.memory_space<hbm>>) target_semaphore(%run_scoped3A : memref<!tpu.dma_semaphore, #tpu.memory_space<semaphore_mem>>)
      %dma_wait3A = arith.constant 0 : i32
      %dma_wait3A_77 = tpu.memref_slice %arg5[%arg0, %add3A_56, %dma_wait3A] : memref<2x10240x128xbf16, #tpu.memory_space<hbm>> -> memref<1x128x128xbf16, #tpu.memory_space<hbm>>
      %dma_wait3A_78 = tpu.memref_squeeze %dma_wait3A_77 : memref<1x128x128xbf16, #tpu.memory_space<hbm>> -> memref<128x128xbf16, #tpu.memory_space<hbm>>
      %dma_wait3A_79 = arith.constant 0 : i32
      %dma_wait3A_80 = tpu.memref_slice %arg12[%add3A_56, %dma_wait3A_79] : memref<10240x128xbf16, #tpu.memory_space<vmem_shared>> -> memref<128x128xbf16, #tpu.memory_space<vmem_shared>>
      tpu.wait_dma2 semaphore(%run_scoped3A : memref<!tpu.dma_semaphore, #tpu.memory_space<semaphore_mem>>) src(%dma_wait3A_80 : memref<128x128xbf16, #tpu.memory_space<vmem_shared>>) dst(%dma_wait3A_78 : memref<128x128xbf16, #tpu.memory_space<hbm>>)
      tpu.yield
    }) : () -> ()
    %mul3A_57 = arith.constant 640 : i32
    %mul3A_58 = arith.muli %arg1, %mul3A_57 : i32
    %add3A_59 = arith.constant 128 : i32
    %add3A_60 = arith.addi %mul3A_58, %add3A_59 : i32
    "tpu.region"() ({
      %run_scoped3A = tpu.sem_alloc : memref<!tpu.dma_semaphore, #tpu.memory_space<semaphore_mem>>
      %dma_start3A = arith.constant 0 : i32
      %dma_start3A_73 = tpu.memref_slice %arg5[%arg0, %add3A_60, %dma_start3A] : memref<2x10240x128xbf16, #tpu.memory_space<hbm>> -> memref<1x128x128xbf16, #tpu.memory_space<hbm>>
      %dma_start3A_74 = tpu.memref_squeeze %dma_start3A_73 : memref<1x128x128xbf16, #tpu.memory_space<hbm>> -> memref<128x128xbf16, #tpu.memory_space<hbm>>
      %dma_start3A_75 = arith.constant 0 : i32
      %dma_start3A_76 = tpu.memref_slice %arg12[%add3A_60, %dma_start3A_75] : memref<10240x128xbf16, #tpu.memory_space<vmem_shared>> -> memref<128x128xbf16, #tpu.memory_space<vmem_shared>>
      tpu.enqueue_dma source(%dma_start3A_76 : memref<128x128xbf16, #tpu.memory_space<vmem_shared>>) target(%dma_start3A_74 : memref<128x128xbf16, #tpu.memory_space<hbm>>) target_semaphore(%run_scoped3A : memref<!tpu.dma_semaphore, #tpu.memory_space<semaphore_mem>>)
      %dma_wait3A = arith.constant 0 : i32
      %dma_wait3A_77 = tpu.memref_slice %arg5[%arg0, %add3A_60, %dma_wait3A] : memref<2x10240x128xbf16, #tpu.memory_space<hbm>> -> memref<1x128x128xbf16, #tpu.memory_space<hbm>>
      %dma_wait3A_78 = tpu.memref_squeeze %dma_wait3A_77 : memref<1x128x128xbf16, #tpu.memory_space<hbm>> -> memref<128x128xbf16, #tpu.memory_space<hbm>>
      %dma_wait3A_79 = arith.constant 0 : i32
      %dma_wait3A_80 = tpu.memref_slice %arg12[%add3A_60, %dma_wait3A_79] : memref<10240x128xbf16, #tpu.memory_space<vmem_shared>> -> memref<128x128xbf16, #tpu.memory_space<vmem_shared>>
      tpu.wait_dma2 semaphore(%run_scoped3A : memref<!tpu.dma_semaphore, #tpu.memory_space<semaphore_mem>>) src(%dma_wait3A_80 : memref<128x128xbf16, #tpu.memory_space<vmem_shared>>) dst(%dma_wait3A_78 : memref<128x128xbf16, #tpu.memory_space<hbm>>)
      tpu.yield
    }) : () -> ()
    %mul3A_61 = arith.constant 640 : i32
    %mul3A_62 = arith.muli %arg1, %mul3A_61 : i32
    %add3A_63 = arith.constant 256 : i32
    %add3A_64 = arith.addi %mul3A_62, %add3A_63 : i32
    "tpu.region"() ({
      %run_scoped3A = tpu.sem_alloc : memref<!tpu.dma_semaphore, #tpu.memory_space<semaphore_mem>>
      %dma_start3A = arith.constant 0 : i32
      %dma_start3A_73 = tpu.memref_slice %arg5[%arg0, %add3A_64, %dma_start3A] : memref<2x10240x128xbf16, #tpu.memory_space<hbm>> -> memref<1x128x128xbf16, #tpu.memory_space<hbm>>
      %dma_start3A_74 = tpu.memref_squeeze %dma_start3A_73 : memref<1x128x128xbf16, #tpu.memory_space<hbm>> -> memref<128x128xbf16, #tpu.memory_space<hbm>>
      %dma_start3A_75 = arith.constant 0 : i32
      %dma_start3A_76 = tpu.memref_slice %arg12[%add3A_64, %dma_start3A_75] : memref<10240x128xbf16, #tpu.memory_space<vmem_shared>> -> memref<128x128xbf16, #tpu.memory_space<vmem_shared>>
      tpu.enqueue_dma source(%dma_start3A_76 : memref<128x128xbf16, #tpu.memory_space<vmem_shared>>) target(%dma_start3A_74 : memref<128x128xbf16, #tpu.memory_space<hbm>>) target_semaphore(%run_scoped3A : memref<!tpu.dma_semaphore, #tpu.memory_space<semaphore_mem>>)
      %dma_wait3A = arith.constant 0 : i32
      %dma_wait3A_77 = tpu.memref_slice %arg5[%arg0, %add3A_64, %dma_wait3A] : memref<2x10240x128xbf16, #tpu.memory_space<hbm>> -> memref<1x128x128xbf16, #tpu.memory_space<hbm>>
      %dma_wait3A_78 = tpu.memref_squeeze %dma_wait3A_77 : memref<1x128x128xbf16, #tpu.memory_space<hbm>> -> memref<128x128xbf16, #tpu.memory_space<hbm>>
      %dma_wait3A_79 = arith.constant 0 : i32
      %dma_wait3A_80 = tpu.memref_slice %arg12[%add3A_64, %dma_wait3A_79] : memref<10240x128xbf16, #tpu.memory_space<vmem_shared>> -> memref<128x128xbf16, #tpu.memory_space<vmem_shared>>
      tpu.wait_dma2 semaphore(%run_scoped3A : memref<!tpu.dma_semaphore, #tpu.memory_space<semaphore_mem>>) src(%dma_wait3A_80 : memref<128x128xbf16, #tpu.memory_space<vmem_shared>>) dst(%dma_wait3A_78 : memref<128x128xbf16, #tpu.memory_space<hbm>>)
      tpu.yield
    }) : () -> ()
    %mul3A_65 = arith.constant 640 : i32
    %mul3A_66 = arith.muli %arg1, %mul3A_65 : i32
    %add3A_67 = arith.constant 384 : i32
    %add3A_68 = arith.addi %mul3A_66, %add3A_67 : i32
    "tpu.region"() ({
      %run_scoped3A = tpu.sem_alloc : memref<!tpu.dma_semaphore, #tpu.memory_space<semaphore_mem>>
      %dma_start3A = arith.constant 0 : i32
      %dma_start3A_73 = tpu.memref_slice %arg5[%arg0, %add3A_68, %dma_start3A] : memref<2x10240x128xbf16, #tpu.memory_space<hbm>> -> memref<1x128x128xbf16, #tpu.memory_space<hbm>>
      %dma_start3A_74 = tpu.memref_squeeze %dma_start3A_73 : memref<1x128x128xbf16, #tpu.memory_space<hbm>> -> memref<128x128xbf16, #tpu.memory_space<hbm>>
      %dma_start3A_75 = arith.constant 0 : i32
      %dma_start3A_76 = tpu.memref_slice %arg12[%add3A_68, %dma_start3A_75] : memref<10240x128xbf16, #tpu.memory_space<vmem_shared>> -> memref<128x128xbf16, #tpu.memory_space<vmem_shared>>
      tpu.enqueue_dma source(%dma_start3A_76 : memref<128x128xbf16, #tpu.memory_space<vmem_shared>>) target(%dma_start3A_74 : memref<128x128xbf16, #tpu.memory_space<hbm>>) target_semaphore(%run_scoped3A : memref<!tpu.dma_semaphore, #tpu.memory_space<semaphore_mem>>)
      %dma_wait3A = arith.constant 0 : i32
      %dma_wait3A_77 = tpu.memref_slice %arg5[%arg0, %add3A_68, %dma_wait3A] : memref<2x10240x128xbf16, #tpu.memory_space<hbm>> -> memref<1x128x128xbf16, #tpu.memory_space<hbm>>
      %dma_wait3A_78 = tpu.memref_squeeze %dma_wait3A_77 : memref<1x128x128xbf16, #tpu.memory_space<hbm>> -> memref<128x128xbf16, #tpu.memory_space<hbm>>
      %dma_wait3A_79 = arith.constant 0 : i32
      %dma_wait3A_80 = tpu.memref_slice %arg12[%add3A_68, %dma_wait3A_79] : memref<10240x128xbf16, #tpu.memory_space<vmem_shared>> -> memref<128x128xbf16, #tpu.memory_space<vmem_shared>>
      tpu.wait_dma2 semaphore(%run_scoped3A : memref<!tpu.dma_semaphore, #tpu.memory_space<semaphore_mem>>) src(%dma_wait3A_80 : memref<128x128xbf16, #tpu.memory_space<vmem_shared>>) dst(%dma_wait3A_78 : memref<128x128xbf16, #tpu.memory_space<hbm>>)
      tpu.yield
    }) : () -> ()
    %mul3A_69 = arith.constant 640 : i32
    %mul3A_70 = arith.muli %arg1, %mul3A_69 : i32
    %add3A_71 = arith.constant 512 : i32
    %add3A_72 = arith.addi %mul3A_70, %add3A_71 : i32
    "tpu.region"() ({
      %run_scoped3A = tpu.sem_alloc : memref<!tpu.dma_semaphore, #tpu.memory_space<semaphore_mem>>
      %dma_start3A = arith.constant 0 : i32
      %dma_start3A_73 = tpu.memref_slice %arg5[%arg0, %add3A_72, %dma_start3A] : memref<2x10240x128xbf16, #tpu.memory_space<hbm>> -> memref<1x128x128xbf16, #tpu.memory_space<hbm>>
      %dma_start3A_74 = tpu.memref_squeeze %dma_start3A_73 : memref<1x128x128xbf16, #tpu.memory_space<hbm>> -> memref<128x128xbf16, #tpu.memory_space<hbm>>
      %dma_start3A_75 = arith.constant 0 : i32
      %dma_start3A_76 = tpu.memref_slice %arg12[%add3A_72, %dma_start3A_75] : memref<10240x128xbf16, #tpu.memory_space<vmem_shared>> -> memref<128x128xbf16, #tpu.memory_space<vmem_shared>>
      tpu.enqueue_dma source(%dma_start3A_76 : memref<128x128xbf16, #tpu.memory_space<vmem_shared>>) target(%dma_start3A_74 : memref<128x128xbf16, #tpu.memory_space<hbm>>) target_semaphore(%run_scoped3A : memref<!tpu.dma_semaphore, #tpu.memory_space<semaphore_mem>>)
      %dma_wait3A = arith.constant 0 : i32
      %dma_wait3A_77 = tpu.memref_slice %arg5[%arg0, %add3A_72, %dma_wait3A] : memref<2x10240x128xbf16, #tpu.memory_space<hbm>> -> memref<1x128x128xbf16, #tpu.memory_space<hbm>>
      %dma_wait3A_78 = tpu.memref_squeeze %dma_wait3A_77 : memref<1x128x128xbf16, #tpu.memory_space<hbm>> -> memref<128x128xbf16, #tpu.memory_space<hbm>>
      %dma_wait3A_79 = arith.constant 0 : i32
      %dma_wait3A_80 = tpu.memref_slice %arg12[%add3A_72, %dma_wait3A_79] : memref<10240x128xbf16, #tpu.memory_space<vmem_shared>> -> memref<128x128xbf16, #tpu.memory_space<vmem_shared>>
      tpu.wait_dma2 semaphore(%run_scoped3A : memref<!tpu.dma_semaphore, #tpu.memory_space<semaphore_mem>>) src(%dma_wait3A_80 : memref<128x128xbf16, #tpu.memory_space<vmem_shared>>) dst(%dma_wait3A_78 : memref<128x128xbf16, #tpu.memory_space<hbm>>)
      tpu.yield
    }) : () -> ()
    return
  }
}

#map = affine_map<(d0, d1) -> (0, 0)>
#map1 = affine_map<(d0, d1) -> (0, 0, 0)>
module attributes {stable_mosaic.version = 14 : i64} {
  func.func @_deg_body(%arg0: i32, %arg1: i32, %arg2: memref<2560x128xi32, #tpu.memory_space<hbm>>, %arg3: memref<2x10240x16xf32, #tpu.memory_space<hbm>>, %arg4: memref<80x128xi32, #tpu.memory_space<vmem>>, %arg5: memref<128x16xf32, #tpu.memory_space<vmem>>, %arg6: memref<10240x16xf32, #tpu.memory_space<vmem_shared>>) attributes {dimension_semantics = [#tpu.dimension_semantics<core_parallel>, #tpu.dimension_semantics<subcore_parallel>], iteration_bounds = array<i64: 2, 16>, scalar_prefetch = 0 : i64, scratch_operands = 3 : i64, tpu.core_type = #tpu.core_type<sc_vector_subcore>, window_params = [{transform_indices = #map}, {transform_indices = #map1}]} {
    %mul3A = arith.constant 2 : i32
    %mul3A_0 = arith.muli %arg1, %mul3A : i32
    %add3A = arith.addi %mul3A_0, %arg0 : i32
    %scan3A = arith.constant 0 : i32
    %scan3A_1 = arith.constant 0 : i32
    %scan3A_2 = arith.constant 128 : i32
    %scan3A_3 = arith.addi %scan3A_1, %scan3A_2 : i32
    %scan3A_4 = arith.constant 1 : i32
    scf.for %scan3A_61 = %scan3A_1 to %scan3A_3 step %scan3A_4  : i32 {
      %broadcast_in_dim3A = arith.constant 0.000000e+00 : f32
      %broadcast_in_dim3A_62 = vector.broadcast %broadcast_in_dim3A : f32 to vector<16xf32>
      %swap3A = arith.index_cast %scan3A_61 : i32 to index
      %swap3A_63 = arith.constant 0 : index
      %swap3A_64 = tpu.vector_load %arg5[%swap3A, %swap3A_63] {strides = array<i32>} : memref<128x16xf32, #tpu.memory_space<vmem>>, vector<1x16xf32>,
      %swap3A_65 = vector.shape_cast %swap3A_64 : vector<1x16xf32> to vector<16xf32>
      %swap3A_66 = vector.shape_cast %broadcast_in_dim3A_62 : vector<16xf32> to vector<1x16xf32>
      tpu.vector_store %arg5[%swap3A, %swap3A_63], %swap3A_66 {strides = array<i32>} : memref<128x16xf32, #tpu.memory_space<vmem>>, vector<1x16xf32>,
    }
    %scan3A_5 = arith.constant 128 : i32
    %mul3A_6 = arith.constant 640 : i32
    %mul3A_7 = arith.muli %arg1, %mul3A_6 : i32
    %add3A_8 = arith.constant 0 : i32
    %add3A_9 = arith.addi %mul3A_7, %add3A_8 : i32
    "tpu.region"() ({
      %run_scoped3A = tpu.sem_alloc : memref<!tpu.dma_semaphore, #tpu.memory_space<semaphore_mem>>
      %dma_start3A = arith.constant 0 : i32
      %dma_start3A_61 = arith.constant 0 : i32
      %dma_start3A_62 = tpu.memref_slice %arg5[%dma_start3A, %dma_start3A_61] : memref<128x16xf32, #tpu.memory_space<vmem>> -> memref<128x16xf32, #tpu.memory_space<vmem>>
      %dma_start3A_63 = arith.constant 0 : i32
      %dma_start3A_64 = tpu.memref_slice %arg6[%add3A_9, %dma_start3A_63] : memref<10240x16xf32, #tpu.memory_space<vmem_shared>> -> memref<128x16xf32, #tpu.memory_space<vmem_shared>>
      %dma_start3A_65 = arith.constant 0 : i32
      %dma_start3A_66 = tpu.memref_slice %arg6[%add3A_9, %dma_start3A_65] : memref<10240x16xf32, #tpu.memory_space<vmem_shared>> -> memref<128x16xf32, #tpu.memory_space<vmem_shared>>
      %dma_start3A_67 = arith.constant 0 : i32
      %dma_start3A_68 = arith.constant 0 : i32
      %dma_start3A_69 = tpu.memref_slice %arg5[%dma_start3A_67, %dma_start3A_68] : memref<128x16xf32, #tpu.memory_space<vmem>> -> memref<128x16xf32, #tpu.memory_space<vmem>>
      tpu.enqueue_dma source(%dma_start3A_69 : memref<128x16xf32, #tpu.memory_space<vmem>>) target(%dma_start3A_66 : memref<128x16xf32, #tpu.memory_space<vmem_shared>>) target_semaphore(%run_scoped3A : memref<!tpu.dma_semaphore, #tpu.memory_space<semaphore_mem>>)
      %dma_wait3A = arith.constant 0 : i32
      %dma_wait3A_70 = arith.constant 0 : i32
      %dma_wait3A_71 = tpu.memref_slice %arg5[%dma_wait3A, %dma_wait3A_70] : memref<128x16xf32, #tpu.memory_space<vmem>> -> memref<128x16xf32, #tpu.memory_space<vmem>>
      %dma_wait3A_72 = arith.constant 0 : i32
      %dma_wait3A_73 = tpu.memref_slice %arg6[%add3A_9, %dma_wait3A_72] : memref<10240x16xf32, #tpu.memory_space<vmem_shared>> -> memref<128x16xf32, #tpu.memory_space<vmem_shared>>
      %dma_wait3A_74 = arith.constant 0 : i32
      %dma_wait3A_75 = tpu.memref_slice %arg6[%add3A_9, %dma_wait3A_74] : memref<10240x16xf32, #tpu.memory_space<vmem_shared>> -> memref<128x16xf32, #tpu.memory_space<vmem_shared>>
      %dma_wait3A_76 = arith.constant 0 : i32
      %dma_wait3A_77 = arith.constant 0 : i32
      %dma_wait3A_78 = tpu.memref_slice %arg5[%dma_wait3A_76, %dma_wait3A_77] : memref<128x16xf32, #tpu.memory_space<vmem>> -> memref<128x16xf32, #tpu.memory_space<vmem>>
      tpu.wait_dma2 semaphore(%run_scoped3A : memref<!tpu.dma_semaphore, #tpu.memory_space<semaphore_mem>>) src(%dma_wait3A_78 : memref<128x16xf32, #tpu.memory_space<vmem>>) dst(%dma_wait3A_75 : memref<128x16xf32, #tpu.memory_space<vmem_shared>>)
      tpu.yield
    }) : () -> ()
    %mul3A_10 = arith.constant 640 : i32
    %mul3A_11 = arith.muli %arg1, %mul3A_10 : i32
    %add3A_12 = arith.constant 128 : i32
    %add3A_13 = arith.addi %mul3A_11, %add3A_12 : i32
    "tpu.region"() ({
      %run_scoped3A = tpu.sem_alloc : memref<!tpu.dma_semaphore, #tpu.memory_space<semaphore_mem>>
      %dma_start3A = arith.constant 0 : i32
      %dma_start3A_61 = arith.constant 0 : i32
      %dma_start3A_62 = tpu.memref_slice %arg5[%dma_start3A, %dma_start3A_61] : memref<128x16xf32, #tpu.memory_space<vmem>> -> memref<128x16xf32, #tpu.memory_space<vmem>>
      %dma_start3A_63 = arith.constant 0 : i32
      %dma_start3A_64 = tpu.memref_slice %arg6[%add3A_13, %dma_start3A_63] : memref<10240x16xf32, #tpu.memory_space<vmem_shared>> -> memref<128x16xf32, #tpu.memory_space<vmem_shared>>
      %dma_start3A_65 = arith.constant 0 : i32
      %dma_start3A_66 = tpu.memref_slice %arg6[%add3A_13, %dma_start3A_65] : memref<10240x16xf32, #tpu.memory_space<vmem_shared>> -> memref<128x16xf32, #tpu.memory_space<vmem_shared>>
      %dma_start3A_67 = arith.constant 0 : i32
      %dma_start3A_68 = arith.constant 0 : i32
      %dma_start3A_69 = tpu.memref_slice %arg5[%dma_start3A_67, %dma_start3A_68] : memref<128x16xf32, #tpu.memory_space<vmem>> -> memref<128x16xf32, #tpu.memory_space<vmem>>
      tpu.enqueue_dma source(%dma_start3A_69 : memref<128x16xf32, #tpu.memory_space<vmem>>) target(%dma_start3A_66 : memref<128x16xf32, #tpu.memory_space<vmem_shared>>) target_semaphore(%run_scoped3A : memref<!tpu.dma_semaphore, #tpu.memory_space<semaphore_mem>>)
      %dma_wait3A = arith.constant 0 : i32
      %dma_wait3A_70 = arith.constant 0 : i32
      %dma_wait3A_71 = tpu.memref_slice %arg5[%dma_wait3A, %dma_wait3A_70] : memref<128x16xf32, #tpu.memory_space<vmem>> -> memref<128x16xf32, #tpu.memory_space<vmem>>
      %dma_wait3A_72 = arith.constant 0 : i32
      %dma_wait3A_73 = tpu.memref_slice %arg6[%add3A_13, %dma_wait3A_72] : memref<10240x16xf32, #tpu.memory_space<vmem_shared>> -> memref<128x16xf32, #tpu.memory_space<vmem_shared>>
      %dma_wait3A_74 = arith.constant 0 : i32
      %dma_wait3A_75 = tpu.memref_slice %arg6[%add3A_13, %dma_wait3A_74] : memref<10240x16xf32, #tpu.memory_space<vmem_shared>> -> memref<128x16xf32, #tpu.memory_space<vmem_shared>>
      %dma_wait3A_76 = arith.constant 0 : i32
      %dma_wait3A_77 = arith.constant 0 : i32
      %dma_wait3A_78 = tpu.memref_slice %arg5[%dma_wait3A_76, %dma_wait3A_77] : memref<128x16xf32, #tpu.memory_space<vmem>> -> memref<128x16xf32, #tpu.memory_space<vmem>>
      tpu.wait_dma2 semaphore(%run_scoped3A : memref<!tpu.dma_semaphore, #tpu.memory_space<semaphore_mem>>) src(%dma_wait3A_78 : memref<128x16xf32, #tpu.memory_space<vmem>>) dst(%dma_wait3A_75 : memref<128x16xf32, #tpu.memory_space<vmem_shared>>)
      tpu.yield
    }) : () -> ()
    %mul3A_14 = arith.constant 640 : i32
    %mul3A_15 = arith.muli %arg1, %mul3A_14 : i32
    %add3A_16 = arith.constant 256 : i32
    %add3A_17 = arith.addi %mul3A_15, %add3A_16 : i32
    "tpu.region"() ({
      %run_scoped3A = tpu.sem_alloc : memref<!tpu.dma_semaphore, #tpu.memory_space<semaphore_mem>>
      %dma_start3A = arith.constant 0 : i32
      %dma_start3A_61 = arith.constant 0 : i32
      %dma_start3A_62 = tpu.memref_slice %arg5[%dma_start3A, %dma_start3A_61] : memref<128x16xf32, #tpu.memory_space<vmem>> -> memref<128x16xf32, #tpu.memory_space<vmem>>
      %dma_start3A_63 = arith.constant 0 : i32
      %dma_start3A_64 = tpu.memref_slice %arg6[%add3A_17, %dma_start3A_63] : memref<10240x16xf32, #tpu.memory_space<vmem_shared>> -> memref<128x16xf32, #tpu.memory_space<vmem_shared>>
      %dma_start3A_65 = arith.constant 0 : i32
      %dma_start3A_66 = tpu.memref_slice %arg6[%add3A_17, %dma_start3A_65] : memref<10240x16xf32, #tpu.memory_space<vmem_shared>> -> memref<128x16xf32, #tpu.memory_space<vmem_shared>>
      %dma_start3A_67 = arith.constant 0 : i32
      %dma_start3A_68 = arith.constant 0 : i32
      %dma_start3A_69 = tpu.memref_slice %arg5[%dma_start3A_67, %dma_start3A_68] : memref<128x16xf32, #tpu.memory_space<vmem>> -> memref<128x16xf32, #tpu.memory_space<vmem>>
      tpu.enqueue_dma source(%dma_start3A_69 : memref<128x16xf32, #tpu.memory_space<vmem>>) target(%dma_start3A_66 : memref<128x16xf32, #tpu.memory_space<vmem_shared>>) target_semaphore(%run_scoped3A : memref<!tpu.dma_semaphore, #tpu.memory_space<semaphore_mem>>)
      %dma_wait3A = arith.constant 0 : i32
      %dma_wait3A_70 = arith.constant 0 : i32
      %dma_wait3A_71 = tpu.memref_slice %arg5[%dma_wait3A, %dma_wait3A_70] : memref<128x16xf32, #tpu.memory_space<vmem>> -> memref<128x16xf32, #tpu.memory_space<vmem>>
      %dma_wait3A_72 = arith.constant 0 : i32
      %dma_wait3A_73 = tpu.memref_slice %arg6[%add3A_17, %dma_wait3A_72] : memref<10240x16xf32, #tpu.memory_space<vmem_shared>> -> memref<128x16xf32, #tpu.memory_space<vmem_shared>>
      %dma_wait3A_74 = arith.constant 0 : i32
      %dma_wait3A_75 = tpu.memref_slice %arg6[%add3A_17, %dma_wait3A_74] : memref<10240x16xf32, #tpu.memory_space<vmem_shared>> -> memref<128x16xf32, #tpu.memory_space<vmem_shared>>
      %dma_wait3A_76 = arith.constant 0 : i32
      %dma_wait3A_77 = arith.constant 0 : i32
      %dma_wait3A_78 = tpu.memref_slice %arg5[%dma_wait3A_76, %dma_wait3A_77] : memref<128x16xf32, #tpu.memory_space<vmem>> -> memref<128x16xf32, #tpu.memory_space<vmem>>
      tpu.wait_dma2 semaphore(%run_scoped3A : memref<!tpu.dma_semaphore, #tpu.memory_space<semaphore_mem>>) src(%dma_wait3A_78 : memref<128x16xf32, #tpu.memory_space<vmem>>) dst(%dma_wait3A_75 : memref<128x16xf32, #tpu.memory_space<vmem_shared>>)
      tpu.yield
    }) : () -> ()
    %mul3A_18 = arith.constant 640 : i32
    %mul3A_19 = arith.muli %arg1, %mul3A_18 : i32
    %add3A_20 = arith.constant 384 : i32
    %add3A_21 = arith.addi %mul3A_19, %add3A_20 : i32
    "tpu.region"() ({
      %run_scoped3A = tpu.sem_alloc : memref<!tpu.dma_semaphore, #tpu.memory_space<semaphore_mem>>
      %dma_start3A = arith.constant 0 : i32
      %dma_start3A_61 = arith.constant 0 : i32
      %dma_start3A_62 = tpu.memref_slice %arg5[%dma_start3A, %dma_start3A_61] : memref<128x16xf32, #tpu.memory_space<vmem>> -> memref<128x16xf32, #tpu.memory_space<vmem>>
      %dma_start3A_63 = arith.constant 0 : i32
      %dma_start3A_64 = tpu.memref_slice %arg6[%add3A_21, %dma_start3A_63] : memref<10240x16xf32, #tpu.memory_space<vmem_shared>> -> memref<128x16xf32, #tpu.memory_space<vmem_shared>>
      %dma_start3A_65 = arith.constant 0 : i32
      %dma_start3A_66 = tpu.memref_slice %arg6[%add3A_21, %dma_start3A_65] : memref<10240x16xf32, #tpu.memory_space<vmem_shared>> -> memref<128x16xf32, #tpu.memory_space<vmem_shared>>
      %dma_start3A_67 = arith.constant 0 : i32
      %dma_start3A_68 = arith.constant 0 : i32
      %dma_start3A_69 = tpu.memref_slice %arg5[%dma_start3A_67, %dma_start3A_68] : memref<128x16xf32, #tpu.memory_space<vmem>> -> memref<128x16xf32, #tpu.memory_space<vmem>>
      tpu.enqueue_dma source(%dma_start3A_69 : memref<128x16xf32, #tpu.memory_space<vmem>>) target(%dma_start3A_66 : memref<128x16xf32, #tpu.memory_space<vmem_shared>>) target_semaphore(%run_scoped3A : memref<!tpu.dma_semaphore, #tpu.memory_space<semaphore_mem>>)
      %dma_wait3A = arith.constant 0 : i32
      %dma_wait3A_70 = arith.constant 0 : i32
      %dma_wait3A_71 = tpu.memref_slice %arg5[%dma_wait3A, %dma_wait3A_70] : memref<128x16xf32, #tpu.memory_space<vmem>> -> memref<128x16xf32, #tpu.memory_space<vmem>>
      %dma_wait3A_72 = arith.constant 0 : i32
      %dma_wait3A_73 = tpu.memref_slice %arg6[%add3A_21, %dma_wait3A_72] : memref<10240x16xf32, #tpu.memory_space<vmem_shared>> -> memref<128x16xf32, #tpu.memory_space<vmem_shared>>
      %dma_wait3A_74 = arith.constant 0 : i32
      %dma_wait3A_75 = tpu.memref_slice %arg6[%add3A_21, %dma_wait3A_74] : memref<10240x16xf32, #tpu.memory_space<vmem_shared>> -> memref<128x16xf32, #tpu.memory_space<vmem_shared>>
      %dma_wait3A_76 = arith.constant 0 : i32
      %dma_wait3A_77 = arith.constant 0 : i32
      %dma_wait3A_78 = tpu.memref_slice %arg5[%dma_wait3A_76, %dma_wait3A_77] : memref<128x16xf32, #tpu.memory_space<vmem>> -> memref<128x16xf32, #tpu.memory_space<vmem>>
      tpu.wait_dma2 semaphore(%run_scoped3A : memref<!tpu.dma_semaphore, #tpu.memory_space<semaphore_mem>>) src(%dma_wait3A_78 : memref<128x16xf32, #tpu.memory_space<vmem>>) dst(%dma_wait3A_75 : memref<128x16xf32, #tpu.memory_space<vmem_shared>>)
      tpu.yield
    }) : () -> ()
    %mul3A_22 = arith.constant 640 : i32
    %mul3A_23 = arith.muli %arg1, %mul3A_22 : i32
    %add3A_24 = arith.constant 512 : i32
    %add3A_25 = arith.addi %mul3A_23, %add3A_24 : i32
    "tpu.region"() ({
      %run_scoped3A = tpu.sem_alloc : memref<!tpu.dma_semaphore, #tpu.memory_space<semaphore_mem>>
      %dma_start3A = arith.constant 0 : i32
      %dma_start3A_61 = arith.constant 0 : i32
      %dma_start3A_62 = tpu.memref_slice %arg5[%dma_start3A, %dma_start3A_61] : memref<128x16xf32, #tpu.memory_space<vmem>> -> memref<128x16xf32, #tpu.memory_space<vmem>>
      %dma_start3A_63 = arith.constant 0 : i32
      %dma_start3A_64 = tpu.memref_slice %arg6[%add3A_25, %dma_start3A_63] : memref<10240x16xf32, #tpu.memory_space<vmem_shared>> -> memref<128x16xf32, #tpu.memory_space<vmem_shared>>
      %dma_start3A_65 = arith.constant 0 : i32
      %dma_start3A_66 = tpu.memref_slice %arg6[%add3A_25, %dma_start3A_65] : memref<10240x16xf32, #tpu.memory_space<vmem_shared>> -> memref<128x16xf32, #tpu.memory_space<vmem_shared>>
      %dma_start3A_67 = arith.constant 0 : i32
      %dma_start3A_68 = arith.constant 0 : i32
      %dma_start3A_69 = tpu.memref_slice %arg5[%dma_start3A_67, %dma_start3A_68] : memref<128x16xf32, #tpu.memory_space<vmem>> -> memref<128x16xf32, #tpu.memory_space<vmem>>
      tpu.enqueue_dma source(%dma_start3A_69 : memref<128x16xf32, #tpu.memory_space<vmem>>) target(%dma_start3A_66 : memref<128x16xf32, #tpu.memory_space<vmem_shared>>) target_semaphore(%run_scoped3A : memref<!tpu.dma_semaphore, #tpu.memory_space<semaphore_mem>>)
      %dma_wait3A = arith.constant 0 : i32
      %dma_wait3A_70 = arith.constant 0 : i32
      %dma_wait3A_71 = tpu.memref_slice %arg5[%dma_wait3A, %dma_wait3A_70] : memref<128x16xf32, #tpu.memory_space<vmem>> -> memref<128x16xf32, #tpu.memory_space<vmem>>
      %dma_wait3A_72 = arith.constant 0 : i32
      %dma_wait3A_73 = tpu.memref_slice %arg6[%add3A_25, %dma_wait3A_72] : memref<10240x16xf32, #tpu.memory_space<vmem_shared>> -> memref<128x16xf32, #tpu.memory_space<vmem_shared>>
      %dma_wait3A_74 = arith.constant 0 : i32
      %dma_wait3A_75 = tpu.memref_slice %arg6[%add3A_25, %dma_wait3A_74] : memref<10240x16xf32, #tpu.memory_space<vmem_shared>> -> memref<128x16xf32, #tpu.memory_space<vmem_shared>>
      %dma_wait3A_76 = arith.constant 0 : i32
      %dma_wait3A_77 = arith.constant 0 : i32
      %dma_wait3A_78 = tpu.memref_slice %arg5[%dma_wait3A_76, %dma_wait3A_77] : memref<128x16xf32, #tpu.memory_space<vmem>> -> memref<128x16xf32, #tpu.memory_space<vmem>>
      tpu.wait_dma2 semaphore(%run_scoped3A : memref<!tpu.dma_semaphore, #tpu.memory_space<semaphore_mem>>) src(%dma_wait3A_78 : memref<128x16xf32, #tpu.memory_space<vmem>>) dst(%dma_wait3A_75 : memref<128x16xf32, #tpu.memory_space<vmem_shared>>)
      tpu.yield
    }) : () -> ()
    %scan3A_26 = arith.constant 0 : i32
    %scan3A_27 = arith.constant 0 : i32
    %scan3A_28 = arith.constant 128 : i32
    %scan3A_29 = arith.addi %scan3A_27, %scan3A_28 : i32
    %scan3A_30 = arith.constant 1 : i32
    scf.for %scan3A_61 = %scan3A_27 to %scan3A_29 step %scan3A_30  : i32 {
      %broadcast_in_dim3A = arith.constant 1.000000e+00 : f32
      %broadcast_in_dim3A_62 = vector.broadcast %broadcast_in_dim3A : f32 to vector<16xf32>
      %swap3A = arith.index_cast %scan3A_61 : i32 to index
      %swap3A_63 = arith.constant 0 : index
      %swap3A_64 = tpu.vector_load %arg5[%swap3A, %swap3A_63] {strides = array<i32>} : memref<128x16xf32, #tpu.memory_space<vmem>>, vector<1x16xf32>,
      %swap3A_65 = vector.shape_cast %swap3A_64 : vector<1x16xf32> to vector<16xf32>
      %swap3A_66 = vector.shape_cast %broadcast_in_dim3A_62 : vector<16xf32> to vector<1x16xf32>
      tpu.vector_store %arg5[%swap3A, %swap3A_63], %swap3A_66 {strides = array<i32>} : memref<128x16xf32, #tpu.memory_space<vmem>>, vector<1x16xf32>,
    }
    %scan3A_31 = arith.constant 128 : i32
    %mul3A_32 = arith.constant 80 : i32
    %mul3A_33 = arith.muli %add3A, %mul3A_32 : i32
    "tpu.region"() ({
      %run_scoped3A = tpu.sem_alloc : memref<!tpu.dma_semaphore, #tpu.memory_space<semaphore_mem>>
      %dma_start3A = arith.constant 0 : i32
      %dma_start3A_61 = tpu.memref_slice %arg2[%mul3A_33, %dma_start3A] : memref<2560x128xi32, #tpu.memory_space<hbm>> -> memref<80x128xi32, #tpu.memory_space<hbm>>
      %dma_start3A_62 = arith.constant 0 : i32
      %dma_start3A_63 = tpu.memref_slice %arg2[%mul3A_33, %dma_start3A_62] : memref<2560x128xi32, #tpu.memory_space<hbm>> -> memref<80x128xi32, #tpu.memory_space<hbm>>
      tpu.enqueue_dma source(%dma_start3A_63 : memref<80x128xi32, #tpu.memory_space<hbm>>) target(%arg4 : memref<80x128xi32, #tpu.memory_space<vmem>>) target_semaphore(%run_scoped3A : memref<!tpu.dma_semaphore, #tpu.memory_space<semaphore_mem>>)
      %dma_wait3A = arith.constant 0 : i32
      %dma_wait3A_64 = tpu.memref_slice %arg2[%mul3A_33, %dma_wait3A] : memref<2560x128xi32, #tpu.memory_space<hbm>> -> memref<80x128xi32, #tpu.memory_space<hbm>>
      %dma_wait3A_65 = arith.constant 0 : i32
      %dma_wait3A_66 = tpu.memref_slice %arg2[%mul3A_33, %dma_wait3A_65] : memref<2560x128xi32, #tpu.memory_space<hbm>> -> memref<80x128xi32, #tpu.memory_space<hbm>>
      tpu.wait_dma2 semaphore(%run_scoped3A : memref<!tpu.dma_semaphore, #tpu.memory_space<semaphore_mem>>) src(%dma_wait3A_66 : memref<80x128xi32, #tpu.memory_space<hbm>>) dst(%arg4 : memref<80x128xi32, #tpu.memory_space<vmem>>)
      tpu.yield
    }) : () -> ()
    %barrier3A = arith.constant 0 : index
    tpu.barrier barrier_id(%barrier3A)
    %scan3A_34 = arith.constant 0 : i32
    %scan3A_35 = arith.constant 0 : i32
    %scan3A_36 = arith.constant 80 : i32
    %scan3A_37 = arith.addi %scan3A_35, %scan3A_36 : i32
    %scan3A_38 = arith.constant 1 : i32
    scf.for %scan3A_61 = %scan3A_35 to %scan3A_37 step %scan3A_38  : i32 {
      "tpu.region"() ({
        %run_scoped3A = tpu.sem_alloc : memref<!tpu.dma_semaphore, #tpu.memory_space<semaphore_mem>>
        %dma_start3A = arith.constant 0 : i32
        %dma_start3A_62 = tpu.memref_slice %arg4[%scan3A_61, %dma_start3A] : memref<80x128xi32, #tpu.memory_space<vmem>> -> memref<1x128xi32, #tpu.memory_space<vmem>>
        %dma_start3A_63 = tpu.memref_squeeze %dma_start3A_62 : memref<1x128xi32, #tpu.memory_space<vmem>> -> memref<128xi32, #tpu.memory_space<vmem>>
        %dma_start3A_64 = arith.constant 0 : i32
        %dma_start3A_65 = arith.constant 0 : i32
        %dma_start3A_66 = tpu.memref_slice %arg6[%dma_start3A_64, %dma_start3A_65] : memref<10240x16xf32, #tpu.memory_space<vmem_shared>> -> memref<10240x16xf32, #tpu.memory_space<vmem_shared>>
        tpu.enqueue_indirect_dma source(%arg5 : memref<128x16xf32, #tpu.memory_space<vmem>>) target(%dma_start3A_66 : memref<10240x16xf32, #tpu.memory_space<vmem_shared>>) offsets(%dma_start3A_63 : memref<128xi32, #tpu.memory_space<vmem>>) semaphore(%run_scoped3A : memref<!tpu.dma_semaphore, #tpu.memory_space<semaphore_mem>>) {add = true}
        %dma_wait3A = arith.constant 0 : i32
        %dma_wait3A_67 = tpu.memref_slice %arg4[%scan3A_61, %dma_wait3A] : memref<80x128xi32, #tpu.memory_space<vmem>> -> memref<1x128xi32, #tpu.memory_space<vmem>>
        %dma_wait3A_68 = tpu.memref_squeeze %dma_wait3A_67 : memref<1x128xi32, #tpu.memory_space<vmem>> -> memref<128xi32, #tpu.memory_space<vmem>>
        %dma_wait3A_69 = arith.constant 0 : i32
        %dma_wait3A_70 = arith.constant 0 : i32
        %dma_wait3A_71 = tpu.memref_slice %arg6[%dma_wait3A_69, %dma_wait3A_70] : memref<10240x16xf32, #tpu.memory_space<vmem_shared>> -> memref<10240x16xf32, #tpu.memory_space<vmem_shared>>
        tpu.wait_indirect_dma semaphore(%run_scoped3A : memref<!tpu.dma_semaphore, #tpu.memory_space<semaphore_mem>>) src(%arg5 : memref<128x16xf32, #tpu.memory_space<vmem>>) dst(%dma_wait3A_71 : memref<10240x16xf32, #tpu.memory_space<vmem_shared>>)
        tpu.yield
      }) : () -> ()
    }
    %scan3A_39 = arith.constant 80 : i32
    %barrier3A_40 = arith.constant 0 : index
    tpu.barrier barrier_id(%barrier3A_40)
    %mul3A_41 = arith.constant 640 : i32
    %mul3A_42 = arith.muli %arg1, %mul3A_41 : i32
    %add3A_43 = arith.constant 0 : i32
    %add3A_44 = arith.addi %mul3A_42, %add3A_43 : i32
    "tpu.region"() ({
      %run_scoped3A = tpu.sem_alloc : memref<!tpu.dma_semaphore, #tpu.memory_space<semaphore_mem>>
      %dma_start3A = arith.constant 0 : i32
      %dma_start3A_61 = tpu.memref_slice %arg3[%arg0, %add3A_44, %dma_start3A] : memref<2x10240x16xf32, #tpu.memory_space<hbm>> -> memref<1x128x16xf32, #tpu.memory_space<hbm>>
      %dma_start3A_62 = tpu.memref_squeeze %dma_start3A_61 : memref<1x128x16xf32, #tpu.memory_space<hbm>> -> memref<128x16xf32, #tpu.memory_space<hbm>>
      %dma_start3A_63 = arith.constant 0 : i32
      %dma_start3A_64 = tpu.memref_slice %arg6[%add3A_44, %dma_start3A_63] : memref<10240x16xf32, #tpu.memory_space<vmem_shared>> -> memref<128x16xf32, #tpu.memory_space<vmem_shared>>
      tpu.enqueue_dma source(%dma_start3A_64 : memref<128x16xf32, #tpu.memory_space<vmem_shared>>) target(%dma_start3A_62 : memref<128x16xf32, #tpu.memory_space<hbm>>) target_semaphore(%run_scoped3A : memref<!tpu.dma_semaphore, #tpu.memory_space<semaphore_mem>>)
      %dma_wait3A = arith.constant 0 : i32
      %dma_wait3A_65 = tpu.memref_slice %arg3[%arg0, %add3A_44, %dma_wait3A] : memref<2x10240x16xf32, #tpu.memory_space<hbm>> -> memref<1x128x16xf32, #tpu.memory_space<hbm>>
      %dma_wait3A_66 = tpu.memref_squeeze %dma_wait3A_65 : memref<1x128x16xf32, #tpu.memory_space<hbm>> -> memref<128x16xf32, #tpu.memory_space<hbm>>
      %dma_wait3A_67 = arith.constant 0 : i32
      %dma_wait3A_68 = tpu.memref_slice %arg6[%add3A_44, %dma_wait3A_67] : memref<10240x16xf32, #tpu.memory_space<vmem_shared>> -> memref<128x16xf32, #tpu.memory_space<vmem_shared>>
      tpu.wait_dma2 semaphore(%run_scoped3A : memref<!tpu.dma_semaphore, #tpu.memory_space<semaphore_mem>>) src(%dma_wait3A_68 : memref<128x16xf32, #tpu.memory_space<vmem_shared>>) dst(%dma_wait3A_66 : memref<128x16xf32, #tpu.memory_space<hbm>>)
      tpu.yield
    }) : () -> ()
    %mul3A_45 = arith.constant 640 : i32
    %mul3A_46 = arith.muli %arg1, %mul3A_45 : i32
    %add3A_47 = arith.constant 128 : i32
    %add3A_48 = arith.addi %mul3A_46, %add3A_47 : i32
    "tpu.region"() ({
      %run_scoped3A = tpu.sem_alloc : memref<!tpu.dma_semaphore, #tpu.memory_space<semaphore_mem>>
      %dma_start3A = arith.constant 0 : i32
      %dma_start3A_61 = tpu.memref_slice %arg3[%arg0, %add3A_48, %dma_start3A] : memref<2x10240x16xf32, #tpu.memory_space<hbm>> -> memref<1x128x16xf32, #tpu.memory_space<hbm>>
      %dma_start3A_62 = tpu.memref_squeeze %dma_start3A_61 : memref<1x128x16xf32, #tpu.memory_space<hbm>> -> memref<128x16xf32, #tpu.memory_space<hbm>>
      %dma_start3A_63 = arith.constant 0 : i32
      %dma_start3A_64 = tpu.memref_slice %arg6[%add3A_48, %dma_start3A_63] : memref<10240x16xf32, #tpu.memory_space<vmem_shared>> -> memref<128x16xf32, #tpu.memory_space<vmem_shared>>
      tpu.enqueue_dma source(%dma_start3A_64 : memref<128x16xf32, #tpu.memory_space<vmem_shared>>) target(%dma_start3A_62 : memref<128x16xf32, #tpu.memory_space<hbm>>) target_semaphore(%run_scoped3A : memref<!tpu.dma_semaphore, #tpu.memory_space<semaphore_mem>>)
      %dma_wait3A = arith.constant 0 : i32
      %dma_wait3A_65 = tpu.memref_slice %arg3[%arg0, %add3A_48, %dma_wait3A] : memref<2x10240x16xf32, #tpu.memory_space<hbm>> -> memref<1x128x16xf32, #tpu.memory_space<hbm>>
      %dma_wait3A_66 = tpu.memref_squeeze %dma_wait3A_65 : memref<1x128x16xf32, #tpu.memory_space<hbm>> -> memref<128x16xf32, #tpu.memory_space<hbm>>
      %dma_wait3A_67 = arith.constant 0 : i32
      %dma_wait3A_68 = tpu.memref_slice %arg6[%add3A_48, %dma_wait3A_67] : memref<10240x16xf32, #tpu.memory_space<vmem_shared>> -> memref<128x16xf32, #tpu.memory_space<vmem_shared>>
      tpu.wait_dma2 semaphore(%run_scoped3A : memref<!tpu.dma_semaphore, #tpu.memory_space<semaphore_mem>>) src(%dma_wait3A_68 : memref<128x16xf32, #tpu.memory_space<vmem_shared>>) dst(%dma_wait3A_66 : memref<128x16xf32, #tpu.memory_space<hbm>>)
      tpu.yield
    }) : () -> ()
    %mul3A_49 = arith.constant 640 : i32
    %mul3A_50 = arith.muli %arg1, %mul3A_49 : i32
    %add3A_51 = arith.constant 256 : i32
    %add3A_52 = arith.addi %mul3A_50, %add3A_51 : i32
    "tpu.region"() ({
      %run_scoped3A = tpu.sem_alloc : memref<!tpu.dma_semaphore, #tpu.memory_space<semaphore_mem>>
      %dma_start3A = arith.constant 0 : i32
      %dma_start3A_61 = tpu.memref_slice %arg3[%arg0, %add3A_52, %dma_start3A] : memref<2x10240x16xf32, #tpu.memory_space<hbm>> -> memref<1x128x16xf32, #tpu.memory_space<hbm>>
      %dma_start3A_62 = tpu.memref_squeeze %dma_start3A_61 : memref<1x128x16xf32, #tpu.memory_space<hbm>> -> memref<128x16xf32, #tpu.memory_space<hbm>>
      %dma_start3A_63 = arith.constant 0 : i32
      %dma_start3A_64 = tpu.memref_slice %arg6[%add3A_52, %dma_start3A_63] : memref<10240x16xf32, #tpu.memory_space<vmem_shared>> -> memref<128x16xf32, #tpu.memory_space<vmem_shared>>
      tpu.enqueue_dma source(%dma_start3A_64 : memref<128x16xf32, #tpu.memory_space<vmem_shared>>) target(%dma_start3A_62 : memref<128x16xf32, #tpu.memory_space<hbm>>) target_semaphore(%run_scoped3A : memref<!tpu.dma_semaphore, #tpu.memory_space<semaphore_mem>>)
      %dma_wait3A = arith.constant 0 : i32
      %dma_wait3A_65 = tpu.memref_slice %arg3[%arg0, %add3A_52, %dma_wait3A] : memref<2x10240x16xf32, #tpu.memory_space<hbm>> -> memref<1x128x16xf32, #tpu.memory_space<hbm>>
      %dma_wait3A_66 = tpu.memref_squeeze %dma_wait3A_65 : memref<1x128x16xf32, #tpu.memory_space<hbm>> -> memref<128x16xf32, #tpu.memory_space<hbm>>
      %dma_wait3A_67 = arith.constant 0 : i32
      %dma_wait3A_68 = tpu.memref_slice %arg6[%add3A_52, %dma_wait3A_67] : memref<10240x16xf32, #tpu.memory_space<vmem_shared>> -> memref<128x16xf32, #tpu.memory_space<vmem_shared>>
      tpu.wait_dma2 semaphore(%run_scoped3A : memref<!tpu.dma_semaphore, #tpu.memory_space<semaphore_mem>>) src(%dma_wait3A_68 : memref<128x16xf32, #tpu.memory_space<vmem_shared>>) dst(%dma_wait3A_66 : memref<128x16xf32, #tpu.memory_space<hbm>>)
      tpu.yield
    }) : () -> ()
    %mul3A_53 = arith.constant 640 : i32
    %mul3A_54 = arith.muli %arg1, %mul3A_53 : i32
    %add3A_55 = arith.constant 384 : i32
    %add3A_56 = arith.addi %mul3A_54, %add3A_55 : i32
    "tpu.region"() ({
      %run_scoped3A = tpu.sem_alloc : memref<!tpu.dma_semaphore, #tpu.memory_space<semaphore_mem>>
      %dma_start3A = arith.constant 0 : i32
      %dma_start3A_61 = tpu.memref_slice %arg3[%arg0, %add3A_56, %dma_start3A] : memref<2x10240x16xf32, #tpu.memory_space<hbm>> -> memref<1x128x16xf32, #tpu.memory_space<hbm>>
      %dma_start3A_62 = tpu.memref_squeeze %dma_start3A_61 : memref<1x128x16xf32, #tpu.memory_space<hbm>> -> memref<128x16xf32, #tpu.memory_space<hbm>>
      %dma_start3A_63 = arith.constant 0 : i32
      %dma_start3A_64 = tpu.memref_slice %arg6[%add3A_56, %dma_start3A_63] : memref<10240x16xf32, #tpu.memory_space<vmem_shared>> -> memref<128x16xf32, #tpu.memory_space<vmem_shared>>
      tpu.enqueue_dma source(%dma_start3A_64 : memref<128x16xf32, #tpu.memory_space<vmem_shared>>) target(%dma_start3A_62 : memref<128x16xf32, #tpu.memory_space<hbm>>) target_semaphore(%run_scoped3A : memref<!tpu.dma_semaphore, #tpu.memory_space<semaphore_mem>>)
      %dma_wait3A = arith.constant 0 : i32
      %dma_wait3A_65 = tpu.memref_slice %arg3[%arg0, %add3A_56, %dma_wait3A] : memref<2x10240x16xf32, #tpu.memory_space<hbm>> -> memref<1x128x16xf32, #tpu.memory_space<hbm>>
      %dma_wait3A_66 = tpu.memref_squeeze %dma_wait3A_65 : memref<1x128x16xf32, #tpu.memory_space<hbm>> -> memref<128x16xf32, #tpu.memory_space<hbm>>
      %dma_wait3A_67 = arith.constant 0 : i32
      %dma_wait3A_68 = tpu.memref_slice %arg6[%add3A_56, %dma_wait3A_67] : memref<10240x16xf32, #tpu.memory_space<vmem_shared>> -> memref<128x16xf32, #tpu.memory_space<vmem_shared>>
      tpu.wait_dma2 semaphore(%run_scoped3A : memref<!tpu.dma_semaphore, #tpu.memory_space<semaphore_mem>>) src(%dma_wait3A_68 : memref<128x16xf32, #tpu.memory_space<vmem_shared>>) dst(%dma_wait3A_66 : memref<128x16xf32, #tpu.memory_space<hbm>>)
      tpu.yield
    }) : () -> ()
    %mul3A_57 = arith.constant 640 : i32
    %mul3A_58 = arith.muli %arg1, %mul3A_57 : i32
    %add3A_59 = arith.constant 512 : i32
    %add3A_60 = arith.addi %mul3A_58, %add3A_59 : i32
    "tpu.region"() ({
      %run_scoped3A = tpu.sem_alloc : memref<!tpu.dma_semaphore, #tpu.memory_space<semaphore_mem>>
      %dma_start3A = arith.constant 0 : i32
      %dma_start3A_61 = tpu.memref_slice %arg3[%arg0, %add3A_60, %dma_start3A] : memref<2x10240x16xf32, #tpu.memory_space<hbm>> -> memref<1x128x16xf32, #tpu.memory_space<hbm>>
      %dma_start3A_62 = tpu.memref_squeeze %dma_start3A_61 : memref<1x128x16xf32, #tpu.memory_space<hbm>> -> memref<128x16xf32, #tpu.memory_space<hbm>>
      %dma_start3A_63 = arith.constant 0 : i32
      %dma_start3A_64 = tpu.memref_slice %arg6[%add3A_60, %dma_start3A_63] : memref<10240x16xf32, #tpu.memory_space<vmem_shared>> -> memref<128x16xf32, #tpu.memory_space<vmem_shared>>
      tpu.enqueue_dma source(%dma_start3A_64 : memref<128x16xf32, #tpu.memory_space<vmem_shared>>) target(%dma_start3A_62 : memref<128x16xf32, #tpu.memory_space<hbm>>) target_semaphore(%run_scoped3A : memref<!tpu.dma_semaphore, #tpu.memory_space<semaphore_mem>>)
      %dma_wait3A = arith.constant 0 : i32
      %dma_wait3A_65 = tpu.memref_slice %arg3[%arg0, %add3A_60, %dma_wait3A] : memref<2x10240x16xf32, #tpu.memory_space<hbm>> -> memref<1x128x16xf32, #tpu.memory_space<hbm>>
      %dma_wait3A_66 = tpu.memref_squeeze %dma_wait3A_65 : memref<1x128x16xf32, #tpu.memory_space<hbm>> -> memref<128x16xf32, #tpu.memory_space<hbm>>
      %dma_wait3A_67 = arith.constant 0 : i32
      %dma_wait3A_68 = tpu.memref_slice %arg6[%add3A_60, %dma_wait3A_67] : memref<10240x16xf32, #tpu.memory_space<vmem_shared>> -> memref<128x16xf32, #tpu.memory_space<vmem_shared>>
      tpu.wait_dma2 semaphore(%run_scoped3A : memref<!tpu.dma_semaphore, #tpu.memory_space<semaphore_mem>>) src(%dma_wait3A_68 : memref<128x16xf32, #tpu.memory_space<vmem_shared>>) dst(%dma_wait3A_66 : memref<128x16xf32, #tpu.memory_space<hbm>>)
      tpu.yield
    }) : () -> ()
    return
  }
}

#map = affine_map<(d0, d1) -> (0, 0)>
#map1 = affine_map<(d0, d1) -> (0, 0, 0)>
module attributes {stable_mosaic.version = 14 : i64} {
  func.func @_agg_body(%arg0: i32, %arg1: i32, %arg2: memref<5120x64xi32, #tpu.memory_space<hbm>>, %arg3: memref<5120x64xi32, #tpu.memory_space<hbm>>, %arg4: memref<10240x128xbf16, #tpu.memory_space<hbm>>, %arg5: memref<2x10240x128xbf16, #tpu.memory_space<hbm>>, %arg6: memref<32x64xi32, #tpu.memory_space<vmem>>, %arg7: memref<32x64xi32, #tpu.memory_space<vmem>>, %arg8: memref<64x128xbf16, #tpu.memory_space<vmem>>, %arg9: memref<64x128xbf16, #tpu.memory_space<vmem>>, %arg10: memref<64x128xbf16, #tpu.memory_space<vmem>>, %arg11: memref<64x128xbf16, #tpu.memory_space<vmem>>, %arg12: memref<10240x128xbf16, #tpu.memory_space<vmem_shared>>, %arg13: memref<!tpu.dma_semaphore, #tpu.memory_space<semaphore_mem>>, %arg14: memref<!tpu.dma_semaphore, #tpu.memory_space<semaphore_mem>>, %arg15: memref<!tpu.dma_semaphore, #tpu.memory_space<semaphore_mem>>, %arg16: memref<!tpu.dma_semaphore, #tpu.memory_space<semaphore_mem>>) attributes {dimension_semantics = [#tpu.dimension_semantics<core_parallel>, #tpu.dimension_semantics<subcore_parallel>], iteration_bounds = array<i64: 2, 16>, scalar_prefetch = 0 : i64, scratch_operands = 11 : i64, tpu.core_type = #tpu.core_type<sc_vector_subcore>, window_params = [{transform_indices = #map}, {transform_indices = #map}, {transform_indices = #map}, {transform_indices = #map1}]} {
    %mul3A = arith.constant 2 : i32
    %mul3A_0 = arith.muli %arg1, %mul3A : i32
    %add3A = arith.addi %mul3A_0, %arg0 : i32
    %scan3A = arith.constant 0 : i32
    %scan3A_1 = arith.constant 0 : i32
    %scan3A_2 = arith.constant 32 : i32
    %scan3A_3 = arith.addi %scan3A_1, %scan3A_2 : i32
    %scan3A_4 = arith.constant 1 : i32
    scf.for %scan3A_73 = %scan3A_1 to %scan3A_3 step %scan3A_4  : i32 {
      %mul3A_74 = arith.constant 2 : i32
      %mul3A_75 = arith.muli %mul3A_74, %scan3A_73 : i32
      %multiple_of3A = tpu.assume_multiple %mul3A_75, 2 : i32
      %broadcast_in_dim3A = arith.constant 0.000000e+00 : bf16
      %broadcast_in_dim3A_76 = vector.broadcast %broadcast_in_dim3A : bf16 to vector<2x16xbf16>
      %swap3A = arith.index_cast %multiple_of3A : i32 to index
      %swap3A_77 = arith.constant 0 : index
      %swap3A_78 = tpu.vector_load %arg8[%swap3A, %swap3A_77] {strides = array<i32>} : memref<64x128xbf16, #tpu.memory_space<vmem>>, vector<2x16xbf16>,
      %swap3A_79 = vector.shape_cast %swap3A_78 : vector<2x16xbf16> to vector<2x16xbf16>
      %swap3A_80 = vector.shape_cast %broadcast_in_dim3A_76 : vector<2x16xbf16> to vector<2x16xbf16>
      tpu.vector_store %arg8[%swap3A, %swap3A_77], %swap3A_80 {strides = array<i32>} : memref<64x128xbf16, #tpu.memory_space<vmem>>, vector<2x16xbf16>,
      %broadcast_in_dim3A_81 = arith.constant 0.000000e+00 : bf16
      %broadcast_in_dim3A_82 = vector.broadcast %broadcast_in_dim3A_81 : bf16 to vector<2x16xbf16>
      %swap3A_83 = arith.index_cast %multiple_of3A : i32 to index
      %swap3A_84 = arith.constant 16 : index
      %swap3A_85 = tpu.vector_load %arg8[%swap3A_83, %swap3A_84] {strides = array<i32>} : memref<64x128xbf16, #tpu.memory_space<vmem>>, vector<2x16xbf16>,
      %swap3A_86 = vector.shape_cast %swap3A_85 : vector<2x16xbf16> to vector<2x16xbf16>
      %swap3A_87 = vector.shape_cast %broadcast_in_dim3A_82 : vector<2x16xbf16> to vector<2x16xbf16>
      tpu.vector_store %arg8[%swap3A_83, %swap3A_84], %swap3A_87 {strides = array<i32>} : memref<64x128xbf16, #tpu.memory_space<vmem>>, vector<2x16xbf16>,
      %broadcast_in_dim3A_88 = arith.constant 0.000000e+00 : bf16
      %broadcast_in_dim3A_89 = vector.broadcast %broadcast_in_dim3A_88 : bf16 to vector<2x16xbf16>
      %swap3A_90 = arith.index_cast %multiple_of3A : i32 to index
      %swap3A_91 = arith.constant 32 : index
      %swap3A_92 = tpu.vector_load %arg8[%swap3A_90, %swap3A_91] {strides = array<i32>} : memref<64x128xbf16, #tpu.memory_space<vmem>>, vector<2x16xbf16>,
      %swap3A_93 = vector.shape_cast %swap3A_92 : vector<2x16xbf16> to vector<2x16xbf16>
      %swap3A_94 = vector.shape_cast %broadcast_in_dim3A_89 : vector<2x16xbf16> to vector<2x16xbf16>
      tpu.vector_store %arg8[%swap3A_90, %swap3A_91], %swap3A_94 {strides = array<i32>} : memref<64x128xbf16, #tpu.memory_space<vmem>>, vector<2x16xbf16>,
      %broadcast_in_dim3A_95 = arith.constant 0.000000e+00 : bf16
      %broadcast_in_dim3A_96 = vector.broadcast %broadcast_in_dim3A_95 : bf16 to vector<2x16xbf16>
      %swap3A_97 = arith.index_cast %multiple_of3A : i32 to index
      %swap3A_98 = arith.constant 48 : index
      %swap3A_99 = tpu.vector_load %arg8[%swap3A_97, %swap3A_98] {strides = array<i32>} : memref<64x128xbf16, #tpu.memory_space<vmem>>, vector<2x16xbf16>,
      %swap3A_100 = vector.shape_cast %swap3A_99 : vector<2x16xbf16> to vector<2x16xbf16>
      %swap3A_101 = vector.shape_cast %broadcast_in_dim3A_96 : vector<2x16xbf16> to vector<2x16xbf16>
      tpu.vector_store %arg8[%swap3A_97, %swap3A_98], %swap3A_101 {strides = array<i32>} : memref<64x128xbf16, #tpu.memory_space<vmem>>, vector<2x16xbf16>,
      %broadcast_in_dim3A_102 = arith.constant 0.000000e+00 : bf16
      %broadcast_in_dim3A_103 = vector.broadcast %broadcast_in_dim3A_102 : bf16 to vector<2x16xbf16>
      %swap3A_104 = arith.index_cast %multiple_of3A : i32 to index
      %swap3A_105 = arith.constant 64 : index
      %swap3A_106 = tpu.vector_load %arg8[%swap3A_104, %swap3A_105] {strides = array<i32>} : memref<64x128xbf16, #tpu.memory_space<vmem>>, vector<2x16xbf16>,
      %swap3A_107 = vector.shape_cast %swap3A_106 : vector<2x16xbf16> to vector<2x16xbf16>
      %swap3A_108 = vector.shape_cast %broadcast_in_dim3A_103 : vector<2x16xbf16> to vector<2x16xbf16>
      tpu.vector_store %arg8[%swap3A_104, %swap3A_105], %swap3A_108 {strides = array<i32>} : memref<64x128xbf16, #tpu.memory_space<vmem>>, vector<2x16xbf16>,
      %broadcast_in_dim3A_109 = arith.constant 0.000000e+00 : bf16
      %broadcast_in_dim3A_110 = vector.broadcast %broadcast_in_dim3A_109 : bf16 to vector<2x16xbf16>
      %swap3A_111 = arith.index_cast %multiple_of3A : i32 to index
      %swap3A_112 = arith.constant 80 : index
      %swap3A_113 = tpu.vector_load %arg8[%swap3A_111, %swap3A_112] {strides = array<i32>} : memref<64x128xbf16, #tpu.memory_space<vmem>>, vector<2x16xbf16>,
      %swap3A_114 = vector.shape_cast %swap3A_113 : vector<2x16xbf16> to vector<2x16xbf16>
      %swap3A_115 = vector.shape_cast %broadcast_in_dim3A_110 : vector<2x16xbf16> to vector<2x16xbf16>
      tpu.vector_store %arg8[%swap3A_111, %swap3A_112], %swap3A_115 {strides = array<i32>} : memref<64x128xbf16, #tpu.memory_space<vmem>>, vector<2x16xbf16>,
      %broadcast_in_dim3A_116 = arith.constant 0.000000e+00 : bf16
      %broadcast_in_dim3A_117 = vector.broadcast %broadcast_in_dim3A_116 : bf16 to vector<2x16xbf16>
      %swap3A_118 = arith.index_cast %multiple_of3A : i32 to index
      %swap3A_119 = arith.constant 96 : index
      %swap3A_120 = tpu.vector_load %arg8[%swap3A_118, %swap3A_119] {strides = array<i32>} : memref<64x128xbf16, #tpu.memory_space<vmem>>, vector<2x16xbf16>,
      %swap3A_121 = vector.shape_cast %swap3A_120 : vector<2x16xbf16> to vector<2x16xbf16>
      %swap3A_122 = vector.shape_cast %broadcast_in_dim3A_117 : vector<2x16xbf16> to vector<2x16xbf16>
      tpu.vector_store %arg8[%swap3A_118, %swap3A_119], %swap3A_122 {strides = array<i32>} : memref<64x128xbf16, #tpu.memory_space<vmem>>, vector<2x16xbf16>,
      %broadcast_in_dim3A_123 = arith.constant 0.000000e+00 : bf16
      %broadcast_in_dim3A_124 = vector.broadcast %broadcast_in_dim3A_123 : bf16 to vector<2x16xbf16>
      %swap3A_125 = arith.index_cast %multiple_of3A : i32 to index
      %swap3A_126 = arith.constant 112 : index
      %swap3A_127 = tpu.vector_load %arg8[%swap3A_125, %swap3A_126] {strides = array<i32>} : memref<64x128xbf16, #tpu.memory_space<vmem>>, vector<2x16xbf16>,
      %swap3A_128 = vector.shape_cast %swap3A_127 : vector<2x16xbf16> to vector<2x16xbf16>
      %swap3A_129 = vector.shape_cast %broadcast_in_dim3A_124 : vector<2x16xbf16> to vector<2x16xbf16>
      tpu.vector_store %arg8[%swap3A_125, %swap3A_126], %swap3A_129 {strides = array<i32>} : memref<64x128xbf16, #tpu.memory_space<vmem>>, vector<2x16xbf16>,
    }
    %scan3A_5 = arith.constant 32 : i32
    %mul3A_6 = arith.constant 640 : i32
    %mul3A_7 = arith.muli %arg1, %mul3A_6 : i32
    %add3A_8 = arith.constant 0 : i32
    %add3A_9 = arith.addi %mul3A_7, %add3A_8 : i32
    "tpu.region"() ({
      %run_scoped3A = tpu.sem_alloc : memref<!tpu.dma_semaphore, #tpu.memory_space<semaphore_mem>>
      %dma_start3A = arith.constant 0 : i32
      %dma_start3A_73 = arith.constant 0 : i32
      %dma_start3A_74 = tpu.memref_slice %arg8[%dma_start3A, %dma_start3A_73] : memref<64x128xbf16, #tpu.memory_space<vmem>> -> memref<64x128xbf16, #tpu.memory_space<vmem>>
      %dma_start3A_75 = arith.constant 0 : i32
      %dma_start3A_76 = tpu.memref_slice %arg12[%add3A_9, %dma_start3A_75] : memref<10240x128xbf16, #tpu.memory_space<vmem_shared>> -> memref<64x128xbf16, #tpu.memory_space<vmem_shared>>
      %dma_start3A_77 = arith.constant 0 : i32
      %dma_start3A_78 = tpu.memref_slice %arg12[%add3A_9, %dma_start3A_77] : memref<10240x128xbf16, #tpu.memory_space<vmem_shared>> -> memref<64x128xbf16, #tpu.memory_space<vmem_shared>>
      %dma_start3A_79 = arith.constant 0 : i32
      %dma_start3A_80 = arith.constant 0 : i32
      %dma_start3A_81 = tpu.memref_slice %arg8[%dma_start3A_79, %dma_start3A_80] : memref<64x128xbf16, #tpu.memory_space<vmem>> -> memref<64x128xbf16, #tpu.memory_space<vmem>>
      tpu.enqueue_dma source(%dma_start3A_81 : memref<64x128xbf16, #tpu.memory_space<vmem>>) target(%dma_start3A_78 : memref<64x128xbf16, #tpu.memory_space<vmem_shared>>) target_semaphore(%run_scoped3A : memref<!tpu.dma_semaphore, #tpu.memory_space<semaphore_mem>>)
      %dma_wait3A = arith.constant 0 : i32
      %dma_wait3A_82 = arith.constant 0 : i32
      %dma_wait3A_83 = tpu.memref_slice %arg8[%dma_wait3A, %dma_wait3A_82] : memref<64x128xbf16, #tpu.memory_space<vmem>> -> memref<64x128xbf16, #tpu.memory_space<vmem>>
      %dma_wait3A_84 = arith.constant 0 : i32
      %dma_wait3A_85 = tpu.memref_slice %arg12[%add3A_9, %dma_wait3A_84] : memref<10240x128xbf16, #tpu.memory_space<vmem_shared>> -> memref<64x128xbf16, #tpu.memory_space<vmem_shared>>
      %dma_wait3A_86 = arith.constant 0 : i32
      %dma_wait3A_87 = tpu.memref_slice %arg12[%add3A_9, %dma_wait3A_86] : memref<10240x128xbf16, #tpu.memory_space<vmem_shared>> -> memref<64x128xbf16, #tpu.memory_space<vmem_shared>>
      %dma_wait3A_88 = arith.constant 0 : i32
      %dma_wait3A_89 = arith.constant 0 : i32
      %dma_wait3A_90 = tpu.memref_slice %arg8[%dma_wait3A_88, %dma_wait3A_89] : memref<64x128xbf16, #tpu.memory_space<vmem>> -> memref<64x128xbf16, #tpu.memory_space<vmem>>
      tpu.wait_dma2 semaphore(%run_scoped3A : memref<!tpu.dma_semaphore, #tpu.memory_space<semaphore_mem>>) src(%dma_wait3A_90 : memref<64x128xbf16, #tpu.memory_space<vmem>>) dst(%dma_wait3A_87 : memref<64x128xbf16, #tpu.memory_space<vmem_shared>>)
      tpu.yield
    }) : () -> ()
    %mul3A_10 = arith.constant 640 : i32
    %mul3A_11 = arith.muli %arg1, %mul3A_10 : i32
    %add3A_12 = arith.constant 64 : i32
    %add3A_13 = arith.addi %mul3A_11, %add3A_12 : i32
    "tpu.region"() ({
      %run_scoped3A = tpu.sem_alloc : memref<!tpu.dma_semaphore, #tpu.memory_space<semaphore_mem>>
      %dma_start3A = arith.constant 0 : i32
      %dma_start3A_73 = arith.constant 0 : i32
      %dma_start3A_74 = tpu.memref_slice %arg8[%dma_start3A, %dma_start3A_73] : memref<64x128xbf16, #tpu.memory_space<vmem>> -> memref<64x128xbf16, #tpu.memory_space<vmem>>
      %dma_start3A_75 = arith.constant 0 : i32
      %dma_start3A_76 = tpu.memref_slice %arg12[%add3A_13, %dma_start3A_75] : memref<10240x128xbf16, #tpu.memory_space<vmem_shared>> -> memref<64x128xbf16, #tpu.memory_space<vmem_shared>>
      %dma_start3A_77 = arith.constant 0 : i32
      %dma_start3A_78 = tpu.memref_slice %arg12[%add3A_13, %dma_start3A_77] : memref<10240x128xbf16, #tpu.memory_space<vmem_shared>> -> memref<64x128xbf16, #tpu.memory_space<vmem_shared>>
      %dma_start3A_79 = arith.constant 0 : i32
      %dma_start3A_80 = arith.constant 0 : i32
      %dma_start3A_81 = tpu.memref_slice %arg8[%dma_start3A_79, %dma_start3A_80] : memref<64x128xbf16, #tpu.memory_space<vmem>> -> memref<64x128xbf16, #tpu.memory_space<vmem>>
      tpu.enqueue_dma source(%dma_start3A_81 : memref<64x128xbf16, #tpu.memory_space<vmem>>) target(%dma_start3A_78 : memref<64x128xbf16, #tpu.memory_space<vmem_shared>>) target_semaphore(%run_scoped3A : memref<!tpu.dma_semaphore, #tpu.memory_space<semaphore_mem>>)
      %dma_wait3A = arith.constant 0 : i32
      %dma_wait3A_82 = arith.constant 0 : i32
      %dma_wait3A_83 = tpu.memref_slice %arg8[%dma_wait3A, %dma_wait3A_82] : memref<64x128xbf16, #tpu.memory_space<vmem>> -> memref<64x128xbf16, #tpu.memory_space<vmem>>
      %dma_wait3A_84 = arith.constant 0 : i32
      %dma_wait3A_85 = tpu.memref_slice %arg12[%add3A_13, %dma_wait3A_84] : memref<10240x128xbf16, #tpu.memory_space<vmem_shared>> -> memref<64x128xbf16, #tpu.memory_space<vmem_shared>>
      %dma_wait3A_86 = arith.constant 0 : i32
      %dma_wait3A_87 = tpu.memref_slice %arg12[%add3A_13, %dma_wait3A_86] : memref<10240x128xbf16, #tpu.memory_space<vmem_shared>> -> memref<64x128xbf16, #tpu.memory_space<vmem_shared>>
      %dma_wait3A_88 = arith.constant 0 : i32
      %dma_wait3A_89 = arith.constant 0 : i32
      %dma_wait3A_90 = tpu.memref_slice %arg8[%dma_wait3A_88, %dma_wait3A_89] : memref<64x128xbf16, #tpu.memory_space<vmem>> -> memref<64x128xbf16, #tpu.memory_space<vmem>>
      tpu.wait_dma2 semaphore(%run_scoped3A : memref<!tpu.dma_semaphore, #tpu.memory_space<semaphore_mem>>) src(%dma_wait3A_90 : memref<64x128xbf16, #tpu.memory_space<vmem>>) dst(%dma_wait3A_87 : memref<64x128xbf16, #tpu.memory_space<vmem_shared>>)
      tpu.yield
    }) : () -> ()
    %mul3A_14 = arith.constant 640 : i32
    %mul3A_15 = arith.muli %arg1, %mul3A_14 : i32
    %add3A_16 = arith.constant 128 : i32
    %add3A_17 = arith.addi %mul3A_15, %add3A_16 : i32
    "tpu.region"() ({
      %run_scoped3A = tpu.sem_alloc : memref<!tpu.dma_semaphore, #tpu.memory_space<semaphore_mem>>
      %dma_start3A = arith.constant 0 : i32
      %dma_start3A_73 = arith.constant 0 : i32
      %dma_start3A_74 = tpu.memref_slice %arg8[%dma_start3A, %dma_start3A_73] : memref<64x128xbf16, #tpu.memory_space<vmem>> -> memref<64x128xbf16, #tpu.memory_space<vmem>>
      %dma_start3A_75 = arith.constant 0 : i32
      %dma_start3A_76 = tpu.memref_slice %arg12[%add3A_17, %dma_start3A_75] : memref<10240x128xbf16, #tpu.memory_space<vmem_shared>> -> memref<64x128xbf16, #tpu.memory_space<vmem_shared>>
      %dma_start3A_77 = arith.constant 0 : i32
      %dma_start3A_78 = tpu.memref_slice %arg12[%add3A_17, %dma_start3A_77] : memref<10240x128xbf16, #tpu.memory_space<vmem_shared>> -> memref<64x128xbf16, #tpu.memory_space<vmem_shared>>
      %dma_start3A_79 = arith.constant 0 : i32
      %dma_start3A_80 = arith.constant 0 : i32
      %dma_start3A_81 = tpu.memref_slice %arg8[%dma_start3A_79, %dma_start3A_80] : memref<64x128xbf16, #tpu.memory_space<vmem>> -> memref<64x128xbf16, #tpu.memory_space<vmem>>
      tpu.enqueue_dma source(%dma_start3A_81 : memref<64x128xbf16, #tpu.memory_space<vmem>>) target(%dma_start3A_78 : memref<64x128xbf16, #tpu.memory_space<vmem_shared>>) target_semaphore(%run_scoped3A : memref<!tpu.dma_semaphore, #tpu.memory_space<semaphore_mem>>)
      %dma_wait3A = arith.constant 0 : i32
      %dma_wait3A_82 = arith.constant 0 : i32
      %dma_wait3A_83 = tpu.memref_slice %arg8[%dma_wait3A, %dma_wait3A_82] : memref<64x128xbf16, #tpu.memory_space<vmem>> -> memref<64x128xbf16, #tpu.memory_space<vmem>>
      %dma_wait3A_84 = arith.constant 0 : i32
      %dma_wait3A_85 = tpu.memref_slice %arg12[%add3A_17, %dma_wait3A_84] : memref<10240x128xbf16, #tpu.memory_space<vmem_shared>> -> memref<64x128xbf16, #tpu.memory_space<vmem_shared>>
      %dma_wait3A_86 = arith.constant 0 : i32
      %dma_wait3A_87 = tpu.memref_slice %arg12[%add3A_17, %dma_wait3A_86] : memref<10240x128xbf16, #tpu.memory_space<vmem_shared>> -> memref<64x128xbf16, #tpu.memory_space<vmem_shared>>
      %dma_wait3A_88 = arith.constant 0 : i32
      %dma_wait3A_89 = arith.constant 0 : i32
      %dma_wait3A_90 = tpu.memref_slice %arg8[%dma_wait3A_88, %dma_wait3A_89] : memref<64x128xbf16, #tpu.memory_space<vmem>> -> memref<64x128xbf16, #tpu.memory_space<vmem>>
      tpu.wait_dma2 semaphore(%run_scoped3A : memref<!tpu.dma_semaphore, #tpu.memory_space<semaphore_mem>>) src(%dma_wait3A_90 : memref<64x128xbf16, #tpu.memory_space<vmem>>) dst(%dma_wait3A_87 : memref<64x128xbf16, #tpu.memory_space<vmem_shared>>)
      tpu.yield
    }) : () -> ()
    %mul3A_18 = arith.constant 640 : i32
    %mul3A_19 = arith.muli %arg1, %mul3A_18 : i32
    %add3A_20 = arith.constant 192 : i32
    %add3A_21 = arith.addi %mul3A_19, %add3A_20 : i32
    "tpu.region"() ({
      %run_scoped3A = tpu.sem_alloc : memref<!tpu.dma_semaphore, #tpu.memory_space<semaphore_mem>>
      %dma_start3A = arith.constant 0 : i32
      %dma_start3A_73 = arith.constant 0 : i32
      %dma_start3A_74 = tpu.memref_slice %arg8[%dma_start3A, %dma_start3A_73] : memref<64x128xbf16, #tpu.memory_space<vmem>> -> memref<64x128xbf16, #tpu.memory_space<vmem>>
      %dma_start3A_75 = arith.constant 0 : i32
      %dma_start3A_76 = tpu.memref_slice %arg12[%add3A_21, %dma_start3A_75] : memref<10240x128xbf16, #tpu.memory_space<vmem_shared>> -> memref<64x128xbf16, #tpu.memory_space<vmem_shared>>
      %dma_start3A_77 = arith.constant 0 : i32
      %dma_start3A_78 = tpu.memref_slice %arg12[%add3A_21, %dma_start3A_77] : memref<10240x128xbf16, #tpu.memory_space<vmem_shared>> -> memref<64x128xbf16, #tpu.memory_space<vmem_shared>>
      %dma_start3A_79 = arith.constant 0 : i32
      %dma_start3A_80 = arith.constant 0 : i32
      %dma_start3A_81 = tpu.memref_slice %arg8[%dma_start3A_79, %dma_start3A_80] : memref<64x128xbf16, #tpu.memory_space<vmem>> -> memref<64x128xbf16, #tpu.memory_space<vmem>>
      tpu.enqueue_dma source(%dma_start3A_81 : memref<64x128xbf16, #tpu.memory_space<vmem>>) target(%dma_start3A_78 : memref<64x128xbf16, #tpu.memory_space<vmem_shared>>) target_semaphore(%run_scoped3A : memref<!tpu.dma_semaphore, #tpu.memory_space<semaphore_mem>>)
      %dma_wait3A = arith.constant 0 : i32
      %dma_wait3A_82 = arith.constant 0 : i32
      %dma_wait3A_83 = tpu.memref_slice %arg8[%dma_wait3A, %dma_wait3A_82] : memref<64x128xbf16, #tpu.memory_space<vmem>> -> memref<64x128xbf16, #tpu.memory_space<vmem>>
      %dma_wait3A_84 = arith.constant 0 : i32
      %dma_wait3A_85 = tpu.memref_slice %arg12[%add3A_21, %dma_wait3A_84] : memref<10240x128xbf16, #tpu.memory_space<vmem_shared>> -> memref<64x128xbf16, #tpu.memory_space<vmem_shared>>
      %dma_wait3A_86 = arith.constant 0 : i32
      %dma_wait3A_87 = tpu.memref_slice %arg12[%add3A_21, %dma_wait3A_86] : memref<10240x128xbf16, #tpu.memory_space<vmem_shared>> -> memref<64x128xbf16, #tpu.memory_space<vmem_shared>>
      %dma_wait3A_88 = arith.constant 0 : i32
      %dma_wait3A_89 = arith.constant 0 : i32
      %dma_wait3A_90 = tpu.memref_slice %arg8[%dma_wait3A_88, %dma_wait3A_89] : memref<64x128xbf16, #tpu.memory_space<vmem>> -> memref<64x128xbf16, #tpu.memory_space<vmem>>
      tpu.wait_dma2 semaphore(%run_scoped3A : memref<!tpu.dma_semaphore, #tpu.memory_space<semaphore_mem>>) src(%dma_wait3A_90 : memref<64x128xbf16, #tpu.memory_space<vmem>>) dst(%dma_wait3A_87 : memref<64x128xbf16, #tpu.memory_space<vmem_shared>>)
      tpu.yield
    }) : () -> ()
    %mul3A_22 = arith.constant 640 : i32
    %mul3A_23 = arith.muli %arg1, %mul3A_22 : i32
    %add3A_24 = arith.constant 256 : i32
    %add3A_25 = arith.addi %mul3A_23, %add3A_24 : i32
    "tpu.region"() ({
      %run_scoped3A = tpu.sem_alloc : memref<!tpu.dma_semaphore, #tpu.memory_space<semaphore_mem>>
      %dma_start3A = arith.constant 0 : i32
      %dma_start3A_73 = arith.constant 0 : i32
      %dma_start3A_74 = tpu.memref_slice %arg8[%dma_start3A, %dma_start3A_73] : memref<64x128xbf16, #tpu.memory_space<vmem>> -> memref<64x128xbf16, #tpu.memory_space<vmem>>
      %dma_start3A_75 = arith.constant 0 : i32
      %dma_start3A_76 = tpu.memref_slice %arg12[%add3A_25, %dma_start3A_75] : memref<10240x128xbf16, #tpu.memory_space<vmem_shared>> -> memref<64x128xbf16, #tpu.memory_space<vmem_shared>>
      %dma_start3A_77 = arith.constant 0 : i32
      %dma_start3A_78 = tpu.memref_slice %arg12[%add3A_25, %dma_start3A_77] : memref<10240x128xbf16, #tpu.memory_space<vmem_shared>> -> memref<64x128xbf16, #tpu.memory_space<vmem_shared>>
      %dma_start3A_79 = arith.constant 0 : i32
      %dma_start3A_80 = arith.constant 0 : i32
      %dma_start3A_81 = tpu.memref_slice %arg8[%dma_start3A_79, %dma_start3A_80] : memref<64x128xbf16, #tpu.memory_space<vmem>> -> memref<64x128xbf16, #tpu.memory_space<vmem>>
      tpu.enqueue_dma source(%dma_start3A_81 : memref<64x128xbf16, #tpu.memory_space<vmem>>) target(%dma_start3A_78 : memref<64x128xbf16, #tpu.memory_space<vmem_shared>>) target_semaphore(%run_scoped3A : memref<!tpu.dma_semaphore, #tpu.memory_space<semaphore_mem>>)
      %dma_wait3A = arith.constant 0 : i32
      %dma_wait3A_82 = arith.constant 0 : i32
      %dma_wait3A_83 = tpu.memref_slice %arg8[%dma_wait3A, %dma_wait3A_82] : memref<64x128xbf16, #tpu.memory_space<vmem>> -> memref<64x128xbf16, #tpu.memory_space<vmem>>
      %dma_wait3A_84 = arith.constant 0 : i32
      %dma_wait3A_85 = tpu.memref_slice %arg12[%add3A_25, %dma_wait3A_84] : memref<10240x128xbf16, #tpu.memory_space<vmem_shared>> -> memref<64x128xbf16, #tpu.memory_space<vmem_shared>>
      %dma_wait3A_86 = arith.constant 0 : i32
      %dma_wait3A_87 = tpu.memref_slice %arg12[%add3A_25, %dma_wait3A_86] : memref<10240x128xbf16, #tpu.memory_space<vmem_shared>> -> memref<64x128xbf16, #tpu.memory_space<vmem_shared>>
      %dma_wait3A_88 = arith.constant 0 : i32
      %dma_wait3A_89 = arith.constant 0 : i32
      %dma_wait3A_90 = tpu.memref_slice %arg8[%dma_wait3A_88, %dma_wait3A_89] : memref<64x128xbf16, #tpu.memory_space<vmem>> -> memref<64x128xbf16, #tpu.memory_space<vmem>>
      tpu.wait_dma2 semaphore(%run_scoped3A : memref<!tpu.dma_semaphore, #tpu.memory_space<semaphore_mem>>) src(%dma_wait3A_90 : memref<64x128xbf16, #tpu.memory_space<vmem>>) dst(%dma_wait3A_87 : memref<64x128xbf16, #tpu.memory_space<vmem_shared>>)
      tpu.yield
    }) : () -> ()
    %mul3A_26 = arith.constant 640 : i32
    %mul3A_27 = arith.muli %arg1, %mul3A_26 : i32
    %add3A_28 = arith.constant 320 : i32
    %add3A_29 = arith.addi %mul3A_27, %add3A_28 : i32
    "tpu.region"() ({
      %run_scoped3A = tpu.sem_alloc : memref<!tpu.dma_semaphore, #tpu.memory_space<semaphore_mem>>
      %dma_start3A = arith.constant 0 : i32
      %dma_start3A_73 = arith.constant 0 : i32
      %dma_start3A_74 = tpu.memref_slice %arg8[%dma_start3A, %dma_start3A_73] : memref<64x128xbf16, #tpu.memory_space<vmem>> -> memref<64x128xbf16, #tpu.memory_space<vmem>>
      %dma_start3A_75 = arith.constant 0 : i32
      %dma_start3A_76 = tpu.memref_slice %arg12[%add3A_29, %dma_start3A_75] : memref<10240x128xbf16, #tpu.memory_space<vmem_shared>> -> memref<64x128xbf16, #tpu.memory_space<vmem_shared>>
      %dma_start3A_77 = arith.constant 0 : i32
      %dma_start3A_78 = tpu.memref_slice %arg12[%add3A_29, %dma_start3A_77] : memref<10240x128xbf16, #tpu.memory_space<vmem_shared>> -> memref<64x128xbf16, #tpu.memory_space<vmem_shared>>
      %dma_start3A_79 = arith.constant 0 : i32
      %dma_start3A_80 = arith.constant 0 : i32
      %dma_start3A_81 = tpu.memref_slice %arg8[%dma_start3A_79, %dma_start3A_80] : memref<64x128xbf16, #tpu.memory_space<vmem>> -> memref<64x128xbf16, #tpu.memory_space<vmem>>
      tpu.enqueue_dma source(%dma_start3A_81 : memref<64x128xbf16, #tpu.memory_space<vmem>>) target(%dma_start3A_78 : memref<64x128xbf16, #tpu.memory_space<vmem_shared>>) target_semaphore(%run_scoped3A : memref<!tpu.dma_semaphore, #tpu.memory_space<semaphore_mem>>)
      %dma_wait3A = arith.constant 0 : i32
      %dma_wait3A_82 = arith.constant 0 : i32
      %dma_wait3A_83 = tpu.memref_slice %arg8[%dma_wait3A, %dma_wait3A_82] : memref<64x128xbf16, #tpu.memory_space<vmem>> -> memref<64x128xbf16, #tpu.memory_space<vmem>>
      %dma_wait3A_84 = arith.constant 0 : i32
      %dma_wait3A_85 = tpu.memref_slice %arg12[%add3A_29, %dma_wait3A_84] : memref<10240x128xbf16, #tpu.memory_space<vmem_shared>> -> memref<64x128xbf16, #tpu.memory_space<vmem_shared>>
      %dma_wait3A_86 = arith.constant 0 : i32
      %dma_wait3A_87 = tpu.memref_slice %arg12[%add3A_29, %dma_wait3A_86] : memref<10240x128xbf16, #tpu.memory_space<vmem_shared>> -> memref<64x128xbf16, #tpu.memory_space<vmem_shared>>
      %dma_wait3A_88 = arith.constant 0 : i32
      %dma_wait3A_89 = arith.constant 0 : i32
      %dma_wait3A_90 = tpu.memref_slice %arg8[%dma_wait3A_88, %dma_wait3A_89] : memref<64x128xbf16, #tpu.memory_space<vmem>> -> memref<64x128xbf16, #tpu.memory_space<vmem>>
      tpu.wait_dma2 semaphore(%run_scoped3A : memref<!tpu.dma_semaphore, #tpu.memory_space<semaphore_mem>>) src(%dma_wait3A_90 : memref<64x128xbf16, #tpu.memory_space<vmem>>) dst(%dma_wait3A_87 : memref<64x128xbf16, #tpu.memory_space<vmem_shared>>)
      tpu.yield
    }) : () -> ()
    %mul3A_30 = arith.constant 640 : i32
    %mul3A_31 = arith.muli %arg1, %mul3A_30 : i32
    %add3A_32 = arith.constant 384 : i32
    %add3A_33 = arith.addi %mul3A_31, %add3A_32 : i32
    "tpu.region"() ({
      %run_scoped3A = tpu.sem_alloc : memref<!tpu.dma_semaphore, #tpu.memory_space<semaphore_mem>>
      %dma_start3A = arith.constant 0 : i32
      %dma_start3A_73 = arith.constant 0 : i32
      %dma_start3A_74 = tpu.memref_slice %arg8[%dma_start3A, %dma_start3A_73] : memref<64x128xbf16, #tpu.memory_space<vmem>> -> memref<64x128xbf16, #tpu.memory_space<vmem>>
      %dma_start3A_75 = arith.constant 0 : i32
      %dma_start3A_76 = tpu.memref_slice %arg12[%add3A_33, %dma_start3A_75] : memref<10240x128xbf16, #tpu.memory_space<vmem_shared>> -> memref<64x128xbf16, #tpu.memory_space<vmem_shared>>
      %dma_start3A_77 = arith.constant 0 : i32
      %dma_start3A_78 = tpu.memref_slice %arg12[%add3A_33, %dma_start3A_77] : memref<10240x128xbf16, #tpu.memory_space<vmem_shared>> -> memref<64x128xbf16, #tpu.memory_space<vmem_shared>>
      %dma_start3A_79 = arith.constant 0 : i32
      %dma_start3A_80 = arith.constant 0 : i32
      %dma_start3A_81 = tpu.memref_slice %arg8[%dma_start3A_79, %dma_start3A_80] : memref<64x128xbf16, #tpu.memory_space<vmem>> -> memref<64x128xbf16, #tpu.memory_space<vmem>>
      tpu.enqueue_dma source(%dma_start3A_81 : memref<64x128xbf16, #tpu.memory_space<vmem>>) target(%dma_start3A_78 : memref<64x128xbf16, #tpu.memory_space<vmem_shared>>) target_semaphore(%run_scoped3A : memref<!tpu.dma_semaphore, #tpu.memory_space<semaphore_mem>>)
      %dma_wait3A = arith.constant 0 : i32
      %dma_wait3A_82 = arith.constant 0 : i32
      %dma_wait3A_83 = tpu.memref_slice %arg8[%dma_wait3A, %dma_wait3A_82] : memref<64x128xbf16, #tpu.memory_space<vmem>> -> memref<64x128xbf16, #tpu.memory_space<vmem>>
      %dma_wait3A_84 = arith.constant 0 : i32
      %dma_wait3A_85 = tpu.memref_slice %arg12[%add3A_33, %dma_wait3A_84] : memref<10240x128xbf16, #tpu.memory_space<vmem_shared>> -> memref<64x128xbf16, #tpu.memory_space<vmem_shared>>
      %dma_wait3A_86 = arith.constant 0 : i32
      %dma_wait3A_87 = tpu.memref_slice %arg12[%add3A_33, %dma_wait3A_86] : memref<10240x128xbf16, #tpu.memory_space<vmem_shared>> -> memref<64x128xbf16, #tpu.memory_space<vmem_shared>>
      %dma_wait3A_88 = arith.constant 0 : i32
      %dma_wait3A_89 = arith.constant 0 : i32
      %dma_wait3A_90 = tpu.memref_slice %arg8[%dma_wait3A_88, %dma_wait3A_89] : memref<64x128xbf16, #tpu.memory_space<vmem>> -> memref<64x128xbf16, #tpu.memory_space<vmem>>
      tpu.wait_dma2 semaphore(%run_scoped3A : memref<!tpu.dma_semaphore, #tpu.memory_space<semaphore_mem>>) src(%dma_wait3A_90 : memref<64x128xbf16, #tpu.memory_space<vmem>>) dst(%dma_wait3A_87 : memref<64x128xbf16, #tpu.memory_space<vmem_shared>>)
      tpu.yield
    }) : () -> ()
    %mul3A_34 = arith.constant 640 : i32
    %mul3A_35 = arith.muli %arg1, %mul3A_34 : i32
    %add3A_36 = arith.constant 448 : i32
    %add3A_37 = arith.addi %mul3A_35, %add3A_36 : i32
    "tpu.region"() ({
      %run_scoped3A = tpu.sem_alloc : memref<!tpu.dma_semaphore, #tpu.memory_space<semaphore_mem>>
      %dma_start3A = arith.constant 0 : i32
      %dma_start3A_73 = arith.constant 0 : i32
      %dma_start3A_74 = tpu.memref_slice %arg8[%dma_start3A, %dma_start3A_73] : memref<64x128xbf16, #tpu.memory_space<vmem>> -> memref<64x128xbf16, #tpu.memory_space<vmem>>
      %dma_start3A_75 = arith.constant 0 : i32
      %dma_start3A_76 = tpu.memref_slice %arg12[%add3A_37, %dma_start3A_75] : memref<10240x128xbf16, #tpu.memory_space<vmem_shared>> -> memref<64x128xbf16, #tpu.memory_space<vmem_shared>>
      %dma_start3A_77 = arith.constant 0 : i32
      %dma_start3A_78 = tpu.memref_slice %arg12[%add3A_37, %dma_start3A_77] : memref<10240x128xbf16, #tpu.memory_space<vmem_shared>> -> memref<64x128xbf16, #tpu.memory_space<vmem_shared>>
      %dma_start3A_79 = arith.constant 0 : i32
      %dma_start3A_80 = arith.constant 0 : i32
      %dma_start3A_81 = tpu.memref_slice %arg8[%dma_start3A_79, %dma_start3A_80] : memref<64x128xbf16, #tpu.memory_space<vmem>> -> memref<64x128xbf16, #tpu.memory_space<vmem>>
      tpu.enqueue_dma source(%dma_start3A_81 : memref<64x128xbf16, #tpu.memory_space<vmem>>) target(%dma_start3A_78 : memref<64x128xbf16, #tpu.memory_space<vmem_shared>>) target_semaphore(%run_scoped3A : memref<!tpu.dma_semaphore, #tpu.memory_space<semaphore_mem>>)
      %dma_wait3A = arith.constant 0 : i32
      %dma_wait3A_82 = arith.constant 0 : i32
      %dma_wait3A_83 = tpu.memref_slice %arg8[%dma_wait3A, %dma_wait3A_82] : memref<64x128xbf16, #tpu.memory_space<vmem>> -> memref<64x128xbf16, #tpu.memory_space<vmem>>
      %dma_wait3A_84 = arith.constant 0 : i32
      %dma_wait3A_85 = tpu.memref_slice %arg12[%add3A_37, %dma_wait3A_84] : memref<10240x128xbf16, #tpu.memory_space<vmem_shared>> -> memref<64x128xbf16, #tpu.memory_space<vmem_shared>>
      %dma_wait3A_86 = arith.constant 0 : i32
      %dma_wait3A_87 = tpu.memref_slice %arg12[%add3A_37, %dma_wait3A_86] : memref<10240x128xbf16, #tpu.memory_space<vmem_shared>> -> memref<64x128xbf16, #tpu.memory_space<vmem_shared>>
      %dma_wait3A_88 = arith.constant 0 : i32
      %dma_wait3A_89 = arith.constant 0 : i32
      %dma_wait3A_90 = tpu.memref_slice %arg8[%dma_wait3A_88, %dma_wait3A_89] : memref<64x128xbf16, #tpu.memory_space<vmem>> -> memref<64x128xbf16, #tpu.memory_space<vmem>>
      tpu.wait_dma2 semaphore(%run_scoped3A : memref<!tpu.dma_semaphore, #tpu.memory_space<semaphore_mem>>) src(%dma_wait3A_90 : memref<64x128xbf16, #tpu.memory_space<vmem>>) dst(%dma_wait3A_87 : memref<64x128xbf16, #tpu.memory_space<vmem_shared>>)
      tpu.yield
    }) : () -> ()
    %mul3A_38 = arith.constant 640 : i32
    %mul3A_39 = arith.muli %arg1, %mul3A_38 : i32
    %add3A_40 = arith.constant 512 : i32
    %add3A_41 = arith.addi %mul3A_39, %add3A_40 : i32
    "tpu.region"() ({
      %run_scoped3A = tpu.sem_alloc : memref<!tpu.dma_semaphore, #tpu.memory_space<semaphore_mem>>
      %dma_start3A = arith.constant 0 : i32
      %dma_start3A_73 = arith.constant 0 : i32
      %dma_start3A_74 = tpu.memref_slice %arg8[%dma_start3A, %dma_start3A_73] : memref<64x128xbf16, #tpu.memory_space<vmem>> -> memref<64x128xbf16, #tpu.memory_space<vmem>>
      %dma_start3A_75 = arith.constant 0 : i32
      %dma_start3A_76 = tpu.memref_slice %arg12[%add3A_41, %dma_start3A_75] : memref<10240x128xbf16, #tpu.memory_space<vmem_shared>> -> memref<64x128xbf16, #tpu.memory_space<vmem_shared>>
      %dma_start3A_77 = arith.constant 0 : i32
      %dma_start3A_78 = tpu.memref_slice %arg12[%add3A_41, %dma_start3A_77] : memref<10240x128xbf16, #tpu.memory_space<vmem_shared>> -> memref<64x128xbf16, #tpu.memory_space<vmem_shared>>
      %dma_start3A_79 = arith.constant 0 : i32
      %dma_start3A_80 = arith.constant 0 : i32
      %dma_start3A_81 = tpu.memref_slice %arg8[%dma_start3A_79, %dma_start3A_80] : memref<64x128xbf16, #tpu.memory_space<vmem>> -> memref<64x128xbf16, #tpu.memory_space<vmem>>
      tpu.enqueue_dma source(%dma_start3A_81 : memref<64x128xbf16, #tpu.memory_space<vmem>>) target(%dma_start3A_78 : memref<64x128xbf16, #tpu.memory_space<vmem_shared>>) target_semaphore(%run_scoped3A : memref<!tpu.dma_semaphore, #tpu.memory_space<semaphore_mem>>)
      %dma_wait3A = arith.constant 0 : i32
      %dma_wait3A_82 = arith.constant 0 : i32
      %dma_wait3A_83 = tpu.memref_slice %arg8[%dma_wait3A, %dma_wait3A_82] : memref<64x128xbf16, #tpu.memory_space<vmem>> -> memref<64x128xbf16, #tpu.memory_space<vmem>>
      %dma_wait3A_84 = arith.constant 0 : i32
      %dma_wait3A_85 = tpu.memref_slice %arg12[%add3A_41, %dma_wait3A_84] : memref<10240x128xbf16, #tpu.memory_space<vmem_shared>> -> memref<64x128xbf16, #tpu.memory_space<vmem_shared>>
      %dma_wait3A_86 = arith.constant 0 : i32
      %dma_wait3A_87 = tpu.memref_slice %arg12[%add3A_41, %dma_wait3A_86] : memref<10240x128xbf16, #tpu.memory_space<vmem_shared>> -> memref<64x128xbf16, #tpu.memory_space<vmem_shared>>
      %dma_wait3A_88 = arith.constant 0 : i32
      %dma_wait3A_89 = arith.constant 0 : i32
      %dma_wait3A_90 = tpu.memref_slice %arg8[%dma_wait3A_88, %dma_wait3A_89] : memref<64x128xbf16, #tpu.memory_space<vmem>> -> memref<64x128xbf16, #tpu.memory_space<vmem>>
      tpu.wait_dma2 semaphore(%run_scoped3A : memref<!tpu.dma_semaphore, #tpu.memory_space<semaphore_mem>>) src(%dma_wait3A_90 : memref<64x128xbf16, #tpu.memory_space<vmem>>) dst(%dma_wait3A_87 : memref<64x128xbf16, #tpu.memory_space<vmem_shared>>)
      tpu.yield
    }) : () -> ()
    %mul3A_42 = arith.constant 640 : i32
    %mul3A_43 = arith.muli %arg1, %mul3A_42 : i32
    %add3A_44 = arith.constant 576 : i32
    %add3A_45 = arith.addi %mul3A_43, %add3A_44 : i32
    "tpu.region"() ({
      %run_scoped3A = tpu.sem_alloc : memref<!tpu.dma_semaphore, #tpu.memory_space<semaphore_mem>>
      %dma_start3A = arith.constant 0 : i32
      %dma_start3A_73 = arith.constant 0 : i32
      %dma_start3A_74 = tpu.memref_slice %arg8[%dma_start3A, %dma_start3A_73] : memref<64x128xbf16, #tpu.memory_space<vmem>> -> memref<64x128xbf16, #tpu.memory_space<vmem>>
      %dma_start3A_75 = arith.constant 0 : i32
      %dma_start3A_76 = tpu.memref_slice %arg12[%add3A_45, %dma_start3A_75] : memref<10240x128xbf16, #tpu.memory_space<vmem_shared>> -> memref<64x128xbf16, #tpu.memory_space<vmem_shared>>
      %dma_start3A_77 = arith.constant 0 : i32
      %dma_start3A_78 = tpu.memref_slice %arg12[%add3A_45, %dma_start3A_77] : memref<10240x128xbf16, #tpu.memory_space<vmem_shared>> -> memref<64x128xbf16, #tpu.memory_space<vmem_shared>>
      %dma_start3A_79 = arith.constant 0 : i32
      %dma_start3A_80 = arith.constant 0 : i32
      %dma_start3A_81 = tpu.memref_slice %arg8[%dma_start3A_79, %dma_start3A_80] : memref<64x128xbf16, #tpu.memory_space<vmem>> -> memref<64x128xbf16, #tpu.memory_space<vmem>>
      tpu.enqueue_dma source(%dma_start3A_81 : memref<64x128xbf16, #tpu.memory_space<vmem>>) target(%dma_start3A_78 : memref<64x128xbf16, #tpu.memory_space<vmem_shared>>) target_semaphore(%run_scoped3A : memref<!tpu.dma_semaphore, #tpu.memory_space<semaphore_mem>>)
      %dma_wait3A = arith.constant 0 : i32
      %dma_wait3A_82 = arith.constant 0 : i32
      %dma_wait3A_83 = tpu.memref_slice %arg8[%dma_wait3A, %dma_wait3A_82] : memref<64x128xbf16, #tpu.memory_space<vmem>> -> memref<64x128xbf16, #tpu.memory_space<vmem>>
      %dma_wait3A_84 = arith.constant 0 : i32
      %dma_wait3A_85 = tpu.memref_slice %arg12[%add3A_45, %dma_wait3A_84] : memref<10240x128xbf16, #tpu.memory_space<vmem_shared>> -> memref<64x128xbf16, #tpu.memory_space<vmem_shared>>
      %dma_wait3A_86 = arith.constant 0 : i32
      %dma_wait3A_87 = tpu.memref_slice %arg12[%add3A_45, %dma_wait3A_86] : memref<10240x128xbf16, #tpu.memory_space<vmem_shared>> -> memref<64x128xbf16, #tpu.memory_space<vmem_shared>>
      %dma_wait3A_88 = arith.constant 0 : i32
      %dma_wait3A_89 = arith.constant 0 : i32
      %dma_wait3A_90 = tpu.memref_slice %arg8[%dma_wait3A_88, %dma_wait3A_89] : memref<64x128xbf16, #tpu.memory_space<vmem>> -> memref<64x128xbf16, #tpu.memory_space<vmem>>
      tpu.wait_dma2 semaphore(%run_scoped3A : memref<!tpu.dma_semaphore, #tpu.memory_space<semaphore_mem>>) src(%dma_wait3A_90 : memref<64x128xbf16, #tpu.memory_space<vmem>>) dst(%dma_wait3A_87 : memref<64x128xbf16, #tpu.memory_space<vmem_shared>>)
      tpu.yield
    }) : () -> ()
    %barrier3A = arith.constant 0 : index
    tpu.barrier barrier_id(%barrier3A)
    %scan3A_46 = arith.constant 0 : i32
    %scan3A_47 = arith.constant 0 : i32
    %scan3A_48 = arith.constant 5 : i32
    %scan3A_49 = arith.addi %scan3A_47, %scan3A_48 : i32
    %scan3A_50 = arith.constant 1 : i32
    scf.for %scan3A_73 = %scan3A_47 to %scan3A_49 step %scan3A_50  : i32 {
      %mul3A_74 = arith.constant 160 : i32
      %mul3A_75 = arith.muli %add3A, %mul3A_74 : i32
      %mul3A_76 = arith.constant 32 : i32
      %mul3A_77 = arith.muli %scan3A_73, %mul3A_76 : i32
      %add3A_78 = arith.addi %mul3A_75, %mul3A_77 : i32
      "tpu.region"() ({
        %run_scoped3A = tpu.sem_alloc : memref<!tpu.dma_semaphore, #tpu.memory_space<semaphore_mem>>
        %dma_start3A_98 = arith.constant 0 : i32
        %dma_start3A_99 = tpu.memref_slice %arg2[%add3A_78, %dma_start3A_98] : memref<5120x64xi32, #tpu.memory_space<hbm>> -> memref<32x64xi32, #tpu.memory_space<hbm>>
        %dma_start3A_100 = arith.constant 0 : i32
        %dma_start3A_101 = tpu.memref_slice %arg2[%add3A_78, %dma_start3A_100] : memref<5120x64xi32, #tpu.memory_space<hbm>> -> memref<32x64xi32, #tpu.memory_space<hbm>>
        tpu.enqueue_dma source(%dma_start3A_101 : memref<32x64xi32, #tpu.memory_space<hbm>>) target(%arg6 : memref<32x64xi32, #tpu.memory_space<vmem>>) target_semaphore(%run_scoped3A : memref<!tpu.dma_semaphore, #tpu.memory_space<semaphore_mem>>)
        %dma_wait3A = arith.constant 0 : i32
        %dma_wait3A_102 = tpu.memref_slice %arg2[%add3A_78, %dma_wait3A] : memref<5120x64xi32, #tpu.memory_space<hbm>> -> memref<32x64xi32, #tpu.memory_space<hbm>>
        %dma_wait3A_103 = arith.constant 0 : i32
        %dma_wait3A_104 = tpu.memref_slice %arg2[%add3A_78, %dma_wait3A_103] : memref<5120x64xi32, #tpu.memory_space<hbm>> -> memref<32x64xi32, #tpu.memory_space<hbm>>
        tpu.wait_dma2 semaphore(%run_scoped3A : memref<!tpu.dma_semaphore, #tpu.memory_space<semaphore_mem>>) src(%dma_wait3A_104 : memref<32x64xi32, #tpu.memory_space<hbm>>) dst(%arg6 : memref<32x64xi32, #tpu.memory_space<vmem>>)
        tpu.yield
      }) : () -> ()
      "tpu.region"() ({
        %run_scoped3A = tpu.sem_alloc : memref<!tpu.dma_semaphore, #tpu.memory_space<semaphore_mem>>
        %dma_start3A_98 = arith.constant 0 : i32
        %dma_start3A_99 = tpu.memref_slice %arg3[%add3A_78, %dma_start3A_98] : memref<5120x64xi32, #tpu.memory_space<hbm>> -> memref<32x64xi32, #tpu.memory_space<hbm>>
        %dma_start3A_100 = arith.constant 0 : i32
        %dma_start3A_101 = tpu.memref_slice %arg3[%add3A_78, %dma_start3A_100] : memref<5120x64xi32, #tpu.memory_space<hbm>> -> memref<32x64xi32, #tpu.memory_space<hbm>>
        tpu.enqueue_dma source(%dma_start3A_101 : memref<32x64xi32, #tpu.memory_space<hbm>>) target(%arg7 : memref<32x64xi32, #tpu.memory_space<vmem>>) target_semaphore(%run_scoped3A : memref<!tpu.dma_semaphore, #tpu.memory_space<semaphore_mem>>)
        %dma_wait3A = arith.constant 0 : i32
        %dma_wait3A_102 = tpu.memref_slice %arg3[%add3A_78, %dma_wait3A] : memref<5120x64xi32, #tpu.memory_space<hbm>> -> memref<32x64xi32, #tpu.memory_space<hbm>>
        %dma_wait3A_103 = arith.constant 0 : i32
        %dma_wait3A_104 = tpu.memref_slice %arg3[%add3A_78, %dma_wait3A_103] : memref<5120x64xi32, #tpu.memory_space<hbm>> -> memref<32x64xi32, #tpu.memory_space<hbm>>
        tpu.wait_dma2 semaphore(%run_scoped3A : memref<!tpu.dma_semaphore, #tpu.memory_space<semaphore_mem>>) src(%dma_wait3A_104 : memref<32x64xi32, #tpu.memory_space<hbm>>) dst(%arg7 : memref<32x64xi32, #tpu.memory_space<vmem>>)
        tpu.yield
      }) : () -> ()
      %dma_start3A = arith.constant 0 : i32
      %dma_start3A_79 = arith.constant 0 : i32
      %dma_start3A_80 = tpu.memref_slice %arg6[%dma_start3A, %dma_start3A_79] : memref<32x64xi32, #tpu.memory_space<vmem>> -> memref<1x64xi32, #tpu.memory_space<vmem>>
      %dma_start3A_81 = tpu.memref_squeeze %dma_start3A_80 : memref<1x64xi32, #tpu.memory_space<vmem>> -> memref<64xi32, #tpu.memory_space<vmem>>
      %dma_start3A_82 = arith.constant 0 : i32
      %dma_start3A_83 = arith.constant 0 : i32
      %dma_start3A_84 = tpu.memref_slice %arg4[%dma_start3A_82, %dma_start3A_83] : memref<10240x128xbf16, #tpu.memory_space<hbm>> -> memref<10240x128xbf16, #tpu.memory_space<hbm>>
      tpu.enqueue_indirect_dma source(%dma_start3A_84 : memref<10240x128xbf16, #tpu.memory_space<hbm>>) target(%arg8 : memref<64x128xbf16, #tpu.memory_space<vmem>>) offsets(%dma_start3A_81 : memref<64xi32, #tpu.memory_space<vmem>>) semaphore(%arg13 : memref<!tpu.dma_semaphore, #tpu.memory_space<semaphore_mem>>)
      %dma_start3A_85 = arith.constant 1 : i32
      %dma_start3A_86 = arith.constant 0 : i32
      %dma_start3A_87 = tpu.memref_slice %arg6[%dma_start3A_85, %dma_start3A_86] : memref<32x64xi32, #tpu.memory_space<vmem>> -> memref<1x64xi32, #tpu.memory_space<vmem>>
      %dma_start3A_88 = tpu.memref_squeeze %dma_start3A_87 : memref<1x64xi32, #tpu.memory_space<vmem>> -> memref<64xi32, #tpu.memory_space<vmem>>
      %dma_start3A_89 = arith.constant 0 : i32
      %dma_start3A_90 = arith.constant 0 : i32
      %dma_start3A_91 = tpu.memref_slice %arg4[%dma_start3A_89, %dma_start3A_90] : memref<10240x128xbf16, #tpu.memory_space<hbm>> -> memref<10240x128xbf16, #tpu.memory_space<hbm>>
      tpu.enqueue_indirect_dma source(%dma_start3A_91 : memref<10240x128xbf16, #tpu.memory_space<hbm>>) target(%arg9 : memref<64x128xbf16, #tpu.memory_space<vmem>>) offsets(%dma_start3A_88 : memref<64xi32, #tpu.memory_space<vmem>>) semaphore(%arg14 : memref<!tpu.dma_semaphore, #tpu.memory_space<semaphore_mem>>)
      %scan3A_92 = arith.constant 0 : i32
      %scan3A_93 = arith.constant 0 : i32
      %scan3A_94 = arith.constant 8 : i32
      %scan3A_95 = arith.addi %scan3A_93, %scan3A_94 : i32
      %scan3A_96 = arith.constant 1 : i32
      scf.for %scan3A_98 = %scan3A_93 to %scan3A_95 step %scan3A_96  : i32 {
        %mul3A_99 = arith.constant 4 : i32
        %mul3A_100 = arith.muli %mul3A_99, %scan3A_98 : i32
        %add3A_101 = arith.constant 0 : i32
        %add3A_102 = arith.addi %mul3A_100, %add3A_101 : i32
        %dma_wait3A = arith.constant 0 : i32
        %dma_wait3A_103 = tpu.memref_slice %arg6[%add3A_102, %dma_wait3A] : memref<32x64xi32, #tpu.memory_space<vmem>> -> memref<1x64xi32, #tpu.memory_space<vmem>>
        %dma_wait3A_104 = tpu.memref_squeeze %dma_wait3A_103 : memref<1x64xi32, #tpu.memory_space<vmem>> -> memref<64xi32, #tpu.memory_space<vmem>>
        %dma_wait3A_105 = arith.constant 0 : i32
        %dma_wait3A_106 = arith.constant 0 : i32
        %dma_wait3A_107 = tpu.memref_slice %arg4[%dma_wait3A_105, %dma_wait3A_106] : memref<10240x128xbf16, #tpu.memory_space<hbm>> -> memref<10240x128xbf16, #tpu.memory_space<hbm>>
        tpu.wait_indirect_dma semaphore(%arg13 : memref<!tpu.dma_semaphore, #tpu.memory_space<semaphore_mem>>) src(%dma_wait3A_107 : memref<10240x128xbf16, #tpu.memory_space<hbm>>) dst(%arg8 : memref<64x128xbf16, #tpu.memory_space<vmem>>)
        %add3A_108 = arith.constant 2 : i32
        %add3A_109 = arith.addi %add3A_102, %add3A_108 : i32
        %lt3A = arith.constant 32 : i32
        %lt3A_110 = arith.cmpi slt, %add3A_109, %lt3A : i32
        %convert_element_type3A = arith.extui %lt3A_110 : i1 to i32
        %cond3A = arith.constant 0 : i32
        %cond3A_111 = arith.cmpi ne, %convert_element_type3A, %cond3A : i32
        scf.if %cond3A_111 {
          %dma_start3A_163 = arith.constant 0 : i32
          %dma_start3A_164 = tpu.memref_slice %arg6[%add3A_109, %dma_start3A_163] : memref<32x64xi32, #tpu.memory_space<vmem>> -> memref<1x64xi32, #tpu.memory_space<vmem>>
          %dma_start3A_165 = tpu.memref_squeeze %dma_start3A_164 : memref<1x64xi32, #tpu.memory_space<vmem>> -> memref<64xi32, #tpu.memory_space<vmem>>
          %dma_start3A_166 = arith.constant 0 : i32
          %dma_start3A_167 = arith.constant 0 : i32
          %dma_start3A_168 = tpu.memref_slice %arg4[%dma_start3A_166, %dma_start3A_167] : memref<10240x128xbf16, #tpu.memory_space<hbm>> -> memref<10240x128xbf16, #tpu.memory_space<hbm>>
          tpu.enqueue_indirect_dma source(%dma_start3A_168 : memref<10240x128xbf16, #tpu.memory_space<hbm>>) target(%arg10 : memref<64x128xbf16, #tpu.memory_space<vmem>>) offsets(%dma_start3A_165 : memref<64xi32, #tpu.memory_space<vmem>>) semaphore(%arg15 : memref<!tpu.dma_semaphore, #tpu.memory_space<semaphore_mem>>)
        } else {
        }
        "tpu.region"() ({
          %run_scoped3A = tpu.sem_alloc : memref<!tpu.dma_semaphore, #tpu.memory_space<semaphore_mem>>
          %dma_start3A_163 = arith.constant 0 : i32
          %dma_start3A_164 = tpu.memref_slice %arg7[%add3A_102, %dma_start3A_163] : memref<32x64xi32, #tpu.memory_space<vmem>> -> memref<1x64xi32, #tpu.memory_space<vmem>>
          %dma_start3A_165 = tpu.memref_squeeze %dma_start3A_164 : memref<1x64xi32, #tpu.memory_space<vmem>> -> memref<64xi32, #tpu.memory_space<vmem>>
          %dma_start3A_166 = arith.constant 0 : i32
          %dma_start3A_167 = arith.constant 0 : i32
          %dma_start3A_168 = tpu.memref_slice %arg12[%dma_start3A_166, %dma_start3A_167] : memref<10240x128xbf16, #tpu.memory_space<vmem_shared>> -> memref<10240x128xbf16, #tpu.memory_space<vmem_shared>>
          tpu.enqueue_indirect_dma source(%arg8 : memref<64x128xbf16, #tpu.memory_space<vmem>>) target(%dma_start3A_168 : memref<10240x128xbf16, #tpu.memory_space<vmem_shared>>) offsets(%dma_start3A_165 : memref<64xi32, #tpu.memory_space<vmem>>) semaphore(%run_scoped3A : memref<!tpu.dma_semaphore, #tpu.memory_space<semaphore_mem>>) {add = true}
          %dma_wait3A_169 = arith.constant 0 : i32
          %dma_wait3A_170 = tpu.memref_slice %arg7[%add3A_102, %dma_wait3A_169] : memref<32x64xi32, #tpu.memory_space<vmem>> -> memref<1x64xi32, #tpu.memory_space<vmem>>
          %dma_wait3A_171 = tpu.memref_squeeze %dma_wait3A_170 : memref<1x64xi32, #tpu.memory_space<vmem>> -> memref<64xi32, #tpu.memory_space<vmem>>
          %dma_wait3A_172 = arith.constant 0 : i32
          %dma_wait3A_173 = arith.constant 0 : i32
          %dma_wait3A_174 = tpu.memref_slice %arg12[%dma_wait3A_172, %dma_wait3A_173] : memref<10240x128xbf16, #tpu.memory_space<vmem_shared>> -> memref<10240x128xbf16, #tpu.memory_space<vmem_shared>>
          tpu.wait_indirect_dma semaphore(%run_scoped3A : memref<!tpu.dma_semaphore, #tpu.memory_space<semaphore_mem>>) src(%arg8 : memref<64x128xbf16, #tpu.memory_space<vmem>>) dst(%dma_wait3A_174 : memref<10240x128xbf16, #tpu.memory_space<vmem_shared>>)
          tpu.yield
        }) : () -> ()
        %mul3A_112 = arith.constant 4 : i32
        %mul3A_113 = arith.muli %mul3A_112, %scan3A_98 : i32
        %add3A_114 = arith.constant 1 : i32
        %add3A_115 = arith.addi %mul3A_113, %add3A_114 : i32
        %dma_wait3A_116 = arith.constant 0 : i32
        %dma_wait3A_117 = tpu.memref_slice %arg6[%add3A_115, %dma_wait3A_116] : memref<32x64xi32, #tpu.memory_space<vmem>> -> memref<1x64xi32, #tpu.memory_space<vmem>>
        %dma_wait3A_118 = tpu.memref_squeeze %dma_wait3A_117 : memref<1x64xi32, #tpu.memory_space<vmem>> -> memref<64xi32, #tpu.memory_space<vmem>>
        %dma_wait3A_119 = arith.constant 0 : i32
        %dma_wait3A_120 = arith.constant 0 : i32
        %dma_wait3A_121 = tpu.memref_slice %arg4[%dma_wait3A_119, %dma_wait3A_120] : memref<10240x128xbf16, #tpu.memory_space<hbm>> -> memref<10240x128xbf16, #tpu.memory_space<hbm>>
        tpu.wait_indirect_dma semaphore(%arg14 : memref<!tpu.dma_semaphore, #tpu.memory_space<semaphore_mem>>) src(%dma_wait3A_121 : memref<10240x128xbf16, #tpu.memory_space<hbm>>) dst(%arg9 : memref<64x128xbf16, #tpu.memory_space<vmem>>)
        %add3A_122 = arith.constant 2 : i32
        %add3A_123 = arith.addi %add3A_115, %add3A_122 : i32
        %lt3A_124 = arith.constant 32 : i32
        %lt3A_125 = arith.cmpi slt, %add3A_123, %lt3A_124 : i32
        %convert_element_type3A_126 = arith.extui %lt3A_125 : i1 to i32
        %cond3A_127 = arith.constant 0 : i32
        %cond3A_128 = arith.cmpi ne, %convert_element_type3A_126, %cond3A_127 : i32
        scf.if %cond3A_128 {
          %dma_start3A_163 = arith.constant 0 : i32
          %dma_start3A_164 = tpu.memref_slice %arg6[%add3A_123, %dma_start3A_163] : memref<32x64xi32, #tpu.memory_space<vmem>> -> memref<1x64xi32, #tpu.memory_space<vmem>>
          %dma_start3A_165 = tpu.memref_squeeze %dma_start3A_164 : memref<1x64xi32, #tpu.memory_space<vmem>> -> memref<64xi32, #tpu.memory_space<vmem>>
          %dma_start3A_166 = arith.constant 0 : i32
          %dma_start3A_167 = arith.constant 0 : i32
          %dma_start3A_168 = tpu.memref_slice %arg4[%dma_start3A_166, %dma_start3A_167] : memref<10240x128xbf16, #tpu.memory_space<hbm>> -> memref<10240x128xbf16, #tpu.memory_space<hbm>>
          tpu.enqueue_indirect_dma source(%dma_start3A_168 : memref<10240x128xbf16, #tpu.memory_space<hbm>>) target(%arg11 : memref<64x128xbf16, #tpu.memory_space<vmem>>) offsets(%dma_start3A_165 : memref<64xi32, #tpu.memory_space<vmem>>) semaphore(%arg16 : memref<!tpu.dma_semaphore, #tpu.memory_space<semaphore_mem>>)
        } else {
        }
        "tpu.region"() ({
          %run_scoped3A = tpu.sem_alloc : memref<!tpu.dma_semaphore, #tpu.memory_space<semaphore_mem>>
          %dma_start3A_163 = arith.constant 0 : i32
          %dma_start3A_164 = tpu.memref_slice %arg7[%add3A_115, %dma_start3A_163] : memref<32x64xi32, #tpu.memory_space<vmem>> -> memref<1x64xi32, #tpu.memory_space<vmem>>
          %dma_start3A_165 = tpu.memref_squeeze %dma_start3A_164 : memref<1x64xi32, #tpu.memory_space<vmem>> -> memref<64xi32, #tpu.memory_space<vmem>>
          %dma_start3A_166 = arith.constant 0 : i32
          %dma_start3A_167 = arith.constant 0 : i32
          %dma_start3A_168 = tpu.memref_slice %arg12[%dma_start3A_166, %dma_start3A_167] : memref<10240x128xbf16, #tpu.memory_space<vmem_shared>> -> memref<10240x128xbf16, #tpu.memory_space<vmem_shared>>
          tpu.enqueue_indirect_dma source(%arg9 : memref<64x128xbf16, #tpu.memory_space<vmem>>) target(%dma_start3A_168 : memref<10240x128xbf16, #tpu.memory_space<vmem_shared>>) offsets(%dma_start3A_165 : memref<64xi32, #tpu.memory_space<vmem>>) semaphore(%run_scoped3A : memref<!tpu.dma_semaphore, #tpu.memory_space<semaphore_mem>>) {add = true}
          %dma_wait3A_169 = arith.constant 0 : i32
          %dma_wait3A_170 = tpu.memref_slice %arg7[%add3A_115, %dma_wait3A_169] : memref<32x64xi32, #tpu.memory_space<vmem>> -> memref<1x64xi32, #tpu.memory_space<vmem>>
          %dma_wait3A_171 = tpu.memref_squeeze %dma_wait3A_170 : memref<1x64xi32, #tpu.memory_space<vmem>> -> memref<64xi32, #tpu.memory_space<vmem>>
          %dma_wait3A_172 = arith.constant 0 : i32
          %dma_wait3A_173 = arith.constant 0 : i32
          %dma_wait3A_174 = tpu.memref_slice %arg12[%dma_wait3A_172, %dma_wait3A_173] : memref<10240x128xbf16, #tpu.memory_space<vmem_shared>> -> memref<10240x128xbf16, #tpu.memory_space<vmem_shared>>
          tpu.wait_indirect_dma semaphore(%run_scoped3A : memref<!tpu.dma_semaphore, #tpu.memory_space<semaphore_mem>>) src(%arg9 : memref<64x128xbf16, #tpu.memory_space<vmem>>) dst(%dma_wait3A_174 : memref<10240x128xbf16, #tpu.memory_space<vmem_shared>>)
          tpu.yield
        }) : () -> ()
        %mul3A_129 = arith.constant 4 : i32
        %mul3A_130 = arith.muli %mul3A_129, %scan3A_98 : i32
        %add3A_131 = arith.constant 2 : i32
        %add3A_132 = arith.addi %mul3A_130, %add3A_131 : i32
        %dma_wait3A_133 = arith.constant 0 : i32
        %dma_wait3A_134 = tpu.memref_slice %arg6[%add3A_132, %dma_wait3A_133] : memref<32x64xi32, #tpu.memory_space<vmem>> -> memref<1x64xi32, #tpu.memory_space<vmem>>
        %dma_wait3A_135 = tpu.memref_squeeze %dma_wait3A_134 : memref<1x64xi32, #tpu.memory_space<vmem>> -> memref<64xi32, #tpu.memory_space<vmem>>
        %dma_wait3A_136 = arith.constant 0 : i32
        %dma_wait3A_137 = arith.constant 0 : i32
        %dma_wait3A_138 = tpu.memref_slice %arg4[%dma_wait3A_136, %dma_wait3A_137] : memref<10240x128xbf16, #tpu.memory_space<hbm>> -> memref<10240x128xbf16, #tpu.memory_space<hbm>>
        tpu.wait_indirect_dma semaphore(%arg15 : memref<!tpu.dma_semaphore, #tpu.memory_space<semaphore_mem>>) src(%dma_wait3A_138 : memref<10240x128xbf16, #tpu.memory_space<hbm>>) dst(%arg10 : memref<64x128xbf16, #tpu.memory_space<vmem>>)
        %add3A_139 = arith.constant 2 : i32
        %add3A_140 = arith.addi %add3A_132, %add3A_139 : i32
        %lt3A_141 = arith.constant 32 : i32
        %lt3A_142 = arith.cmpi slt, %add3A_140, %lt3A_141 : i32
        %convert_element_type3A_143 = arith.extui %lt3A_142 : i1 to i32
        %cond3A_144 = arith.constant 0 : i32
        %cond3A_145 = arith.cmpi ne, %convert_element_type3A_143, %cond3A_144 : i32
        scf.if %cond3A_145 {
          %dma_start3A_163 = arith.constant 0 : i32
          %dma_start3A_164 = tpu.memref_slice %arg6[%add3A_140, %dma_start3A_163] : memref<32x64xi32, #tpu.memory_space<vmem>> -> memref<1x64xi32, #tpu.memory_space<vmem>>
          %dma_start3A_165 = tpu.memref_squeeze %dma_start3A_164 : memref<1x64xi32, #tpu.memory_space<vmem>> -> memref<64xi32, #tpu.memory_space<vmem>>
          %dma_start3A_166 = arith.constant 0 : i32
          %dma_start3A_167 = arith.constant 0 : i32
          %dma_start3A_168 = tpu.memref_slice %arg4[%dma_start3A_166, %dma_start3A_167] : memref<10240x128xbf16, #tpu.memory_space<hbm>> -> memref<10240x128xbf16, #tpu.memory_space<hbm>>
          tpu.enqueue_indirect_dma source(%dma_start3A_168 : memref<10240x128xbf16, #tpu.memory_space<hbm>>) target(%arg8 : memref<64x128xbf16, #tpu.memory_space<vmem>>) offsets(%dma_start3A_165 : memref<64xi32, #tpu.memory_space<vmem>>) semaphore(%arg13 : memref<!tpu.dma_semaphore, #tpu.memory_space<semaphore_mem>>)
        } else {
        }
        "tpu.region"() ({
          %run_scoped3A = tpu.sem_alloc : memref<!tpu.dma_semaphore, #tpu.memory_space<semaphore_mem>>
          %dma_start3A_163 = arith.constant 0 : i32
          %dma_start3A_164 = tpu.memref_slice %arg7[%add3A_132, %dma_start3A_163] : memref<32x64xi32, #tpu.memory_space<vmem>> -> memref<1x64xi32, #tpu.memory_space<vmem>>
          %dma_start3A_165 = tpu.memref_squeeze %dma_start3A_164 : memref<1x64xi32, #tpu.memory_space<vmem>> -> memref<64xi32, #tpu.memory_space<vmem>>
          %dma_start3A_166 = arith.constant 0 : i32
          %dma_start3A_167 = arith.constant 0 : i32
          %dma_start3A_168 = tpu.memref_slice %arg12[%dma_start3A_166, %dma_start3A_167] : memref<10240x128xbf16, #tpu.memory_space<vmem_shared>> -> memref<10240x128xbf16, #tpu.memory_space<vmem_shared>>
          tpu.enqueue_indirect_dma source(%arg10 : memref<64x128xbf16, #tpu.memory_space<vmem>>) target(%dma_start3A_168 : memref<10240x128xbf16, #tpu.memory_space<vmem_shared>>) offsets(%dma_start3A_165 : memref<64xi32, #tpu.memory_space<vmem>>) semaphore(%run_scoped3A : memref<!tpu.dma_semaphore, #tpu.memory_space<semaphore_mem>>) {add = true}
          %dma_wait3A_169 = arith.constant 0 : i32
          %dma_wait3A_170 = tpu.memref_slice %arg7[%add3A_132, %dma_wait3A_169] : memref<32x64xi32, #tpu.memory_space<vmem>> -> memref<1x64xi32, #tpu.memory_space<vmem>>
          %dma_wait3A_171 = tpu.memref_squeeze %dma_wait3A_170 : memref<1x64xi32, #tpu.memory_space<vmem>> -> memref<64xi32, #tpu.memory_space<vmem>>
          %dma_wait3A_172 = arith.constant 0 : i32
          %dma_wait3A_173 = arith.constant 0 : i32
          %dma_wait3A_174 = tpu.memref_slice %arg12[%dma_wait3A_172, %dma_wait3A_173] : memref<10240x128xbf16, #tpu.memory_space<vmem_shared>> -> memref<10240x128xbf16, #tpu.memory_space<vmem_shared>>
          tpu.wait_indirect_dma semaphore(%run_scoped3A : memref<!tpu.dma_semaphore, #tpu.memory_space<semaphore_mem>>) src(%arg10 : memref<64x128xbf16, #tpu.memory_space<vmem>>) dst(%dma_wait3A_174 : memref<10240x128xbf16, #tpu.memory_space<vmem_shared>>)
          tpu.yield
        }) : () -> ()
        %mul3A_146 = arith.constant 4 : i32
        %mul3A_147 = arith.muli %mul3A_146, %scan3A_98 : i32
        %add3A_148 = arith.constant 3 : i32
        %add3A_149 = arith.addi %mul3A_147, %add3A_148 : i32
        %dma_wait3A_150 = arith.constant 0 : i32
        %dma_wait3A_151 = tpu.memref_slice %arg6[%add3A_149, %dma_wait3A_150] : memref<32x64xi32, #tpu.memory_space<vmem>> -> memref<1x64xi32, #tpu.memory_space<vmem>>
        %dma_wait3A_152 = tpu.memref_squeeze %dma_wait3A_151 : memref<1x64xi32, #tpu.memory_space<vmem>> -> memref<64xi32, #tpu.memory_space<vmem>>
        %dma_wait3A_153 = arith.constant 0 : i32
        %dma_wait3A_154 = arith.constant 0 : i32
        %dma_wait3A_155 = tpu.memref_slice %arg4[%dma_wait3A_153, %dma_wait3A_154] : memref<10240x128xbf16, #tpu.memory_space<hbm>> -> memref<10240x128xbf16, #tpu.memory_space<hbm>>
        tpu.wait_indirect_dma semaphore(%arg16 : memref<!tpu.dma_semaphore, #tpu.memory_space<semaphore_mem>>) src(%dma_wait3A_155 : memref<10240x128xbf16, #tpu.memory_space<hbm>>) dst(%arg11 : memref<64x128xbf16, #tpu.memory_space<vmem>>)
        %add3A_156 = arith.constant 2 : i32
        %add3A_157 = arith.addi %add3A_149, %add3A_156 : i32
        %lt3A_158 = arith.constant 32 : i32
        %lt3A_159 = arith.cmpi slt, %add3A_157, %lt3A_158 : i32
        %convert_element_type3A_160 = arith.extui %lt3A_159 : i1 to i32
        %cond3A_161 = arith.constant 0 : i32
        %cond3A_162 = arith.cmpi ne, %convert_element_type3A_160, %cond3A_161 : i32
        scf.if %cond3A_162 {
          %dma_start3A_163 = arith.constant 0 : i32
          %dma_start3A_164 = tpu.memref_slice %arg6[%add3A_157, %dma_start3A_163] : memref<32x64xi32, #tpu.memory_space<vmem>> -> memref<1x64xi32, #tpu.memory_space<vmem>>
          %dma_start3A_165 = tpu.memref_squeeze %dma_start3A_164 : memref<1x64xi32, #tpu.memory_space<vmem>> -> memref<64xi32, #tpu.memory_space<vmem>>
          %dma_start3A_166 = arith.constant 0 : i32
          %dma_start3A_167 = arith.constant 0 : i32
          %dma_start3A_168 = tpu.memref_slice %arg4[%dma_start3A_166, %dma_start3A_167] : memref<10240x128xbf16, #tpu.memory_space<hbm>> -> memref<10240x128xbf16, #tpu.memory_space<hbm>>
          tpu.enqueue_indirect_dma source(%dma_start3A_168 : memref<10240x128xbf16, #tpu.memory_space<hbm>>) target(%arg9 : memref<64x128xbf16, #tpu.memory_space<vmem>>) offsets(%dma_start3A_165 : memref<64xi32, #tpu.memory_space<vmem>>) semaphore(%arg14 : memref<!tpu.dma_semaphore, #tpu.memory_space<semaphore_mem>>)
        } else {
        }
        "tpu.region"() ({
          %run_scoped3A = tpu.sem_alloc : memref<!tpu.dma_semaphore, #tpu.memory_space<semaphore_mem>>
          %dma_start3A_163 = arith.constant 0 : i32
          %dma_start3A_164 = tpu.memref_slice %arg7[%add3A_149, %dma_start3A_163] : memref<32x64xi32, #tpu.memory_space<vmem>> -> memref<1x64xi32, #tpu.memory_space<vmem>>
          %dma_start3A_165 = tpu.memref_squeeze %dma_start3A_164 : memref<1x64xi32, #tpu.memory_space<vmem>> -> memref<64xi32, #tpu.memory_space<vmem>>
          %dma_start3A_166 = arith.constant 0 : i32
          %dma_start3A_167 = arith.constant 0 : i32
          %dma_start3A_168 = tpu.memref_slice %arg12[%dma_start3A_166, %dma_start3A_167] : memref<10240x128xbf16, #tpu.memory_space<vmem_shared>> -> memref<10240x128xbf16, #tpu.memory_space<vmem_shared>>
          tpu.enqueue_indirect_dma source(%arg11 : memref<64x128xbf16, #tpu.memory_space<vmem>>) target(%dma_start3A_168 : memref<10240x128xbf16, #tpu.memory_space<vmem_shared>>) offsets(%dma_start3A_165 : memref<64xi32, #tpu.memory_space<vmem>>) semaphore(%run_scoped3A : memref<!tpu.dma_semaphore, #tpu.memory_space<semaphore_mem>>) {add = true}
          %dma_wait3A_169 = arith.constant 0 : i32
          %dma_wait3A_170 = tpu.memref_slice %arg7[%add3A_149, %dma_wait3A_169] : memref<32x64xi32, #tpu.memory_space<vmem>> -> memref<1x64xi32, #tpu.memory_space<vmem>>
          %dma_wait3A_171 = tpu.memref_squeeze %dma_wait3A_170 : memref<1x64xi32, #tpu.memory_space<vmem>> -> memref<64xi32, #tpu.memory_space<vmem>>
          %dma_wait3A_172 = arith.constant 0 : i32
          %dma_wait3A_173 = arith.constant 0 : i32
          %dma_wait3A_174 = tpu.memref_slice %arg12[%dma_wait3A_172, %dma_wait3A_173] : memref<10240x128xbf16, #tpu.memory_space<vmem_shared>> -> memref<10240x128xbf16, #tpu.memory_space<vmem_shared>>
          tpu.wait_indirect_dma semaphore(%run_scoped3A : memref<!tpu.dma_semaphore, #tpu.memory_space<semaphore_mem>>) src(%arg11 : memref<64x128xbf16, #tpu.memory_space<vmem>>) dst(%dma_wait3A_174 : memref<10240x128xbf16, #tpu.memory_space<vmem_shared>>)
          tpu.yield
        }) : () -> ()
      }
      %scan3A_97 = arith.constant 8 : i32
    }
    %scan3A_51 = arith.constant 5 : i32
    %barrier3A_52 = arith.constant 0 : index
    tpu.barrier barrier_id(%barrier3A_52)
    %mul3A_53 = arith.constant 640 : i32
    %mul3A_54 = arith.muli %arg1, %mul3A_53 : i32
    %add3A_55 = arith.constant 0 : i32
    %add3A_56 = arith.addi %mul3A_54, %add3A_55 : i32
    "tpu.region"() ({
      %run_scoped3A = tpu.sem_alloc : memref<!tpu.dma_semaphore, #tpu.memory_space<semaphore_mem>>
      %dma_start3A = arith.constant 0 : i32
      %dma_start3A_73 = tpu.memref_slice %arg5[%arg0, %add3A_56, %dma_start3A] : memref<2x10240x128xbf16, #tpu.memory_space<hbm>> -> memref<1x128x128xbf16, #tpu.memory_space<hbm>>
      %dma_start3A_74 = tpu.memref_squeeze %dma_start3A_73 : memref<1x128x128xbf16, #tpu.memory_space<hbm>> -> memref<128x128xbf16, #tpu.memory_space<hbm>>
      %dma_start3A_75 = arith.constant 0 : i32
      %dma_start3A_76 = tpu.memref_slice %arg12[%add3A_56, %dma_start3A_75] : memref<10240x128xbf16, #tpu.memory_space<vmem_shared>> -> memref<128x128xbf16, #tpu.memory_space<vmem_shared>>
      tpu.enqueue_dma source(%dma_start3A_76 : memref<128x128xbf16, #tpu.memory_space<vmem_shared>>) target(%dma_start3A_74 : memref<128x128xbf16, #tpu.memory_space<hbm>>) target_semaphore(%run_scoped3A : memref<!tpu.dma_semaphore, #tpu.memory_space<semaphore_mem>>)
      %dma_wait3A = arith.constant 0 : i32
      %dma_wait3A_77 = tpu.memref_slice %arg5[%arg0, %add3A_56, %dma_wait3A] : memref<2x10240x128xbf16, #tpu.memory_space<hbm>> -> memref<1x128x128xbf16, #tpu.memory_space<hbm>>
      %dma_wait3A_78 = tpu.memref_squeeze %dma_wait3A_77 : memref<1x128x128xbf16, #tpu.memory_space<hbm>> -> memref<128x128xbf16, #tpu.memory_space<hbm>>
      %dma_wait3A_79 = arith.constant 0 : i32
      %dma_wait3A_80 = tpu.memref_slice %arg12[%add3A_56, %dma_wait3A_79] : memref<10240x128xbf16, #tpu.memory_space<vmem_shared>> -> memref<128x128xbf16, #tpu.memory_space<vmem_shared>>
      tpu.wait_dma2 semaphore(%run_scoped3A : memref<!tpu.dma_semaphore, #tpu.memory_space<semaphore_mem>>) src(%dma_wait3A_80 : memref<128x128xbf16, #tpu.memory_space<vmem_shared>>) dst(%dma_wait3A_78 : memref<128x128xbf16, #tpu.memory_space<hbm>>)
      tpu.yield
    }) : () -> ()
    %mul3A_57 = arith.constant 640 : i32
    %mul3A_58 = arith.muli %arg1, %mul3A_57 : i32
    %add3A_59 = arith.constant 128 : i32
    %add3A_60 = arith.addi %mul3A_58, %add3A_59 : i32
    "tpu.region"() ({
      %run_scoped3A = tpu.sem_alloc : memref<!tpu.dma_semaphore, #tpu.memory_space<semaphore_mem>>
      %dma_start3A = arith.constant 0 : i32
      %dma_start3A_73 = tpu.memref_slice %arg5[%arg0, %add3A_60, %dma_start3A] : memref<2x10240x128xbf16, #tpu.memory_space<hbm>> -> memref<1x128x128xbf16, #tpu.memory_space<hbm>>
      %dma_start3A_74 = tpu.memref_squeeze %dma_start3A_73 : memref<1x128x128xbf16, #tpu.memory_space<hbm>> -> memref<128x128xbf16, #tpu.memory_space<hbm>>
      %dma_start3A_75 = arith.constant 0 : i32
      %dma_start3A_76 = tpu.memref_slice %arg12[%add3A_60, %dma_start3A_75] : memref<10240x128xbf16, #tpu.memory_space<vmem_shared>> -> memref<128x128xbf16, #tpu.memory_space<vmem_shared>>
      tpu.enqueue_dma source(%dma_start3A_76 : memref<128x128xbf16, #tpu.memory_space<vmem_shared>>) target(%dma_start3A_74 : memref<128x128xbf16, #tpu.memory_space<hbm>>) target_semaphore(%run_scoped3A : memref<!tpu.dma_semaphore, #tpu.memory_space<semaphore_mem>>)
      %dma_wait3A = arith.constant 0 : i32
      %dma_wait3A_77 = tpu.memref_slice %arg5[%arg0, %add3A_60, %dma_wait3A] : memref<2x10240x128xbf16, #tpu.memory_space<hbm>> -> memref<1x128x128xbf16, #tpu.memory_space<hbm>>
      %dma_wait3A_78 = tpu.memref_squeeze %dma_wait3A_77 : memref<1x128x128xbf16, #tpu.memory_space<hbm>> -> memref<128x128xbf16, #tpu.memory_space<hbm>>
      %dma_wait3A_79 = arith.constant 0 : i32
      %dma_wait3A_80 = tpu.memref_slice %arg12[%add3A_60, %dma_wait3A_79] : memref<10240x128xbf16, #tpu.memory_space<vmem_shared>> -> memref<128x128xbf16, #tpu.memory_space<vmem_shared>>
      tpu.wait_dma2 semaphore(%run_scoped3A : memref<!tpu.dma_semaphore, #tpu.memory_space<semaphore_mem>>) src(%dma_wait3A_80 : memref<128x128xbf16, #tpu.memory_space<vmem_shared>>) dst(%dma_wait3A_78 : memref<128x128xbf16, #tpu.memory_space<hbm>>)
      tpu.yield
    }) : () -> ()
    %mul3A_61 = arith.constant 640 : i32
    %mul3A_62 = arith.muli %arg1, %mul3A_61 : i32
    %add3A_63 = arith.constant 256 : i32
    %add3A_64 = arith.addi %mul3A_62, %add3A_63 : i32
    "tpu.region"() ({
      %run_scoped3A = tpu.sem_alloc : memref<!tpu.dma_semaphore, #tpu.memory_space<semaphore_mem>>
      %dma_start3A = arith.constant 0 : i32
      %dma_start3A_73 = tpu.memref_slice %arg5[%arg0, %add3A_64, %dma_start3A] : memref<2x10240x128xbf16, #tpu.memory_space<hbm>> -> memref<1x128x128xbf16, #tpu.memory_space<hbm>>
      %dma_start3A_74 = tpu.memref_squeeze %dma_start3A_73 : memref<1x128x128xbf16, #tpu.memory_space<hbm>> -> memref<128x128xbf16, #tpu.memory_space<hbm>>
      %dma_start3A_75 = arith.constant 0 : i32
      %dma_start3A_76 = tpu.memref_slice %arg12[%add3A_64, %dma_start3A_75] : memref<10240x128xbf16, #tpu.memory_space<vmem_shared>> -> memref<128x128xbf16, #tpu.memory_space<vmem_shared>>
      tpu.enqueue_dma source(%dma_start3A_76 : memref<128x128xbf16, #tpu.memory_space<vmem_shared>>) target(%dma_start3A_74 : memref<128x128xbf16, #tpu.memory_space<hbm>>) target_semaphore(%run_scoped3A : memref<!tpu.dma_semaphore, #tpu.memory_space<semaphore_mem>>)
      %dma_wait3A = arith.constant 0 : i32
      %dma_wait3A_77 = tpu.memref_slice %arg5[%arg0, %add3A_64, %dma_wait3A] : memref<2x10240x128xbf16, #tpu.memory_space<hbm>> -> memref<1x128x128xbf16, #tpu.memory_space<hbm>>
      %dma_wait3A_78 = tpu.memref_squeeze %dma_wait3A_77 : memref<1x128x128xbf16, #tpu.memory_space<hbm>> -> memref<128x128xbf16, #tpu.memory_space<hbm>>
      %dma_wait3A_79 = arith.constant 0 : i32
      %dma_wait3A_80 = tpu.memref_slice %arg12[%add3A_64, %dma_wait3A_79] : memref<10240x128xbf16, #tpu.memory_space<vmem_shared>> -> memref<128x128xbf16, #tpu.memory_space<vmem_shared>>
      tpu.wait_dma2 semaphore(%run_scoped3A : memref<!tpu.dma_semaphore, #tpu.memory_space<semaphore_mem>>) src(%dma_wait3A_80 : memref<128x128xbf16, #tpu.memory_space<vmem_shared>>) dst(%dma_wait3A_78 : memref<128x128xbf16, #tpu.memory_space<hbm>>)
      tpu.yield
    }) : () -> ()
    %mul3A_65 = arith.constant 640 : i32
    %mul3A_66 = arith.muli %arg1, %mul3A_65 : i32
    %add3A_67 = arith.constant 384 : i32
    %add3A_68 = arith.addi %mul3A_66, %add3A_67 : i32
    "tpu.region"() ({
      %run_scoped3A = tpu.sem_alloc : memref<!tpu.dma_semaphore, #tpu.memory_space<semaphore_mem>>
      %dma_start3A = arith.constant 0 : i32
      %dma_start3A_73 = tpu.memref_slice %arg5[%arg0, %add3A_68, %dma_start3A] : memref<2x10240x128xbf16, #tpu.memory_space<hbm>> -> memref<1x128x128xbf16, #tpu.memory_space<hbm>>
      %dma_start3A_74 = tpu.memref_squeeze %dma_start3A_73 : memref<1x128x128xbf16, #tpu.memory_space<hbm>> -> memref<128x128xbf16, #tpu.memory_space<hbm>>
      %dma_start3A_75 = arith.constant 0 : i32
      %dma_start3A_76 = tpu.memref_slice %arg12[%add3A_68, %dma_start3A_75] : memref<10240x128xbf16, #tpu.memory_space<vmem_shared>> -> memref<128x128xbf16, #tpu.memory_space<vmem_shared>>
      tpu.enqueue_dma source(%dma_start3A_76 : memref<128x128xbf16, #tpu.memory_space<vmem_shared>>) target(%dma_start3A_74 : memref<128x128xbf16, #tpu.memory_space<hbm>>) target_semaphore(%run_scoped3A : memref<!tpu.dma_semaphore, #tpu.memory_space<semaphore_mem>>)
      %dma_wait3A = arith.constant 0 : i32
      %dma_wait3A_77 = tpu.memref_slice %arg5[%arg0, %add3A_68, %dma_wait3A] : memref<2x10240x128xbf16, #tpu.memory_space<hbm>> -> memref<1x128x128xbf16, #tpu.memory_space<hbm>>
      %dma_wait3A_78 = tpu.memref_squeeze %dma_wait3A_77 : memref<1x128x128xbf16, #tpu.memory_space<hbm>> -> memref<128x128xbf16, #tpu.memory_space<hbm>>
      %dma_wait3A_79 = arith.constant 0 : i32
      %dma_wait3A_80 = tpu.memref_slice %arg12[%add3A_68, %dma_wait3A_79] : memref<10240x128xbf16, #tpu.memory_space<vmem_shared>> -> memref<128x128xbf16, #tpu.memory_space<vmem_shared>>
      tpu.wait_dma2 semaphore(%run_scoped3A : memref<!tpu.dma_semaphore, #tpu.memory_space<semaphore_mem>>) src(%dma_wait3A_80 : memref<128x128xbf16, #tpu.memory_space<vmem_shared>>) dst(%dma_wait3A_78 : memref<128x128xbf16, #tpu.memory_space<hbm>>)
      tpu.yield
    }) : () -> ()
    %mul3A_69 = arith.constant 640 : i32
    %mul3A_70 = arith.muli %arg1, %mul3A_69 : i32
    %add3A_71 = arith.constant 512 : i32
    %add3A_72 = arith.addi %mul3A_70, %add3A_71 : i32
    "tpu.region"() ({
      %run_scoped3A = tpu.sem_alloc : memref<!tpu.dma_semaphore, #tpu.memory_space<semaphore_mem>>
      %dma_start3A = arith.constant 0 : i32
      %dma_start3A_73 = tpu.memref_slice %arg5[%arg0, %add3A_72, %dma_start3A] : memref<2x10240x128xbf16, #tpu.memory_space<hbm>> -> memref<1x128x128xbf16, #tpu.memory_space<hbm>>
      %dma_start3A_74 = tpu.memref_squeeze %dma_start3A_73 : memref<1x128x128xbf16, #tpu.memory_space<hbm>> -> memref<128x128xbf16, #tpu.memory_space<hbm>>
      %dma_start3A_75 = arith.constant 0 : i32
      %dma_start3A_76 = tpu.memref_slice %arg12[%add3A_72, %dma_start3A_75] : memref<10240x128xbf16, #tpu.memory_space<vmem_shared>> -> memref<128x128xbf16, #tpu.memory_space<vmem_shared>>
      tpu.enqueue_dma source(%dma_start3A_76 : memref<128x128xbf16, #tpu.memory_space<vmem_shared>>) target(%dma_start3A_74 : memref<128x128xbf16, #tpu.memory_space<hbm>>) target_semaphore(%run_scoped3A : memref<!tpu.dma_semaphore, #tpu.memory_space<semaphore_mem>>)
      %dma_wait3A = arith.constant 0 : i32
      %dma_wait3A_77 = tpu.memref_slice %arg5[%arg0, %add3A_72, %dma_wait3A] : memref<2x10240x128xbf16, #tpu.memory_space<hbm>> -> memref<1x128x128xbf16, #tpu.memory_space<hbm>>
      %dma_wait3A_78 = tpu.memref_squeeze %dma_wait3A_77 : memref<1x128x128xbf16, #tpu.memory_space<hbm>> -> memref<128x128xbf16, #tpu.memory_space<hbm>>
      %dma_wait3A_79 = arith.constant 0 : i32
      %dma_wait3A_80 = tpu.memref_slice %arg12[%add3A_72, %dma_wait3A_79] : memref<10240x128xbf16, #tpu.memory_space<vmem_shared>> -> memref<128x128xbf16, #tpu.memory_space<vmem_shared>>
      tpu.wait_dma2 semaphore(%run_scoped3A : memref<!tpu.dma_semaphore, #tpu.memory_space<semaphore_mem>>) src(%dma_wait3A_80 : memref<128x128xbf16, #tpu.memory_space<vmem_shared>>) dst(%dma_wait3A_78 : memref<128x128xbf16, #tpu.memory_space<hbm>>)
      tpu.yield
    }) : () -> ()
    return
  }
}

module attributes {stable_mosaic.version = 14 : i64} {
  func.func @_pre_body(%arg0: i32, %arg1: memref<2560x128xf32, #tpu.memory_space<vmem>>, %arg2: memref<128x128xf32, #tpu.memory_space<vmem>>, %arg3: memref<2560x16xf32, #tpu.memory_space<vmem>>, %arg4: memref<2560x16xf32, #tpu.memory_space<vmem>>, %arg5: memref<2560x128xbf16, #tpu.memory_space<vmem>>, %arg6: memref<2560x128xf32, #tpu.memory_space<vmem>>) attributes {dimension_semantics = [#tpu.dimension_semantics<arbitrary>], iteration_bounds = array<i64: 4>, scalar_prefetch = 0 : i64, scratch_operands = 0 : i64, tpu.core_type = #tpu.core_type<tc>, window_params = [{transform_indices = @transform_0, window_bounds = array<i64: 2560, 128>}, {pipeline_mode = #tpu.pipeline_mode<synchronous>, transform_indices = @transform_1, window_bounds = array<i64: 128, 128>}, {transform_indices = @transform_2, window_bounds = array<i64: 2560, 16>}, {transform_indices = @transform_3, window_bounds = array<i64: 2560, 16>}, {transform_indices = @transform_4, window_bounds = array<i64: 2560, 128>}, {transform_indices = @transform_5, window_bounds = array<i64: 2560, 128>}]} {
    %get3A = arith.constant 0 : index
    %get3A_0 = arith.constant 0 : index
    %get3A_1 = vector.load %arg3[%get3A, %get3A_0] : memref<2560x16xf32, #tpu.memory_space<vmem>>, vector<2560x1xf32>
    %get3A_2 = arith.constant 0 : index
    %get3A_3 = arith.constant 0 : index
    %get3A_4 = vector.load %arg4[%get3A_2, %get3A_3] : memref<2560x16xf32, #tpu.memory_space<vmem>>, vector<2560x1xf32>
    %add3A = arith.addf %get3A_1, %get3A_4 : vector<2560x1xf32>
    %add3A_5 = arith.constant 1.000000e+00 : f32
    %add3A_6 = vector.broadcast %add3A_5 : f32 to vector<2560x1xf32>
    %add3A_7 = arith.addf %add3A, %add3A_6 : vector<2560x1xf32>
    %rsqrt3A = math.rsqrt %add3A_7 : vector<2560x1xf32>
    %broadcast_in_dim3A = vector.shape_cast %rsqrt3A : vector<2560x1xf32> to vector<2560x1xf32>
    %broadcast_in_dim3A_8 = vector.broadcast %broadcast_in_dim3A : vector<2560x1xf32> to vector<2560x128xf32>
    %swap3A = arith.constant 0 : index
    %swap3A_9 = arith.constant 0 : index
    %swap3A_10 = vector.load %arg6[%swap3A, %swap3A_9] : memref<2560x128xf32, #tpu.memory_space<vmem>>, vector<2560x128xf32>
    tpu.vector_store %arg6[%swap3A, %swap3A_9], %broadcast_in_dim3A_8 {strides = array<i32>} : memref<2560x128xf32, #tpu.memory_space<vmem>>, vector<2560x128xf32>,
    %get3A_11 = arith.constant 0 : index
    %get3A_12 = arith.constant 0 : index
    %get3A_13 = vector.load %arg1[%get3A_11, %get3A_12] : memref<2560x128xf32, #tpu.memory_space<vmem>>, vector<2560x128xf32>
    %get3A_14 = arith.constant 0 : index
    %get3A_15 = arith.constant 0 : index
    %get3A_16 = vector.load %arg2[%get3A_14, %get3A_15] : memref<128x128xf32, #tpu.memory_space<vmem>>, vector<128x128xf32>
    %dot_general3A = arith.constant dense<0.000000e+00> : vector<2560x128xf32>
    %dot_general3A_17 = tpu.matmul %get3A_13, %get3A_16, %dot_general3A {dimension_numbers = #tpu.dot_dimension_numbers<[1], [0], [0], [1], [0, 0, 1, 1], [], []>, transpose_lhs_hint = false} : vector<2560x128xf32>, vector<128x128xf32>, vector<2560x128xf32> -> vector<2560x128xf32>
    %mul3A = arith.mulf %dot_general3A_17, %broadcast_in_dim3A_8 : vector<2560x128xf32>
    %convert_element_type3A = arith.truncf %mul3A : vector<2560x128xf32> to vector<2560x128xbf16>
    %swap3A_18 = arith.constant 0 : index
    %swap3A_19 = arith.constant 0 : index
    %swap3A_20 = vector.load %arg5[%swap3A_18, %swap3A_19] : memref<2560x128xbf16, #tpu.memory_space<vmem>>, vector<2560x128xbf16>
    tpu.vector_store %arg5[%swap3A_18, %swap3A_19], %convert_element_type3A {strides = array<i32>} : memref<2560x128xbf16, #tpu.memory_space<vmem>>, vector<2560x128xbf16>,
    return
  }
  func.func @transform_0(%arg0: i32) -> (i32, i32) {
    %c0_i32 = arith.constant 0 : i32
    %c0_i32_0 = arith.constant 0 : i32
    return %arg0, %c0_i32 : i32, i32
  }
  func.func @transform_1(%arg0: i32) -> (i32, i32) {
    %c0_i32 = arith.constant 0 : i32
    %c0_i32_0 = arith.constant 0 : i32
    %c0_i32_1 = arith.constant 0 : i32
    return %c0_i32, %c0_i32_0 : i32, i32
  }
  func.func @transform_2(%arg0: i32) -> (i32, i32) {
    %c0_i32 = arith.constant 0 : i32
    %c0_i32_0 = arith.constant 0 : i32
    return %arg0, %c0_i32 : i32, i32
  }
  func.func @transform_3(%arg0: i32) -> (i32, i32) {
    %c0_i32 = arith.constant 0 : i32
    %c0_i32_0 = arith.constant 0 : i32
    return %arg0, %c0_i32 : i32, i32
  }
  func.func @transform_4(%arg0: i32) -> (i32, i32) {
    %c0_i32 = arith.constant 0 : i32
    %c0_i32_0 = arith.constant 0 : i32
    return %arg0, %c0_i32 : i32, i32
  }
  func.func @transform_5(%arg0: i32) -> (i32, i32) {
    %c0_i32 = arith.constant 0 : i32
    %c0_i32_0 = arith.constant 0 : i32
    return %arg0, %c0_i32 : i32, i32
  }
}

module attributes {stable_mosaic.version = 14 : i64} {
  func.func @_mid_body(%arg0: i32, %arg1: memref<2560x128xbf16, #tpu.memory_space<vmem>>, %arg2: memref<2560x128xbf16, #tpu.memory_space<vmem>>, %arg3: memref<2560x128xbf16, #tpu.memory_space<vmem>>, %arg4: memref<2560x128xf32, #tpu.memory_space<vmem>>, %arg5: memref<1x128xf32, #tpu.memory_space<vmem>>, %arg6: memref<128x128xf32, #tpu.memory_space<vmem>>, %arg7: memref<2560x128xbf16, #tpu.memory_space<vmem>>) attributes {dimension_semantics = [#tpu.dimension_semantics<arbitrary>], iteration_bounds = array<i64: 4>, scalar_prefetch = 0 : i64, scratch_operands = 0 : i64, tpu.core_type = #tpu.core_type<tc>, window_params = [{transform_indices = @transform_0, window_bounds = array<i64: 2560, 128>}, {transform_indices = @transform_1, window_bounds = array<i64: 2560, 128>}, {transform_indices = @transform_2, window_bounds = array<i64: 2560, 128>}, {transform_indices = @transform_3, window_bounds = array<i64: 2560, 128>}, {pipeline_mode = #tpu.pipeline_mode<synchronous>, transform_indices = @transform_4, window_bounds = array<i64: 1, 128>}, {pipeline_mode = #tpu.pipeline_mode<synchronous>, transform_indices = @transform_5, window_bounds = array<i64: 128, 128>}, {transform_indices = @transform_6, window_bounds = array<i64: 2560, 128>}]} {
    %get3A = arith.constant 0 : index
    %get3A_0 = arith.constant 0 : index
    %get3A_1 = vector.load %arg4[%get3A, %get3A_0] : memref<2560x128xf32, #tpu.memory_space<vmem>>, vector<2560x128xf32>
    %get3A_2 = arith.constant 0 : index
    %get3A_3 = arith.constant 0 : index
    %get3A_4 = vector.load %arg1[%get3A_2, %get3A_3] : memref<2560x128xbf16, #tpu.memory_space<vmem>>, vector<2560x128xbf16>
    %convert_element_type3A = arith.extf %get3A_4 : vector<2560x128xbf16> to vector<2560x128xf32>
    %get3A_5 = arith.constant 0 : index
    %get3A_6 = arith.constant 0 : index
    %get3A_7 = vector.load %arg2[%get3A_5, %get3A_6] : memref<2560x128xbf16, #tpu.memory_space<vmem>>, vector<2560x128xbf16>
    %convert_element_type3A_8 = arith.extf %get3A_7 : vector<2560x128xbf16> to vector<2560x128xf32>
    %add3A = arith.addf %convert_element_type3A, %convert_element_type3A_8 : vector<2560x128xf32>
    %get3A_9 = arith.constant 0 : index
    %get3A_10 = arith.constant 0 : index
    %get3A_11 = vector.load %arg3[%get3A_9, %get3A_10] : memref<2560x128xbf16, #tpu.memory_space<vmem>>, vector<2560x128xbf16>
    %convert_element_type3A_12 = arith.extf %get3A_11 : vector<2560x128xbf16> to vector<2560x128xf32>
    %add3A_13 = arith.addf %add3A, %convert_element_type3A_12 : vector<2560x128xf32>
    %mul3A = arith.mulf %add3A_13, %get3A_1 : vector<2560x128xf32>
    %get3A_14 = arith.constant 0 : index
    %get3A_15 = arith.constant 0 : index
    %get3A_16 = vector.load %arg5[%get3A_14, %get3A_15] : memref<1x128xf32, #tpu.memory_space<vmem>>, vector<1x128xf32>
    %add3A_17 = vector.broadcast %get3A_16 : vector<1x128xf32> to vector<2560x128xf32>
    %add3A_18 = arith.addf %mul3A, %add3A_17 : vector<2560x128xf32>
    %max3A = arith.constant 0.000000e+00 : f32
    %max3A_19 = vector.broadcast %max3A : f32 to vector<2560x128xf32>
    %max3A_20 = arith.maximumf %add3A_18, %max3A_19 : vector<2560x128xf32>
    %get3A_21 = arith.constant 0 : index
    %get3A_22 = arith.constant 0 : index
    %get3A_23 = vector.load %arg6[%get3A_21, %get3A_22] : memref<128x128xf32, #tpu.memory_space<vmem>>, vector<128x128xf32>
    %dot_general3A = arith.constant dense<0.000000e+00> : vector<2560x128xf32>
    %dot_general3A_24 = tpu.matmul %max3A_20, %get3A_23, %dot_general3A {dimension_numbers = #tpu.dot_dimension_numbers<[1], [0], [0], [1], [0, 0, 1, 1], [], []>, transpose_lhs_hint = false} : vector<2560x128xf32>, vector<128x128xf32>, vector<2560x128xf32> -> vector<2560x128xf32>
    %mul3A_25 = arith.mulf %dot_general3A_24, %get3A_1 : vector<2560x128xf32>
    %convert_element_type3A_26 = arith.truncf %mul3A_25 : vector<2560x128xf32> to vector<2560x128xbf16>
    %swap3A = arith.constant 0 : index
    %swap3A_27 = arith.constant 0 : index
    %swap3A_28 = vector.load %arg7[%swap3A, %swap3A_27] : memref<2560x128xbf16, #tpu.memory_space<vmem>>, vector<2560x128xbf16>
    tpu.vector_store %arg7[%swap3A, %swap3A_27], %convert_element_type3A_26 {strides = array<i32>} : memref<2560x128xbf16, #tpu.memory_space<vmem>>, vector<2560x128xbf16>,
    return
  }
  func.func @transform_0(%arg0: i32) -> (i32, i32) {
    %c0_i32 = arith.constant 0 : i32
    %c0_i32_0 = arith.constant 0 : i32
    return %arg0, %c0_i32 : i32, i32
  }
  func.func @transform_1(%arg0: i32) -> (i32, i32) {
    %c0_i32 = arith.constant 0 : i32
    %c0_i32_0 = arith.constant 0 : i32
    return %arg0, %c0_i32 : i32, i32
  }
  func.func @transform_2(%arg0: i32) -> (i32, i32) {
    %c0_i32 = arith.constant 0 : i32
    %c0_i32_0 = arith.constant 0 : i32
    return %arg0, %c0_i32 : i32, i32
  }
  func.func @transform_3(%arg0: i32) -> (i32, i32) {
    %c0_i32 = arith.constant 0 : i32
    %c0_i32_0 = arith.constant 0 : i32
    return %arg0, %c0_i32 : i32, i32
  }
  func.func @transform_4(%arg0: i32) -> (i32, i32) {
    %c0_i32 = arith.constant 0 : i32
    %c0_i32_0 = arith.constant 0 : i32
    %c0_i32_1 = arith.constant 0 : i32
    return %c0_i32, %c0_i32_0 : i32, i32
  }
  func.func @transform_5(%arg0: i32) -> (i32, i32) {
    %c0_i32 = arith.constant 0 : i32
    %c0_i32_0 = arith.constant 0 : i32
    %c0_i32_1 = arith.constant 0 : i32
    return %c0_i32, %c0_i32_0 : i32, i32
  }
  func.func @transform_6(%arg0: i32) -> (i32, i32) {
    %c0_i32 = arith.constant 0 : i32
    %c0_i32_0 = arith.constant 0 : i32
    return %arg0, %c0_i32 : i32, i32
  }
}

module attributes {stable_mosaic.version = 14 : i64} {
  func.func @_post_body(%arg0: i32, %arg1: memref<2560x128xbf16, #tpu.memory_space<vmem>>, %arg2: memref<2560x128xbf16, #tpu.memory_space<vmem>>, %arg3: memref<2560x128xbf16, #tpu.memory_space<vmem>>, %arg4: memref<2560x128xf32, #tpu.memory_space<vmem>>, %arg5: memref<1x128xf32, #tpu.memory_space<vmem>>, %arg6: memref<2560x1xi32, #tpu.memory_space<vmem>>, %arg7: memref<384x64xf32, #tpu.memory_space<vmem>>, %arg8: memref<1x64xf32, #tpu.memory_space<vmem>>, %arg9: memref<64x64xf32, #tpu.memory_space<vmem>>, %arg10: memref<128x128xf32, #tpu.memory_space<vmem>>, %arg11: memref<128x128xf32, #tpu.memory_space<vmem>>, %arg12: memref<128x128xf32, #tpu.memory_space<vmem>>) attributes {dimension_semantics = [#tpu.dimension_semantics<arbitrary>], iteration_bounds = array<i64: 4>, scalar_prefetch = 0 : i64, scratch_operands = 3 : i64, tpu.core_type = #tpu.core_type<tc>, window_params = [{transform_indices = @transform_0, window_bounds = array<i64: 2560, 128>}, {transform_indices = @transform_1, window_bounds = array<i64: 2560, 128>}, {transform_indices = @transform_2, window_bounds = array<i64: 2560, 128>}, {transform_indices = @transform_3, window_bounds = array<i64: 2560, 128>}, {pipeline_mode = #tpu.pipeline_mode<synchronous>, transform_indices = @transform_4, window_bounds = array<i64: 1, 128>}, {transform_indices = @transform_5, window_bounds = array<i64: 2560, 1>}, {pipeline_mode = #tpu.pipeline_mode<synchronous>, transform_indices = @transform_6, window_bounds = array<i64: 384, 64>}, {pipeline_mode = #tpu.pipeline_mode<synchronous>, transform_indices = @transform_7, window_bounds = array<i64: 1, 64>}, {pipeline_mode = #tpu.pipeline_mode<synchronous>, transform_indices = @transform_8, window_bounds = array<i64: 64, 64>}]} {
    %eq3A = arith.constant 0 : i32
    %eq3A_0 = arith.cmpi eq, %arg0, %eq3A : i32
    %convert_element_type3A = arith.extui %eq3A_0 : i1 to i32
    %cond3A = arith.constant 0 : i32
    %cond3A_1 = arith.cmpi ne, %convert_element_type3A, %cond3A : i32
    scf.if %cond3A_1 {
      %broadcast_in_dim3A_71 = arith.constant 0.000000e+00 : f32
      %broadcast_in_dim3A_72 = vector.broadcast %broadcast_in_dim3A_71 : f32 to vector<128x128xf32>
      %swap3A_73 = arith.constant 0 : index
      %swap3A_74 = arith.constant 0 : index
      %swap3A_75 = vector.load %arg10[%swap3A_73, %swap3A_74] : memref<128x128xf32, #tpu.memory_space<vmem>>, vector<128x128xf32>
      tpu.vector_store %arg10[%swap3A_73, %swap3A_74], %broadcast_in_dim3A_72 {strides = array<i32>} : memref<128x128xf32, #tpu.memory_space<vmem>>, vector<128x128xf32>,
      %broadcast_in_dim3A_76 = arith.constant 0.000000e+00 : f32
      %broadcast_in_dim3A_77 = vector.broadcast %broadcast_in_dim3A_76 : f32 to vector<128x128xf32>
      %swap3A_78 = arith.constant 0 : index
      %swap3A_79 = arith.constant 0 : index
      %swap3A_80 = vector.load %arg12[%swap3A_78, %swap3A_79] : memref<128x128xf32, #tpu.memory_space<vmem>>, vector<128x128xf32>
      tpu.vector_store %arg12[%swap3A_78, %swap3A_79], %broadcast_in_dim3A_77 {strides = array<i32>} : memref<128x128xf32, #tpu.memory_space<vmem>>, vector<128x128xf32>,
      %broadcast_in_dim3A_81 = arith.constant 0xFF800000 : f32
      %broadcast_in_dim3A_82 = vector.broadcast %broadcast_in_dim3A_81 : f32 to vector<128x128xf32>
      %swap3A_83 = arith.constant 0 : index
      %swap3A_84 = arith.constant 0 : index
      %swap3A_85 = vector.load %arg11[%swap3A_83, %swap3A_84] : memref<128x128xf32, #tpu.memory_space<vmem>>, vector<128x128xf32>
      tpu.vector_store %arg11[%swap3A_83, %swap3A_84], %broadcast_in_dim3A_82 {strides = array<i32>} : memref<128x128xf32, #tpu.memory_space<vmem>>, vector<128x128xf32>,
    } else {
    }
    %get3A = arith.constant 0 : index
    %get3A_2 = arith.constant 0 : index
    %get3A_3 = vector.load %arg4[%get3A, %get3A_2] : memref<2560x128xf32, #tpu.memory_space<vmem>>, vector<2560x128xf32>
    %get3A_4 = arith.constant 0 : index
    %get3A_5 = arith.constant 0 : index
    %get3A_6 = vector.load %arg1[%get3A_4, %get3A_5] : memref<2560x128xbf16, #tpu.memory_space<vmem>>, vector<2560x128xbf16>
    %convert_element_type3A_7 = arith.extf %get3A_6 : vector<2560x128xbf16> to vector<2560x128xf32>
    %get3A_8 = arith.constant 0 : index
    %get3A_9 = arith.constant 0 : index
    %get3A_10 = vector.load %arg2[%get3A_8, %get3A_9] : memref<2560x128xbf16, #tpu.memory_space<vmem>>, vector<2560x128xbf16>
    %convert_element_type3A_11 = arith.extf %get3A_10 : vector<2560x128xbf16> to vector<2560x128xf32>
    %add3A = arith.addf %convert_element_type3A_7, %convert_element_type3A_11 : vector<2560x128xf32>
    %get3A_12 = arith.constant 0 : index
    %get3A_13 = arith.constant 0 : index
    %get3A_14 = vector.load %arg3[%get3A_12, %get3A_13] : memref<2560x128xbf16, #tpu.memory_space<vmem>>, vector<2560x128xbf16>
    %convert_element_type3A_15 = arith.extf %get3A_14 : vector<2560x128xbf16> to vector<2560x128xf32>
    %add3A_16 = arith.addf %add3A, %convert_element_type3A_15 : vector<2560x128xf32>
    %mul3A = arith.mulf %add3A_16, %get3A_3 : vector<2560x128xf32>
    %get3A_17 = arith.constant 0 : index
    %get3A_18 = arith.constant 0 : index
    %get3A_19 = vector.load %arg5[%get3A_17, %get3A_18] : memref<1x128xf32, #tpu.memory_space<vmem>>, vector<1x128xf32>
    %add3A_20 = vector.broadcast %get3A_19 : vector<1x128xf32> to vector<2560x128xf32>
    %add3A_21 = arith.addf %mul3A, %add3A_20 : vector<2560x128xf32>
    %max3A = arith.constant 0.000000e+00 : f32
    %max3A_22 = vector.broadcast %max3A : f32 to vector<2560x128xf32>
    %max3A_23 = arith.maximumf %add3A_21, %max3A_22 : vector<2560x128xf32>
    %get3A_24 = arith.constant 0 : index
    %get3A_25 = arith.constant 0 : index
    %get3A_26 = vector.load %arg6[%get3A_24, %get3A_25] : memref<2560x1xi32, #tpu.memory_space<vmem>>, vector<2560x1xi32>
    %iota3A = tpu.iota {dimensions = array<i32: 1>} : vector<2560x128xi32>
    %eq3A_27 = vector.broadcast %get3A_26 : vector<2560x1xi32> to vector<2560x128xi32>
    %eq3A_28 = arith.cmpi eq, %eq3A_27, %iota3A : vector<2560x128xi32>
    %convert_element_type3A_29 = arith.extui %eq3A_28 : vector<2560x128xi1> to vector<2560x128xi32>
    %convert_element_type3A_30 = arith.sitofp %convert_element_type3A_29 : vector<2560x128xi32> to vector<2560x128xf32>
    %get3A_31 = arith.constant 0 : index
    %get3A_32 = arith.constant 0 : index
    %get3A_33 = vector.load %arg10[%get3A_31, %get3A_32] : memref<128x128xf32, #tpu.memory_space<vmem>>, vector<128x128xf32>
    %dot_general3A = arith.constant dense<0.000000e+00> : vector<128x128xf32>
    %dot_general3A_34 = tpu.matmul %convert_element_type3A_30, %max3A_23, %dot_general3A {dimension_numbers = #tpu.dot_dimension_numbers<[0], [0], [1], [1], [0, 1, 1, 1], [], []>, transpose_lhs_hint = false} : vector<2560x128xf32>, vector<2560x128xf32>, vector<128x128xf32> -> vector<128x128xf32>
    %add3A_35 = arith.addf %get3A_33, %dot_general3A_34 : vector<128x128xf32>
    %swap3A = arith.constant 0 : index
    %swap3A_36 = arith.constant 0 : index
    %swap3A_37 = vector.load %arg10[%swap3A, %swap3A_36] : memref<128x128xf32, #tpu.memory_space<vmem>>, vector<128x128xf32>
    tpu.vector_store %arg10[%swap3A, %swap3A_36], %add3A_35 {strides = array<i32>} : memref<128x128xf32, #tpu.memory_space<vmem>>, vector<128x128xf32>,
    %get3A_38 = arith.constant 0 : index
    %get3A_39 = arith.constant 0 : index
    %get3A_40 = vector.load %arg12[%get3A_38, %get3A_39] : memref<128x128xf32, #tpu.memory_space<vmem>>, vector<128x128xf32>
    %broadcast_in_dim3A = arith.constant 1.000000e+00 : f32
    %broadcast_in_dim3A_41 = vector.broadcast %broadcast_in_dim3A : f32 to vector<2560x128xf32>
    %dot_general3A_42 = arith.constant dense<0.000000e+00> : vector<128x128xf32>
    %dot_general3A_43 = tpu.matmul %convert_element_type3A_30, %broadcast_in_dim3A_41, %dot_general3A_42 {dimension_numbers = #tpu.dot_dimension_numbers<[0], [0], [1], [1], [0, 1, 1, 1], [], []>, transpose_lhs_hint = false} : vector<2560x128xf32>, vector<2560x128xf32>, vector<128x128xf32> -> vector<128x128xf32>
    %add3A_44 = arith.addf %get3A_40, %dot_general3A_43 : vector<128x128xf32>
    %swap3A_45 = arith.constant 0 : index
    %swap3A_46 = arith.constant 0 : index
    %swap3A_47 = vector.load %arg12[%swap3A_45, %swap3A_46] : memref<128x128xf32, #tpu.memory_space<vmem>>, vector<128x128xf32>
    tpu.vector_store %arg12[%swap3A_45, %swap3A_46], %add3A_44 {strides = array<i32>} : memref<128x128xf32, #tpu.memory_space<vmem>>, vector<128x128xf32>,
    %reduce_min3A = vector.shape_cast %get3A_26 : vector<2560x1xi32> to vector<1x2560x1xi32>
    %reduce_min3A_48 = arith.constant dense<2147483647> : vector<1xi32>
    %reduce_min3A_49 = vector.multi_reduction <minsi>, %reduce_min3A, %reduce_min3A_48 [1, 2] : vector<1x2560x1xi32> to vector<1xi32>
    %reduce_min3A_50 = vector.shape_cast %reduce_min3A_49 : vector<1xi32> to vector<1x1x1xi32>
    %reduce_min3A_51 = vector.extract %reduce_min3A_50[0, 0, 0] : i32 from vector<1x1x1xi32>
    %reduce_max3A = vector.shape_cast %get3A_26 : vector<2560x1xi32> to vector<1x2560x1xi32>
    %reduce_max3A_52 = arith.constant dense<-2147483648> : vector<1xi32>
    %reduce_max3A_53 = vector.multi_reduction <maxsi>, %reduce_max3A, %reduce_max3A_52 [1, 2] : vector<1x2560x1xi32> to vector<1xi32>
    %reduce_max3A_54 = vector.shape_cast %reduce_max3A_53 : vector<1xi32> to vector<1x1x1xi32>
    %reduce_max3A_55 = vector.extract %reduce_max3A_54[0, 0, 0] : i32 from vector<1x1x1xi32>
    %add3A_56 = arith.constant 1 : i32
    %add3A_57 = arith.addi %reduce_max3A_55, %add3A_56 : i32
    %while3A = arith.constant 0 : i32
    %while3A_58 = arith.subi %add3A_57, %reduce_min3A_51 : i32
    %while3A_59 = arith.addi %reduce_min3A_51, %while3A_58 : i32
    %while3A_60 = arith.constant 1 : i32
    %while3A_61 = arith.divsi %while3A_58, %while3A_60 : i32
    %while3A_62 = arith.muli %while3A_61, %while3A_60 : i32
    %while3A_63 = arith.addi %reduce_min3A_51, %while3A_62 : i32
    %while3A_64 = arith.constant 1 : i32
    scf.for %while3A_71 = %reduce_min3A_51 to %while3A_63 step %while3A_64  : i32 {
      %eq3A_72 = vector.broadcast %while3A_71 : i32 to vector<2560x1xi32>
      %eq3A_73 = arith.cmpi eq, %get3A_26, %eq3A_72 : vector<2560x1xi32>
      %jit3A = arith.constant 0xFF800000 : f32
      %broadcast_in_dim3A_74 = vector.shape_cast %eq3A_73 : vector<2560x1xi1> to vector<2560x1xi1>
      %broadcast_in_dim3A_75 = vector.broadcast %broadcast_in_dim3A_74 : vector<2560x1xi1> to vector<2560x128xi1>
      %broadcast_in_dim3A_76 = vector.broadcast %jit3A : f32 to vector<2560x128xf32>
      %select_n3A = arith.select %broadcast_in_dim3A_75, %max3A_23, %broadcast_in_dim3A_76 : vector<2560x128xi1>, vector<2560x128xf32>
      %reduce_max3A_77 = arith.constant dense<0xFF800000> : vector<128xf32>
      %reduce_max3A_78 = vector.multi_reduction <maximumf>, %select_n3A, %reduce_max3A_77 [0] : vector<2560x128xf32> to vector<128xf32>
      %broadcast_in_dim3A_79 = vector.shape_cast %reduce_max3A_78 : vector<128xf32> to vector<1x128xf32>
      %get3A_80 = arith.index_cast %while3A_71 : i32 to index
      %get3A_81 = arith.constant 0 : index
      %get3A_82 = vector.load %arg11[%get3A_80, %get3A_81] : memref<128x128xf32, #tpu.memory_space<vmem>>, vector<1x128xf32>
      %max3A_83 = arith.maximumf %get3A_82, %broadcast_in_dim3A_79 : vector<1x128xf32>
      %swap3A_84 = arith.index_cast %while3A_71 : i32 to index
      %swap3A_85 = arith.constant 0 : index
      %swap3A_86 = vector.load %arg11[%swap3A_84, %swap3A_85] : memref<128x128xf32, #tpu.memory_space<vmem>>, vector<1x128xf32>
      tpu.vector_store %arg11[%swap3A_84, %swap3A_85], %max3A_83 {strides = array<i32>} : memref<128x128xf32, #tpu.memory_space<vmem>>, vector<1x128xf32>,
    }
    %while3A_65 = arith.constant 1 : i32
    scf.for %while3A_71 = %while3A_63 to %while3A_59 step %while3A_65  : i32 {
      %eq3A_72 = vector.broadcast %while3A_71 : i32 to vector<2560x1xi32>
      %eq3A_73 = arith.cmpi eq, %get3A_26, %eq3A_72 : vector<2560x1xi32>
      %jit3A = arith.constant 0xFF800000 : f32
      %broadcast_in_dim3A_74 = vector.shape_cast %eq3A_73 : vector<2560x1xi1> to vector<2560x1xi1>
      %broadcast_in_dim3A_75 = vector.broadcast %broadcast_in_dim3A_74 : vector<2560x1xi1> to vector<2560x128xi1>
      %broadcast_in_dim3A_76 = vector.broadcast %jit3A : f32 to vector<2560x128xf32>
      %select_n3A = arith.select %broadcast_in_dim3A_75, %max3A_23, %broadcast_in_dim3A_76 : vector<2560x128xi1>, vector<2560x128xf32>
      %reduce_max3A_77 = arith.constant dense<0xFF800000> : vector<128xf32>
      %reduce_max3A_78 = vector.multi_reduction <maximumf>, %select_n3A, %reduce_max3A_77 [0] : vector<2560x128xf32> to vector<128xf32>
      %broadcast_in_dim3A_79 = vector.shape_cast %reduce_max3A_78 : vector<128xf32> to vector<1x128xf32>
      %get3A_80 = arith.index_cast %while3A_71 : i32 to index
      %get3A_81 = arith.constant 0 : index
      %get3A_82 = vector.load %arg11[%get3A_80, %get3A_81] : memref<128x128xf32, #tpu.memory_space<vmem>>, vector<1x128xf32>
      %max3A_83 = arith.maximumf %get3A_82, %broadcast_in_dim3A_79 : vector<1x128xf32>
      %swap3A_84 = arith.index_cast %while3A_71 : i32 to index
      %swap3A_85 = arith.constant 0 : index
      %swap3A_86 = vector.load %arg11[%swap3A_84, %swap3A_85] : memref<128x128xf32, #tpu.memory_space<vmem>>, vector<1x128xf32>
      tpu.vector_store %arg11[%swap3A_84, %swap3A_85], %max3A_83 {strides = array<i32>} : memref<128x128xf32, #tpu.memory_space<vmem>>, vector<1x128xf32>,
    }
    %eq3A_66 = arith.constant 3 : i32
    %eq3A_67 = arith.cmpi eq, %arg0, %eq3A_66 : i32
    %convert_element_type3A_68 = arith.extui %eq3A_67 : i1 to i32
    %cond3A_69 = arith.constant 0 : i32
    %cond3A_70 = arith.cmpi ne, %convert_element_type3A_68, %cond3A_69 : i32
    scf.if %cond3A_70 {
      %get3A_71 = arith.constant 0 : index
      %get3A_72 = arith.constant 0 : index
      %get3A_73 = vector.load %arg12[%get3A_71, %get3A_72] : memref<128x128xf32, #tpu.memory_space<vmem>>, vector<128x128xf32>
      %max3A_74 = arith.constant 1.000000e+00 : f32
      %max3A_75 = vector.broadcast %max3A_74 : f32 to vector<128x128xf32>
      %max3A_76 = arith.maximumf %get3A_73, %max3A_75 : vector<128x128xf32>
      %get3A_77 = arith.constant 0 : index
      %get3A_78 = arith.constant 0 : index
      %get3A_79 = vector.load %arg10[%get3A_77, %get3A_78] : memref<128x128xf32, #tpu.memory_space<vmem>>, vector<128x128xf32>
      %div3A = arith.divf %get3A_79, %max3A_76 : vector<128x128xf32>
      %get3A_80 = arith.constant 0 : index
      %get3A_81 = arith.constant 0 : index
      %get3A_82 = vector.load %arg7[%get3A_80, %get3A_81] : memref<384x64xf32, #tpu.memory_space<vmem>>, vector<384x64xf32>
      %slice3A = vector.extract_strided_slice %div3A {offsets = [0, 0], sizes = [64, 128], strides = [1, 1]} : vector<128x128xf32> to vector<64x128xf32>
      %slice3A_83 = vector.extract_strided_slice %get3A_82 {offsets = [0, 0], sizes = [128, 64], strides = [1, 1]} : vector<384x64xf32> to vector<128x64xf32>
      %dot_general3A_84 = arith.constant dense<0.000000e+00> : vector<64x64xf32>
      %dot_general3A_85 = tpu.matmul %slice3A, %slice3A_83, %dot_general3A_84 {dimension_numbers = #tpu.dot_dimension_numbers<[1], [0], [0], [1], [0, 0, 1, 1], [], []>, transpose_lhs_hint = false} : vector<64x128xf32>, vector<128x64xf32>, vector<64x64xf32> -> vector<64x64xf32>
      %get3A_86 = arith.constant 0 : index
      %get3A_87 = arith.constant 0 : index
      %get3A_88 = vector.load %arg11[%get3A_86, %get3A_87] : memref<128x128xf32, #tpu.memory_space<vmem>>, vector<64x128xf32>
      %slice3A_89 = vector.extract_strided_slice %get3A_82 {offsets = [128, 0], sizes = [128, 64], strides = [1, 1]} : vector<384x64xf32> to vector<128x64xf32>
      %dot_general3A_90 = arith.constant dense<0.000000e+00> : vector<64x64xf32>
      %dot_general3A_91 = tpu.matmul %get3A_88, %slice3A_89, %dot_general3A_90 {dimension_numbers = #tpu.dot_dimension_numbers<[1], [0], [0], [1], [0, 0, 1, 1], [], []>, transpose_lhs_hint = false} : vector<64x128xf32>, vector<128x64xf32>, vector<64x64xf32> -> vector<64x64xf32>
      %add3A_92 = arith.addf %dot_general3A_85, %dot_general3A_91 : vector<64x64xf32>
      %get3A_93 = arith.constant 0 : index
      %get3A_94 = arith.constant 0 : index
      %get3A_95 = vector.load %arg10[%get3A_93, %get3A_94] : memref<128x128xf32, #tpu.memory_space<vmem>>, vector<64x128xf32>
      %slice3A_96 = vector.extract_strided_slice %get3A_82 {offsets = [256, 0], sizes = [128, 64], strides = [1, 1]} : vector<384x64xf32> to vector<128x64xf32>
      %dot_general3A_97 = arith.constant dense<0.000000e+00> : vector<64x64xf32>
      %dot_general3A_98 = tpu.matmul %get3A_95, %slice3A_96, %dot_general3A_97 {dimension_numbers = #tpu.dot_dimension_numbers<[1], [0], [0], [1], [0, 0, 1, 1], [], []>, transpose_lhs_hint = false} : vector<64x128xf32>, vector<128x64xf32>, vector<64x64xf32> -> vector<64x64xf32>
      %add3A_99 = arith.addf %add3A_92, %dot_general3A_98 : vector<64x64xf32>
      %get3A_100 = arith.constant 0 : index
      %get3A_101 = arith.constant 0 : index
      %get3A_102 = vector.load %arg8[%get3A_100, %get3A_101] : memref<1x64xf32, #tpu.memory_space<vmem>>, vector<1x64xf32>
      %add3A_103 = vector.broadcast %get3A_102 : vector<1x64xf32> to vector<64x64xf32>
      %add3A_104 = arith.addf %add3A_99, %add3A_103 : vector<64x64xf32>
      %swap3A_105 = arith.constant 0 : index
      %swap3A_106 = arith.constant 0 : index
      %swap3A_107 = vector.load %arg9[%swap3A_105, %swap3A_106] : memref<64x64xf32, #tpu.memory_space<vmem>>, vector<64x64xf32>
      tpu.vector_store %arg9[%swap3A_105, %swap3A_106], %add3A_104 {strides = array<i32>} : memref<64x64xf32, #tpu.memory_space<vmem>>, vector<64x64xf32>,
    } else {
    }
    return
  }
  func.func @transform_0(%arg0: i32) -> (i32, i32) {
    %c0_i32 = arith.constant 0 : i32
    %c0_i32_0 = arith.constant 0 : i32
    return %arg0, %c0_i32 : i32, i32
  }
  func.func @transform_1(%arg0: i32) -> (i32, i32) {
    %c0_i32 = arith.constant 0 : i32
    %c0_i32_0 = arith.constant 0 : i32
    return %arg0, %c0_i32 : i32, i32
  }
  func.func @transform_2(%arg0: i32) -> (i32, i32) {
    %c0_i32 = arith.constant 0 : i32
    %c0_i32_0 = arith.constant 0 : i32
    return %arg0, %c0_i32 : i32, i32
  }
  func.func @transform_3(%arg0: i32) -> (i32, i32) {
    %c0_i32 = arith.constant 0 : i32
    %c0_i32_0 = arith.constant 0 : i32
    return %arg0, %c0_i32 : i32, i32
  }
  func.func @transform_4(%arg0: i32) -> (i32, i32) {
    %c0_i32 = arith.constant 0 : i32
    %c0_i32_0 = arith.constant 0 : i32
    %c0_i32_1 = arith.constant 0 : i32
    return %c0_i32, %c0_i32_0 : i32, i32
  }
  func.func @transform_5(%arg0: i32) -> (i32, i32) {
    %c0_i32 = arith.constant 0 : i32
    %c0_i32_0 = arith.constant 0 : i32
    return %arg0, %c0_i32 : i32, i32
  }
  func.func @transform_6(%arg0: i32) -> (i32, i32) {
    %c0_i32 = arith.constant 0 : i32
    %c0_i32_0 = arith.constant 0 : i32
    %c0_i32_1 = arith.constant 0 : i32
    return %c0_i32, %c0_i32_0 : i32, i32
  }
  func.func @transform_7(%arg0: i32) -> (i32, i32) {
    %c0_i32 = arith.constant 0 : i32
    %c0_i32_0 = arith.constant 0 : i32
    %c0_i32_1 = arith.constant 0 : i32
    return %c0_i32, %c0_i32_0 : i32, i32
  }
  func.func @transform_8(%arg0: i32) -> (i32, i32) {
    %c0_i32 = arith.constant 0 : i32
    %c0_i32_0 = arith.constant 0 : i32
    %c0_i32_1 = arith.constant 0 : i32
    return %c0_i32, %c0_i32_0 : i32, i32
  }
}

</mosaic_0001>

<sc_bundles>
// kernel: kernel.11.cloned.1.call-start
scs
__scs_entry_jumppad:
0x0: {  	(pc) =	sbr.rel $0x88, $3  }
0x1: {  	(tag) =	ssettag $0x0;
	lr =	simm.s32 $0x1  }
0x2: {  	[smem:$0x3F98] =	sst lr;
	_ =	strace $0xD0000000  }
0x3: {  	_ = 	snop  }
0x4: {  	_ = 	snop  }
0x5: {  	_ = 	snop  }
0x6: {  	_ = 	snop  }
0x7: {  	_ = 	snop  }
__scs_overlays_trampoline_lowered:
0x8: {  	[smem:$0x3FA7] =	sst s0  }
0x9: {  	[smem:$0x3FA8] =	sst s1  }
0xa: {  	[smem:$0x3FA9] =	sst s2  }
0xb: {  	[smem:$0x3FAA] =	sst s3  }
0xc: {  	[smem:$0x3FAB] =	sst s4  }
0xd: {  	[smem:$0x3FAC] =	sst s5  }
0xe: {  	[smem:$0x3FAD] =	sst s6  }
0xf: {  	[smem:$0x3FAE] =	sst s7  }
0x10: {  	[smem:$0x3FAF] =	sst s8  }
0x11: {  	[smem:$0x3FB0] =	sst s9;
	s0 =	simm.s32 @!p0 $0x0  }
0x12: {  	s1 =	sld [smem:$0x3F96];
	s0 =	simm.s32 @p0 $0x1  }
0x13: {  	[smem:$0x3FB1] =	sst s0;
	s0 =	simm.s32 @!p1 $0x0  }
0x14: {  	s2 =	sld [smem:$0x3F95];
	s0 =	simm.s32 @p1 $0x1  }
0x15: {  	[smem:$0x3FB2] =	sst s0;
	s0 =	simm.s32 @!p2 $0x0  }
0x16: {  	s3 =	sld [smem:$0x3FDB];
	s0 =	simm.s32 @p2 $0x1  }
0x17: {  	s4 =	simm.s32 $0x1BF5;
	[smem:$0x3FB4] =	sst s0  }
0x18: {  	s0 =	sld [smem:$0x3F97];
	_ =	swait.ge [sflag:s4], $0x0  }
0x19: {  	s7 =	sld [smem:$0x3F98]  }
0x1a: {  	s8 =	sadd.s32 $0xFFFFE003, lr  }
0x1b: {  	s9 =	sadd.s32 $0xFFFFFEF7, lr;
	s5 =	simm.s32 $0xFFFFFFFF;
	p2 =	slt.u32 s8, $0xFFFFF086  }
0x1c: {  	p1 =	slt.u32 s9, $0xF7A;
	s5 =	simm.s32 @!p2 $0x0  }
0x1d: {  	s5 =	simm.s32 @p1 $0x1;
	p0 =	seq.s32 s7, s2  }
0x1e: {  	s7 =	smul.u32 @!p0 $0xF7A, s2;
	p2 =	seq.s32 @!p0 s5, $0x0  }
0x1f: {  	s9 =	smul.u32 $0xF7A, s1;
	s8 =	simm.s32 @!p0 $0x1BF5;
	p2 =	por !p2, p0  }
0x20: {  	[sflag:s8] =	ssyncset.s32 @!p0 $0xFFFFF086;
	s6 =	sadd.s32 @!p0 s3, s7;
	s7 =	simm.s32 @!p0 $0x108  }
0x21: {  	s3 =	sadd.s32 s3, s9;
	s6 =	sadd.s32 @!p0 $0x88, s6;
	s7 =	simm.s32 @p2 $0x1082  }
0x22: {  	[simem:s7], [sflag:s8] =	dma.local @!p0 [hbm:s6], $0xF7A  }
0x23: {  	s9 =	sor.u32 $0xD0000000, s2;
	s6 =	simm.s32 $0x108;
	_ =	swait.ge @!p0 [sflag:s8], $0x0  }
0x24: {  	s3 =	sadd.s32 $0x88, s3;
	s6 =	simm.s32 @!p1 $0x1082;
	[sflag:s4] =	ssyncset.s32 $0xFFFFF086  }
0x25: {  	[simem:s6], [sflag:s4] =	dma.local [hbm:s3], $0xF7A  }
0x26: {  	[smem:$0x3F98] =	sst s1;
	(tag) =	ssettag s2;
	_ =	strace s9  }
0x27: {  	s1 =	sld [smem:$0x3FA8]  }
0x28: {  	s2 =	sld [smem:$0x3FA9]  }
0x29: {  	s4 =	sld [smem:$0x3FAB]  }
0x2a: {  	p0 =	seq.s32 s5, $0x0;
	s5 =	sld [smem:$0x3FAC]  }
0x2b: {  	s6 =	sld [smem:$0x3FAD]  }
0x2c: {  	s7 =	sld [smem:$0x3FAE]  }
0x2d: {  	s3 =	simm.s32 $0x108;
	s8 =	sld [smem:$0x3FAF]  }
0x2e: {  	s3 =	simm.s32 @!p0 $0x1082;
	s9 =	sld [smem:$0x3FB0]  }
0x2f: {  	lr =	sadd.s32 s0, s3;
	s0 =	sld [smem:$0x3FA7]  }
0x30: {  	s3 =	sld [smem:$0x3FAA]  }
0x31: {  	[smem:$0x3FB3] =	sst s10  }
0x32: {  	s10 =	sld [smem:$0x3FB1];
	_ =	sdelay $0x3  }
0x33: {  	p0 =	seq.s32 s10, $0x1;
	s10 =	sld [smem:$0x3FB3];
	_ =	sdelay $0x3  }
0x34: {  	[smem:$0x3FB3] =	sst s10  }
0x35: {  	s10 =	sld [smem:$0x3FB2];
	_ =	sdelay $0x3  }
0x36: {  	p1 =	seq.s32 s10, $0x1;
	s10 =	sld [smem:$0x3FB3];
	_ =	sdelay $0x3  }
0x37: {  	[smem:$0x3FB3] =	sst s10  }
0x38: {  	s10 =	sld [smem:$0x3FB4]  }
0x39: {  	_ = 	snop;
	(pc) =	sbr.ind lr, $3  }
0x3a: {  	_ = 	snop  }
0x3b: {  	_ = 	snop  }
0x3c: {  	p2 =	seq.s32 s10, $0x1;
	s10 =	sld [smem:$0x3FB3]  }
0x3d: {  	_ =	shalt  }
0x3e: {  	_ =	shalt  }
0x3f: {  	_ =	shalt  }
0x40: {  	_ =	shalt  }
0x41: {  	_ =	shalt  }
0x42: {  	_ =	shalt  }
0x43: {  	_ =	shalt  }
0x44: {  	_ =	shalt  }
0x45: {  	_ =	shalt  }
0x46: {  	_ =	shalt  }
0x47: {  	_ =	shalt  }
0x48: {  	_ =	shalt  }
0x49: {  	_ =	shalt  }
0x4a: {  	_ =	shalt  }
0x4b: {  	_ =	shalt  }
0x4c: {  	_ =	shalt  }
0x4d: {  	_ =	shalt  }
0x4e: {  	_ =	shalt  }
0x4f: {  	_ =	shalt  }
0x50: {  	_ =	shalt  }
0x51: {  	_ =	shalt  }
0x52: {  	_ =	shalt  }
0x53: {  	_ =	shalt  }
0x54: {  	_ =	shalt  }
0x55: {  	_ =	shalt  }
0x56: {  	_ =	shalt  }
0x57: {  	_ =	shalt  }
0x58: {  	_ =	shalt  }
0x59: {  	_ =	shalt  }
0x5a: {  	_ =	shalt  }
0x5b: {  	_ =	shalt  }
0x5c: {  	_ =	shalt  }
0x5d: {  	_ =	shalt  }
0x5e: {  	_ =	shalt  }
0x5f: {  	_ =	shalt  }
0x60: {  	_ =	shalt  }
0x61: {  	_ =	shalt  }
0x62: {  	_ =	shalt  }
0x63: {  	_ =	shalt  }
0x64: {  	_ =	shalt  }
0x65: {  	_ =	shalt  }
0x66: {  	_ =	shalt  }
0x67: {  	_ =	shalt  }
0x68: {  	_ =	shalt  }
0x69: {  	_ =	shalt  }
0x6a: {  	_ =	shalt  }
0x6b: {  	_ =	shalt  }
0x6c: {  	_ =	shalt  }
0x6d: {  	_ =	shalt  }
0x6e: {  	_ =	shalt  }
0x6f: {  	_ =	shalt  }
0x70: {  	_ =	shalt  }
0x71: {  	_ =	shalt  }
0x72: {  	_ =	shalt  }
0x73: {  	_ =	shalt  }
0x74: {  	_ =	shalt  }
0x75: {  	_ =	shalt  }
0x76: {  	_ =	shalt  }
0x77: {  	_ =	shalt  }
0x78: {  	_ =	shalt  }
0x79: {  	_ =	shalt  }
0x7a: {  	_ =	shalt  }
0x7b: {  	_ =	shalt  }
0x7c: {  	_ =	shalt  }
0x7d: {  	_ =	shalt  }
0x7e: {  	_ =	shalt  }
0x7f: {  	_ =	shalt  }
0x80: {  	_ =	shalt  }
0x81: {  	_ =	shalt  }
0x82: {  	_ =	shalt  }
0x83: {  	_ =	shalt  }
0x84: {  	_ =	shalt  }
0x85: {  	_ =	shalt  }
0x86: {  	_ =	shalt  }
0x87: {  	_ =	shalt  }
.Lfunc_end0:
.L_simem_size_0:
called_computation.1_lowered:
.L_overlay_start_0:
0x88: {  	s2 =	sld [smem:$0x3FD9]  }
0x89: {  	s3 =	sld [smem:$0x3FFE];
	_ =	sdelay $0x1  }
0x8a: {  	s1 =	srdreg.scid  }
0x8b: {  	s0 =	sand.u32 $0x1, s1  }
0x8c: {  	s16 =	sshll.u32 s0, $0xA;
	s2 =	sadd.s32 s3, s2  }
0x8d: {  	s2 =	sadd.s32 s2, s16  }
0x8e: {  	[smem:$0x3FBF] =	sst s2  }
0x8f: {  	_ = 	snop  }
0x90: {  	(tm) =	ssettm $0x1  }
0x91: {  	s17 =	sld [smem:$0x3FFB];
	_ =	sdelay $0x3  }
0x92: {  	_ =	strace s17  }
0x93: {  	s2 =	sld [smem:$0x3FFC];
	_ =	sdelay $0x3  }
0x94: {  	_ =	strace s2  }
0x95: {  	s2 =	sld [smem:$0x3FFD];
	_ =	sdelay $0x3  }
0x96: {  	_ =	strace s2  }
0x97: {  	_ =	strace $0x8FFFFFFF  }
0x98: {  	s18 =	sld [smem:$0x3FDB];
	_ =	sdelay $0x1  }
0x99: {  	s19 =	simm.s32 $_scs_section_size  }
0x9a: {  	s4 =	simm.s32 $_size__tile_overlayer_lowered;
	s5 =	simm.s32 $_tile_overlayer_lowered  }
0x9b: {  	s22 =	simm.s32 $0x1BFF;
	s21 =	sshll.u32 s5, $0x1;
	s2 =	sadd.s32 s19, s18  }
0x9c: {  	s6 =	simm.s32 $0x0;
	s20 =	sshll.u32 s4, $0x1;
	s4 =	sadd.s32 s21, s2  }
0x9d: {  	[timem:s6], [sflag:s22] =	dma.local [hbm:s4], s20  }
0x9e: {  	_ =	swait.ge [sflag:s22], s20  }
0x9f: {  	s3 =	ssub.s32 $0x0, s20;
	[sflag:s22] =	ssyncset.done $0x0  }
0xa0: {  	[sflag:s22] =	ssyncadd.s32 s3;
	_ =	sdelay $0x1  }
0xa1: {  	s23 =	simm.s32 $0x1B8B  }
0xa2: {  	_ =	swait.ge [sflag:s23], $0x1  }
0xa3: {  	[sflag:s23] =	ssyncset.done $0x0  }
0xa4: {  	s25 =	simm.s32 $0x1B8E;
	s24 =	sld [smem:$0x3FFE];
	[sflag:s23] =	ssyncadd.s32 $0xFFFFFFFF  }
0xa5: {  	s26 =	simm.s32 $execute0_lowered;
	[smem:$0x3FD2] =	sst s25  }
0xa6: {  	s4 =	sshll.u32 s26, $0x1;
	_ =	strace $0x80000049;
	[dreg:$0x1] =	wrdreg $0xFFFFFFFF  }
0xa7: {  	s28 =	simm.s32 $_size_execute0_lowered;
	s2 =	sadd.s32 s2, s4;
	[dreg:$0x0] =	wrdreg $0x0  }
0xa8: {  	s4 =	sshll.u32 s28, $0x1;
	[dreg:$0x2] =	wrdreg s2  }
0xa9: {  	[dreg:$0x3] =	wrdreg s4  }
0xaa: {  	[dreg:$0x4] =	wrdreg $0xC0  }
0xab: {  	_ =	task [dreg:s6], $0x5FFFF  }
0xac: {  	[dreg:$0x1] =	wrdreg $0xFFFFFFFF  }
0xad: {  	[dreg:$0x0] =	wrdreg $0x60  }
0xae: {  	[dreg:$0x2] =	wrdreg s24  }
0xaf: {  	[dreg:$0x3] =	wrdreg $0x50000  }
0xb0: {  	[dreg:$0x4] =	wrdreg $0x9  }
0xb1: {  	_ =	task.clear_ibuf [dreg:s6], $0x5FFFF;
	_ =	strace $0x90000049  }
0xb2: {  	s29 =	simm.s32 $0x9;
	_ =	strace $0x8000004B  }
0xb3: {  	_ =	swait.ge [sflag:s29], $0x1  }
0xb4: {  	[sflag:s29] =	ssyncadd.s32 $0xFFFFFFFF  }
0xb5: {  	_ =	strace $0x9000004B  }
0xb6: {  	_ =	sfence  }
0xb7: {  	s30 =	sld [smem:$0x0];
	_ =	sdelay $0x2  }
0xb8: {  	s31 =	sshll.u32 s1, $0xD;
	s1 =	sshrl.u32 s1, $0x2  }
0xb9: {  	s3 =	sand.u32 $0x4000, s31;
	s1 =	sadd.s32 s1, s30  }
0xba: {  	s0 =	sor.u32 s3, s0;
	s1 =	sshll.u32 s1, $0x11  }
0xbb: {  	s0 =	sor.u32 s1, s0  }
0xbc: {  	s0 =	sadd.s32 $0x8F2B, s0  }
0xbd: {  	[sflag:s0] =	ssyncadd.remote.s32 $0x1  }
0xbe: {  	_ =	sfence.sel $0xFFFF  }
0xbf: {  	[dreg:$0x0] =	wrdreg $0xFFFFFFFF;
	(pc) =	sbr.abs _section_cstart, $3  }
0xc0: {  	[dreg:$0x1] =	wrdreg $0xFFFFFFFF  }
0xc1: {  	_ =	task.clear_ibuf [dreg:s6], $0x2FFFF;
	_ =	strace $0x9FFFFFFF  }
0xc2: {  	(tm) =	ssettm $0x7FFFFFFF  }
0xc3: {  	_ =	shalt  }
tec
execute0_lowered:
.L_overlay_start_1:
0x0: {  	(tag) =	ssettag $0x1  }
0x1: {  	s0 =	rddreg [dreg:$0x0]  }
0x2: {  	s1 =	rddreg [dreg:$0x1];
	s2 =	simm.s32 $0x0;
	s3 =	srdreg.scid  }
0x3: {  	s11 =	stileid.u32;
	s28 =	simm.s32 $0x40;
	s29 =	simm.s32 $0x2000  }
0x4: {  	s30 =	simm.s32 $0x1;
	s31 =	simm.s32 $0x3000;
	[smem:$0x7FF] =	sst s2  }
0x5: {  	s4 =	sadd.s32 $0x16200, s0;
	s3 =	sand.u32 $0x1, s3;
	s8 =	smul.u32 $0x14000, s11  }
0x6: {  	s5 =	sadd.s32 $0x2200, s0;
	s6 =	sadd.s32 $0x20200, s0;
	s10 =	smul.u32 $0x28000, s11  }
0x7: {  	s0 =	sadd.s32 $0x34200, s0;
	s16 =	sshll.u32 s11, $0x1;
	_ =	strace $0x8000004A  }
0x8: {  	s7 =	ssub.s32 $0x2, s3;
	s12 =	sor.u32 s3, s16;
	s3 =	smul.u32 $0x140000, s3  }
0x9: {  	s9 =	sshrl.u32 s7, $0x1;
	s17 =	sshrl.u32 s8, $0x1;
	s10 =	sshrl.u32 s10, $0x2  }
0xa: {  	s14 =	sadd.s32 $0x4000, s8;
	s16 =	sadd.s32 $0x8000, s8;
	s7 =	ssub.s32 s7, s9  }
0xb: {  	s22 =	sadd.s32 s17, s1;
	s10 =	sadd.s32 s10, s1;
	s19 =	sshrl.u32 s14, $0x1  }
0xc: {  	s21 =	sshrl.u32 s16, $0x1;
	s14 =	sadd.s32 s3, s14;
	s17 =	smul.u32 $0x2800, s12  }
0xd: {  	s12 =	simm.s32 $0x780;
	s18 =	sadd.s32 $0x1000, s10;
	s23 =	sadd.s32 s19, s1  }
0xe: {  	s20 =	sadd.s32 $0x3000, s10;
	s24 =	sadd.s32 s21, s1;
	[dreg:$0x3] =	wrdreg s18  }
0xf: {  	s25 =	sadd.s32 $0x5000, s10;
	s19 =	sadd.s32 $0x10000, s8;
	[dreg:$0x4] =	wrdreg s20  }
0x10: {  	s11 =	sadd.s32 $0x7000, s10;
	s14 =	sshrl.u32 s14, $0x4;
	[dreg:$0x5] =	wrdreg s24  }
0x11: {  	s21 =	sadd.s32 s3, s16;
	s16 =	simm.s32 $0x7C0;
	[dreg:$0x6] =	wrdreg s25  }
0x12: {  	s18 =	sadd.s32 $0xC000, s8;
	[dreg:$0x8] =	wrdreg s11;
	s15 =	sshrl.u32 s19, $0x1  }
0x13: {  	s8 =	sadd.s32 s8, s3;
	s20 =	sadd.s32 s0, s14;
	s14 =	simm.s32 $0xF00  }
0x14: {  	s13 =	sshrl.u32 s18, $0x1;
	s15 =	sadd.s32 s15, s1;
	s8 =	sshrl.u32 s8, $0x4  }
0x15: {  	[dreg:$0xb] =	wrdreg s20;
	s24 =	sadd.s32 s3, s18;
	s3 =	sadd.s32 s3, s19  }
0x16: {  	s18 =	simm.s32 $0xF40;
	s19 =	simm.s32 $0xF80;
	s26 =	sadd.s32 s13, s1  }
0x17: {  	s20 =	simm.s32 $0xFC0;
	s13 =	sadd.s32 $0x9000, s10;
	[dreg:$0x7] =	wrdreg s26  }
0x18: {  	s8 =	sadd.s32 s0, s8;
	s10 =	sshrl.u32 s24, $0x4;
	[dreg:$0x9] =	wrdreg s13  }
0x19: {  	s3 =	sshrl.u32 s3, $0x4;
	s24 =	simm.s32 $0x1000;
	[dreg:$0xa] =	wrdreg s8  }
0x1a: {  	s8 =	sshrl.u32 s21, $0x4;
	s25 =	sadd.s32 s0, s10;
	s26 =	smax.u32 s7, $0x1  }
0x1b: {  	s10 =	simm.s32 $0x4;
	s8 =	sadd.s32 s0, s8;
	[dreg:$0xd] =	wrdreg s25  }
0x1c: {  	s0 =	sadd.s32 s0, s3;
	[dreg:$0xf] =	wrdreg s26;
	s25 =	simm.s32 $0x5  }
0x1d: {  	s26 =	simm.s32 $0x800;
	s3 =	simm.s32 $0x4000;
	[dreg:$0xc] =	wrdreg s8  }
0x1e: {  	v0 =	vimm.bf16 $0.0e+00;
	[dreg:$0xe] =	wrdreg s0;
	s0 =	simm.s32 $0x2;
	s8 =	simm.s32 $0x3  }
.LBB2_1:
0x1f: {  	s7 =	simm.s32 $0x0;
	s21 =	simm.s32 $0x200  }
.LBB2_2:
0x20: {  	p0 =	sne.s32 s21, $0x3E00;
	[tilespmem:s7+$0x1078] =	vst.msk $0xff, v0  }
0x21: {  	[tilespmem:s7+$0x1000] =	vst.msk $0xff, v0  }
0x22: {  	[tilespmem:s7+$0x1040] =	vst.msk $0xff, v0  }
0x23: {  	[tilespmem:s7+$0x1008] =	vst.msk $0xff, v0  }
0x24: {  	[tilespmem:s7+$0x1048] =	vst.msk $0xff, v0  }
0x25: {  	[tilespmem:s7+$0x1010] =	vst.msk $0xff, v0  }
0x26: {  	[tilespmem:s7+$0x1050] =	vst.msk $0xff, v0  }
0x27: {  	[tilespmem:s7+$0x1018] =	vst.msk $0xff, v0  }
0x28: {  	[tilespmem:s7+$0x1058] =	vst.msk $0xff, v0  }
0x29: {  	[tilespmem:s7+$0x1020] =	vst.msk $0xff, v0  }
0x2a: {  	[tilespmem:s7+$0x1060] =	vst.msk $0xff, v0  }
.Ltmp0:
0x2b: {  	[tilespmem:s7+$0x1028] =	vst.msk $0xff, v0;
	(pc) =	sbr.rel @p0 .LBB2_2-.Ltmp0, $4  }
0x2c: {  	[tilespmem:s7+$0x1068] =	vst.msk $0xff, v0  }
0x2d: {  	[tilespmem:s7+$0x1030] =	vst.msk $0xff, v0  }
0x2e: {  	[tilespmem:s7+$0x1070] =	vst.msk $0xff, v0  }
0x2f: {  	[tilespmem:s7+$0x1038] =	vst.msk $0xff, v0;
	s7 =	sshra.s32 s21, $0x2;
	s21 =	sadd.s32 $0x200, s21  }
0x30: {  	[tilespmem:s7+$0x1078] =	vst.msk $0xff, v0  }
0x31: {  	[tilespmem:s7+$0x1000] =	vst.msk $0xff, v0  }
0x32: {  	[tilespmem:s7+$0x1040] =	vst.msk $0xff, v0  }
0x33: {  	[tilespmem:s7+$0x1008] =	vst.msk $0xff, v0  }
0x34: {  	[tilespmem:s7+$0x1048] =	vst.msk $0xff, v0  }
0x35: {  	[tilespmem:s7+$0x1010] =	vst.msk $0xff, v0  }
0x36: {  	[tilespmem:s7+$0x1050] =	vst.msk $0xff, v0  }
0x37: {  	[tilespmem:s7+$0x1018] =	vst.msk $0xff, v0  }
0x38: {  	[tilespmem:s7+$0x1058] =	vst.msk $0xff, v0  }
0x39: {  	[tilespmem:s7+$0x1020] =	vst.msk $0xff, v0  }
0x3a: {  	[tilespmem:s7+$0x1060] =	vst.msk $0xff, v0  }
0x3b: {  	[tilespmem:s7+$0x1028] =	vst.msk $0xff, v0  }
0x3c: {  	[tilespmem:s7+$0x1068] =	vst.msk $0xff, v0  }
0x3d: {  	[tilespmem:s7+$0x1030] =	vst.msk $0xff, v0  }
0x3e: {  	[tilespmem:s7+$0x1070] =	vst.msk $0xff, v0  }
0x3f: {  	[tilespmem:s7+$0x1038] =	vst.msk $0xff, v0  }
0x40: {  	[spmem:s22] =	stream.linear.scatter [tilespmem:s24], [sflag:$0x5], $0x1000, $0x38;
	[tilespmem:$0xF000] =	vst v63  }
0x41: {  	_ =	swait.ge [sflag:s25], $0x1000  }
0x42: {  	[sflag:s25] =	ssyncset.done $0x0  }
0x43: {  	s21 =	rddreg [dreg:$0x3];
	[sflag:s25] =	ssyncadd.s32 $0xFFFFF000  }
0x44: {  	[spmem:s21] =	stream.linear.scatter [tilespmem:s24], [sflag:$0x5], $0x1000, $0x38;
	[tilespmem:$0xF000] =	vst v63  }
0x45: {  	_ =	swait.ge [sflag:s25], $0x1000  }
0x46: {  	[sflag:s25] =	ssyncset.done $0x0  }
0x47: {  	[sflag:s25] =	ssyncadd.s32 $0xFFFFF000  }
0x48: {  	[spmem:s23] =	stream.linear.scatter [tilespmem:s24], [sflag:$0x5], $0x1000, $0x38;
	[tilespmem:$0xF000] =	vst v63  }
0x49: {  	_ =	swait.ge [sflag:s25], $0x1000  }
0x4a: {  	[sflag:s25] =	ssyncset.done $0x0  }
0x4b: {  	s11 =	smov.u32 s22;
	s22 =	rddreg [dreg:$0x4];
	[sflag:s25] =	ssyncadd.s32 $0xFFFFF000  }
0x4c: {  	[spmem:s22] =	stream.linear.scatter [tilespmem:s24], [sflag:$0x5], $0x1000, $0x38;
	[tilespmem:$0xF000] =	vst v63  }
0x4d: {  	_ =	swait.ge [sflag:s25], $0x1000  }
0x4e: {  	[sflag:s25] =	ssyncset.done $0x0  }
0x4f: {  	s13 =	smov.u32 s23;
	s23 =	rddreg [dreg:$0x5];
	[sflag:s25] =	ssyncadd.s32 $0xFFFFF000  }
0x50: {  	[spmem:s23] =	stream.linear.scatter [tilespmem:s24], [sflag:$0x5], $0x1000, $0x38;
	[tilespmem:$0xF000] =	vst v63  }
0x51: {  	_ =	swait.ge [sflag:s25], $0x1000  }
0x52: {  	[sflag:s25] =	ssyncset.done $0x0  }
0x53: {  	s9 =	rddreg [dreg:$0x6];
	[sflag:s25] =	ssyncadd.s32 $0xFFFFF000  }
0x54: {  	[spmem:s9] =	stream.linear.scatter [tilespmem:s24], [sflag:$0x5], $0x1000, $0x38;
	[tilespmem:$0xF000] =	vst v63  }
0x55: {  	_ =	swait.ge [sflag:s25], $0x1000  }
0x56: {  	[sflag:s25] =	ssyncset.done $0x0  }
0x57: {  	s21 =	rddreg [dreg:$0x7];
	[sflag:s25] =	ssyncadd.s32 $0xFFFFF000  }
0x58: {  	[spmem:s21] =	stream.linear.scatter [tilespmem:s24], [sflag:$0x5], $0x1000, $0x38;
	[tilespmem:$0xF000] =	vst v63  }
0x59: {  	_ =	swait.ge [sflag:s25], $0x1000  }
0x5a: {  	[sflag:s25] =	ssyncset.done $0x0  }
0x5b: {  	s22 =	rddreg [dreg:$0x8];
	[sflag:s25] =	ssyncadd.s32 $0xFFFFF000  }
0x5c: {  	[spmem:s22] =	stream.linear.scatter [tilespmem:s24], [sflag:$0x5], $0x1000, $0x38;
	[tilespmem:$0xF000] =	vst v63  }
0x5d: {  	_ =	swait.ge [sflag:s25], $0x1000  }
0x5e: {  	[sflag:s25] =	ssyncset.done $0x0  }
0x5f: {  	[sflag:s25] =	ssyncadd.s32 $0xFFFFF000  }
0x60: {  	[spmem:s15] =	stream.linear.scatter [tilespmem:s24], [sflag:$0x5], $0x1000, $0x38;
	[tilespmem:$0xF000] =	vst v63  }
0x61: {  	_ =	swait.ge [sflag:s25], $0x1000  }
0x62: {  	[sflag:s25] =	ssyncset.done $0x0  }
0x63: {  	s23 =	rddreg [dreg:$0x9];
	[sflag:s25] =	ssyncadd.s32 $0xFFFFF000  }
0x64: {  	[spmem:s23] =	stream.linear.scatter [tilespmem:s24], [sflag:$0x5], $0x1000, $0x38;
	[tilespmem:$0xF000] =	vst v63  }
0x65: {  	_ =	swait.ge [sflag:s25], $0x1000  }
0x66: {  	[sflag:s25] =	ssyncset.done $0x0  }
0x67: {  	[sflag:s25] =	ssyncadd.s32 $0xFFFFF000  }
0x68: {  	s21 =	simm.s32 $0x0;
	s22 =	simm.s32 $0x0;
	[bflag:$0x0] =	sbarrier.arrive $0xFFFF  }
.LBB2_4:
0x69: {  	s7 =	sshll.u32 s22, $0xB  }
0x6a: {  	s7 =	sadd.s32 s17, s7  }
0x6b: {  	s7 =	sshrl.u32 s7, $0x3  }
0x6c: {  	s23 =	sadd.s32 s4, s7  }
0x6d: {  	[tilespmem:s21], [sflag:$0x5] =	stream.linear.gather [hbm4b:s23+s21], $0x800, $0x38;
	[tilespmem:$0xF000] =	vst v63  }
0x6e: {  	_ =	swait.ge [sflag:s25], $0x800  }
0x6f: {  	[sflag:s25] =	ssyncset.done $0x0  }
0x70: {  	s7 =	sadd.s32 s5, s7;
	[sflag:s25] =	ssyncadd.s32 $0xFFFFF800  }
0x71: {  	[tilespmem:s26], [sflag:$0x5] =	stream.linear.gather [hbm4b:s7+s21], $0x800, $0x38;
	[tilespmem:$0xF000] =	vst v63  }
0x72: {  	_ =	swait.ge [sflag:s25], $0x800  }
0x73: {  	[sflag:s25] =	ssyncset.done $0x0  }
0x74: {  	[sflag:s25] =	ssyncadd.s32 $0xFFFFF800  }
0x75: {  	[tilespmem:s24], [sflag:$0x1] =	stream.indirect.gather [hbm4b:s6+s28], $0x40, s21, s28, $0xb8;
	[tilespmem:$0xF000] =	vst v63  }
0x76: {  	_ = 	snop  }
0x77: {  	[tilespmem:s29], [sflag:$0x2] =	stream.indirect.gather [hbm4b:s6+s28], $0x40, s28, s28, $0xb8;
	[tilespmem:$0xF000] =	vst v63  }
0x78: {  	_ =	swait.ge [sflag:s30], $0x1000  }
0x79: {  	[sflag:s30] =	ssyncset.done $0x0  }
0x7a: {  	s9 =	simm.s32 $0x80;
	[sflag:s30] =	ssyncadd.s32 $0xFFFFF000  }
0x7b: {  	[tilespmem:s31], [sflag:$0x3] =	stream.indirect.gather [hbm4b:s6+s28], $0x40, s9, s28, $0xb8;
	[tilespmem:$0xF000] =	vst v63  }
0x7c: {  	s23 =	simm.s32 $0x800  }
0x7d: {  	[spmem:s1] =	stream.indirect.scatter.add.bf16 [tilespmem:s24], [sflag:$0x5], $0x40, s23, s28, $0xb8;
	[tilespmem:$0xF000] =	vst v63  }
0x7e: {  	_ =	swait.ge [sflag:s25], $0x1000  }
0x7f: {  	[sflag:s25] =	ssyncset.done $0x0  }
0x80: {  	[sflag:s25] =	ssyncadd.s32 $0xFFFFF000  }
0x81: {  	_ =	swait.ge [sflag:s0], $0x1000  }
0x82: {  	[sflag:s0] =	ssyncset.done $0x0  }
0x83: {  	s9 =	simm.s32 $0xC0;
	[sflag:s0] =	ssyncadd.s32 $0xFFFFF000  }
0x84: {  	[tilespmem:s3], [sflag:$0x4] =	stream.indirect.gather [hbm4b:s6+s28], $0x40, s9, s28, $0xb8;
	[tilespmem:$0xF000] =	vst v63  }
0x85: {  	s23 =	simm.s32 $0x840  }
0x86: {  	[spmem:s1] =	stream.indirect.scatter.add.bf16 [tilespmem:s29], [sflag:$0x5], $0x40, s23, s28, $0xb8;
	[tilespmem:$0xF000] =	vst v63  }
0x87: {  	_ =	swait.ge [sflag:s25], $0x1000  }
0x88: {  	[sflag:s25] =	ssyncset.done $0x0  }
0x89: {  	[sflag:s25] =	ssyncadd.s32 $0xFFFFF000  }
0x8a: {  	_ =	swait.ge [sflag:s8], $0x1000  }
0x8b: {  	[sflag:s8] =	ssyncset.done $0x0  }
0x8c: {  	s9 =	simm.s32 $0x100;
	[sflag:s8] =	ssyncadd.s32 $0xFFFFF000  }
0x8d: {  	[tilespmem:s24], [sflag:$0x1] =	stream.indirect.gather [hbm4b:s6+s28], $0x40, s9, s28, $0xb8;
	[tilespmem:$0xF000] =	vst v63  }
0x8e: {  	s23 =	simm.s32 $0x880  }
0x8f: {  	[spmem:s1] =	stream.indirect.scatter.add.bf16 [tilespmem:s31], [sflag:$0x5], $0x40, s23, s28, $0xb8;
	[tilespmem:$0xF000] =	vst v63  }
0x90: {  	_ =	swait.ge [sflag:s25], $0x1000  }
0x91: {  	[sflag:s25] =	ssyncset.done $0x0  }
0x92: {  	[sflag:s25] =	ssyncadd.s32 $0xFFFFF000  }
0x93: {  	_ =	swait.ge [sflag:s10], $0x1000  }
0x94: {  	[sflag:s10] =	ssyncset.done $0x0  }
0x95: {  	s9 =	simm.s32 $0x140;
	[sflag:s10] =	ssyncadd.s32 $0xFFFFF000  }
0x96: {  	[tilespmem:s29], [sflag:$0x2] =	stream.indirect.gather [hbm4b:s6+s28], $0x40, s9, s28, $0xb8;
	[tilespmem:$0xF000] =	vst v63  }
0x97: {  	s23 =	simm.s32 $0x8C0  }
0x98: {  	[spmem:s1] =	stream.indirect.scatter.add.bf16 [tilespmem:s3], [sflag:$0x5], $0x40, s23, s28, $0xb8;
	[tilespmem:$0xF000] =	vst v63  }
0x99: {  	_ =	swait.ge [sflag:s25], $0x1000  }
0x9a: {  	s23 =	simm.s32 $0x400;
	[sflag:s25] =	ssyncset.done $0x0  }
.LBB2_5:
0x9b: {  	p0 =	sne.s32 s23, $0x1800  }
0x9c: {  	[sflag:s25] =	ssyncadd.s32 $0xFFFFF000;
	s7 =	smov.u32 s23;
	s23 =	sadd.s32 $0x400, s23  }
0x9d: {  	_ = 	snop  }
0x9e: {  	_ =	swait.ge [sflag:s30], $0x1000  }
0x9f: {  	s7 =	sshra.s32 s7, $0x2;
	[sflag:s30] =	ssyncset.done $0x0  }
0xa0: {  	s9 =	sadd.s32 $0x80, s7;
	[sflag:s30] =	ssyncadd.s32 $0xFFFFF000  }
0xa1: {  	[tilespmem:s31], [sflag:$0x3] =	stream.indirect.gather [hbm4b:s6+s28], $0x40, s9, s28, $0xb8;
	[tilespmem:$0xF000] =	vst v63  }
0xa2: {  	s9 =	sadd.s32 $0x800, s7  }
0xa3: {  	[spmem:s1] =	stream.indirect.scatter.add.bf16 [tilespmem:s24], [sflag:$0x5], $0x40, s9, s28, $0xb8;
	[tilespmem:$0xF000] =	vst v63  }
0xa4: {  	_ =	swait.ge [sflag:s25], $0x1000  }
0xa5: {  	[sflag:s25] =	ssyncset.done $0x0  }
0xa6: {  	[sflag:s25] =	ssyncadd.s32 $0xFFFFF000  }
0xa7: {  	_ =	swait.ge [sflag:s0], $0x1000  }
0xa8: {  	[sflag:s0] =	ssyncset.done $0x0  }
0xa9: {  	s9 =	sadd.s32 $0xC0, s7;
	[sflag:s0] =	ssyncadd.s32 $0xFFFFF000  }
0xaa: {  	[tilespmem:s3], [sflag:$0x4] =	stream.indirect.gather [hbm4b:s6+s28], $0x40, s9, s28, $0xb8;
	[tilespmem:$0xF000] =	vst v63  }
0xab: {  	s9 =	sadd.s32 $0x840, s7  }
0xac: {  	[spmem:s1] =	stream.indirect.scatter.add.bf16 [tilespmem:s29], [sflag:$0x5], $0x40, s9, s28, $0xb8;
	[tilespmem:$0xF000] =	vst v63  }
0xad: {  	_ =	swait.ge [sflag:s25], $0x1000  }
0xae: {  	[sflag:s25] =	ssyncset.done $0x0  }
0xaf: {  	[sflag:s25] =	ssyncadd.s32 $0xFFFFF000  }
0xb0: {  	_ =	swait.ge [sflag:s8], $0x1000  }
0xb1: {  	[sflag:s8] =	ssyncset.done $0x0  }
0xb2: {  	s9 =	sadd.s32 $0x100, s7;
	[sflag:s8] =	ssyncadd.s32 $0xFFFFF000  }
0xb3: {  	[tilespmem:s24], [sflag:$0x1] =	stream.indirect.gather [hbm4b:s6+s28], $0x40, s9, s28, $0xb8;
	[tilespmem:$0xF000] =	vst v63  }
0xb4: {  	s9 =	sadd.s32 $0x880, s7  }
0xb5: {  	[spmem:s1] =	stream.indirect.scatter.add.bf16 [tilespmem:s31], [sflag:$0x5], $0x40, s9, s28, $0xb8;
	[tilespmem:$0xF000] =	vst v63  }
0xb6: {  	_ =	swait.ge [sflag:s25], $0x1000  }
0xb7: {  	[sflag:s25] =	ssyncset.done $0x0  }
0xb8: {  	[sflag:s25] =	ssyncadd.s32 $0xFFFFF000  }
0xb9: {  	_ =	swait.ge [sflag:s10], $0x1000  }
0xba: {  	[sflag:s10] =	ssyncset.done $0x0  }
0xbb: {  	s9 =	sadd.s32 $0x140, s7;
	[sflag:s10] =	ssyncadd.s32 $0xFFFFF000  }
0xbc: {  	[tilespmem:s29], [sflag:$0x2] =	stream.indirect.gather [hbm4b:s6+s28], $0x40, s9, s28, $0xb8;
	[tilespmem:$0xF000] =	vst v63  }
.Ltmp1:
0xbd: {  	_ = 	snop;
	(pc) =	sbr.rel @p0 .LBB2_5-.Ltmp1, $4  }
0xbe: {  	s7 =	sadd.s32 $0x8C0, s7  }
0xbf: {  	[spmem:s1] =	stream.indirect.scatter.add.bf16 [tilespmem:s3], [sflag:$0x5], $0x40, s7, s28, $0xb8;
	[tilespmem:$0xF000] =	vst v63  }
0xc0: {  	_ =	swait.ge [sflag:s25], $0x1000  }
0xc1: {  	[sflag:s25] =	ssyncset.done $0x0  }
0xc2: {  	[sflag:s25] =	ssyncadd.s32 $0xFFFFF000  }
0xc3: {  	_ =	swait.ge [sflag:s30], $0x1000  }
0xc4: {  	[sflag:s30] =	ssyncset.done $0x0  }
0xc5: {  	[sflag:s30] =	ssyncadd.s32 $0xFFFFF000  }
0xc6: {  	[tilespmem:s31], [sflag:$0x3] =	stream.indirect.gather [hbm4b:s6+s28], $0x40, s12, s28, $0xb8;
	[tilespmem:$0xF000] =	vst v63  }
0xc7: {  	_ = 	snop  }
0xc8: {  	[spmem:s1] =	stream.indirect.scatter.add.bf16 [tilespmem:s24], [sflag:$0x5], $0x40, s14, s28, $0xb8;
	[tilespmem:$0xF000] =	vst v63  }
0xc9: {  	_ =	swait.ge [sflag:s25], $0x1000  }
0xca: {  	[sflag:s25] =	ssyncset.done $0x0  }
0xcb: {  	[sflag:s25] =	ssyncadd.s32 $0xFFFFF000  }
0xcc: {  	_ =	swait.ge [sflag:s0], $0x1000  }
0xcd: {  	[sflag:s0] =	ssyncset.done $0x0  }
0xce: {  	[sflag:s0] =	ssyncadd.s32 $0xFFFFF000  }
0xcf: {  	[tilespmem:s3], [sflag:$0x4] =	stream.indirect.gather [hbm4b:s6+s28], $0x40, s16, s28, $0xb8;
	[tilespmem:$0xF000] =	vst v63  }
0xd0: {  	_ = 	snop  }
0xd1: {  	[spmem:s1] =	stream.indirect.scatter.add.bf16 [tilespmem:s29], [sflag:$0x5], $0x40, s18, s28, $0xb8;
	[tilespmem:$0xF000] =	vst v63  }
0xd2: {  	_ =	swait.ge [sflag:s25], $0x1000  }
0xd3: {  	[sflag:s25] =	ssyncset.done $0x0  }
0xd4: {  	[sflag:s25] =	ssyncadd.s32 $0xFFFFF000  }
0xd5: {  	_ =	swait.ge [sflag:s8], $0x1000  }
0xd6: {  	[sflag:s8] =	ssyncset.done $0x0  }
0xd7: {  	[sflag:s8] =	ssyncadd.s32 $0xFFFFF000  }
0xd8: {  	[spmem:s1] =	stream.indirect.scatter.add.bf16 [tilespmem:s31], [sflag:$0x5], $0x40, s19, s28, $0xb8;
	[tilespmem:$0xF000] =	vst v63  }
0xd9: {  	_ =	swait.ge [sflag:s25], $0x1000  }
0xda: {  	[sflag:s25] =	ssyncset.done $0x0  }
0xdb: {  	[sflag:s25] =	ssyncadd.s32 $0xFFFFF000  }
0xdc: {  	s22 =	sadd.s32 $0x1, s22;
	_ =	swait.ge [sflag:s10], $0x1000  }
0xdd: {  	p0 =	sne.s32 s22, $0x5;
	[sflag:s10] =	ssyncset.done $0x0  }
.Ltmp2:
0xde: {  	[sflag:s10] =	ssyncadd.s32 $0xFFFFF000;
	(pc) =	sbr.rel @p0 .LBB2_4-.Ltmp2, $4  }
0xdf: {  	[spmem:s1] =	stream.indirect.scatter.add.bf16 [tilespmem:s3], [sflag:$0x5], $0x40, s20, s28, $0xb8;
	[tilespmem:$0xF000] =	vst v63  }
0xe0: {  	_ =	swait.ge [sflag:s25], $0x1000  }
0xe1: {  	[sflag:s25] =	ssyncset.done $0x0  }
0xe2: {  	[sflag:s25] =	ssyncadd.s32 $0xFFFFF000  }
0xe3: {  	s7 =	stileid.u32  }
0xe4: {  	[bflag:$0x0] =	sbarrier.arrive $0xFFFF;
	s7 =	sshll.u32 s7, $0x6  }
0xe5: {  	s9 =	sshrl.u32 s11, $0x3;
	s23 =	rddreg [dreg:$0xa];
	s7 =	sor.u32 $0x1C05, s7  }
0xe6: {  	[hbm:s23], [sflag:s7] =	dma.local [spmem:s9], $0x400  }
0xe7: {  	_ =	swait.ge [sflag:s25], $0x400  }
0xe8: {  	s23 =	smov.u32 s13;
	[sflag:s25] =	ssyncset.done $0x0  }
0xe9: {  	s13 =	sshrl.u32 s13, $0x3;
	s21 =	rddreg [dreg:$0xb];
	[sflag:s25] =	ssyncadd.s32 $0xFFFFFC00  }
0xea: {  	[hbm:s21], [sflag:s7] =	dma.local [spmem:s13], $0x400  }
0xeb: {  	_ =	swait.ge [sflag:s25], $0x400  }
0xec: {  	[sflag:s25] =	ssyncset.done $0x0;
	s13 =	rddreg [dreg:$0x5]  }
0xed: {  	s21 =	rddreg [dreg:$0xc];
	[sflag:s25] =	ssyncadd.s32 $0xFFFFFC00;
	s9 =	sshrl.u32 s13, $0x3  }
0xee: {  	[hbm:s21], [sflag:s7] =	dma.local [spmem:s9], $0x400  }
0xef: {  	_ =	swait.ge [sflag:s25], $0x400  }
0xf0: {  	[sflag:s25] =	ssyncset.done $0x0;
	s13 =	rddreg [dreg:$0x7]  }
0xf1: {  	s21 =	rddreg [dreg:$0xd];
	[sflag:s25] =	ssyncadd.s32 $0xFFFFFC00;
	s9 =	sshrl.u32 s13, $0x3  }
0xf2: {  	[hbm:s21], [sflag:s7] =	dma.local [spmem:s9], $0x400  }
0xf3: {  	_ =	swait.ge [sflag:s25], $0x400  }
0xf4: {  	s22 =	smov.u32 s11;
	[sflag:s25] =	ssyncset.done $0x0  }
0xf5: {  	s11 =	sshrl.u32 s15, $0x3;
	s13 =	rddreg [dreg:$0xe];
	[sflag:s25] =	ssyncadd.s32 $0xFFFFFC00  }
0xf6: {  	[hbm:s13], [sflag:s7] =	dma.local [spmem:s11], $0x400  }
0xf7: {  	_ =	swait.ge [sflag:s25], $0x400  }
0xf8: {  	s2 =	sadd.s32 $0x1, s2;
	s21 =	rddreg [dreg:$0xf]  }
0xf9: {  	p0 =	sne.s32 s2, s21  }
.Ltmp3:
0xfa: {  	_ = 	snop;
	(pc) =	sbr.rel @p0 .LBB2_1-.Ltmp3, $3  }
0xfb: {  	_ =	sdelay $0x1  }
0xfc: {  	[sflag:s25] =	ssyncset.done $0x0  }
0xfd: {  	[sflag:s25] =	ssyncadd.s32 $0xFFFFFC00  }
0xfe: {  	_ =	sfence.sel $0x180000  }
0xff: {  	[bflag:$0x0] =	sbarrier.arrive $0xFFFF  }
0x100: {  	_ =	strace $0x9000004A  }
0x101: {  	s0 =	stileid.u32;
	[bflag:$0x2] =	sbarrier.arrive $0xFFFF  }
0x102: {  	p0 =	sne.s32 s0, $0x0;
	s0 =	rddreg [dreg:$0x2]  }
0x103: {  	s0 =	sadd.s32 @!p0 $0x100000, s0  }
0x104: {  	[sflag:s0] =	ssyncadd.tile.s32 @!p0 $0x1;
	_ =	shalt  }
.Lfunc_end2:
_tile_overlayer_lowered:
.L_overlay_start_2:
0x105: {  	(tag) =	ssettag $0x2  }
0x106: {  	s0 =	rddreg [dreg:$0x0];
	s2 =	stileid.u32  }
0x107: {  	s1 =	rddreg [dreg:$0x1];
	p0 =	sne.s32 s2, $0x0  }
0x108: {  	s3 =	rddreg [dreg:$0x2];
	[bflag:$0x3] =	sbarrier.arrive $0xFFFF;
	s2 =	simm.s32 @!p0 $0x1C05  }
0x109: {  	[timem:s3], [sflag:s2] =	dma.local @!p0 [hbm:s0], s1  }
0x10a: {  	s0 =	simm.s32 @!p0 $0x5  }
0x10b: {  	_ =	swait.ge @!p0 [sflag:s0], s1  }
0x10c: {  	s1 =	ssub.s32 @!p0 $0x0, s1;
	[sflag:s0] =	ssyncset.done @!p0 $0x0  }
0x10d: {  	[sflag:s0] =	ssyncadd.s32 @!p0 s1  }
0x10e: {  	[bflag:$0x3] =	sbarrier.arrive $0xFFFF  }
0x10f: {  	_ =	shalt  }

// kernel: kernel.14.cloned.1.call-start
scs
__scs_entry_jumppad:
0x0: {  	(pc) =	sbr.rel $0x88, $3  }
0x1: {  	(tag) =	ssettag $0x0;
	lr =	simm.s32 $0x1  }
0x2: {  	[smem:$0x3F98] =	sst lr;
	_ =	strace $0xD0000000  }
0x3: {  	_ = 	snop  }
0x4: {  	_ = 	snop  }
0x5: {  	_ = 	snop  }
0x6: {  	_ = 	snop  }
0x7: {  	_ = 	snop  }
__scs_overlays_trampoline_lowered:
0x8: {  	[smem:$0x3FA7] =	sst s0  }
0x9: {  	[smem:$0x3FA8] =	sst s1  }
0xa: {  	[smem:$0x3FA9] =	sst s2  }
0xb: {  	[smem:$0x3FAA] =	sst s3  }
0xc: {  	[smem:$0x3FAB] =	sst s4  }
0xd: {  	[smem:$0x3FAC] =	sst s5  }
0xe: {  	[smem:$0x3FAD] =	sst s6  }
0xf: {  	[smem:$0x3FAE] =	sst s7  }
0x10: {  	[smem:$0x3FAF] =	sst s8  }
0x11: {  	[smem:$0x3FB0] =	sst s9;
	s0 =	simm.s32 @!p0 $0x0  }
0x12: {  	s1 =	sld [smem:$0x3F96];
	s0 =	simm.s32 @p0 $0x1  }
0x13: {  	[smem:$0x3FB1] =	sst s0;
	s0 =	simm.s32 @!p1 $0x0  }
0x14: {  	s2 =	sld [smem:$0x3F95];
	s0 =	simm.s32 @p1 $0x1  }
0x15: {  	[smem:$0x3FB2] =	sst s0;
	s0 =	simm.s32 @!p2 $0x0  }
0x16: {  	s3 =	sld [smem:$0x3FDB];
	s0 =	simm.s32 @p2 $0x1  }
0x17: {  	s4 =	simm.s32 $0x1BF5;
	[smem:$0x3FB4] =	sst s0  }
0x18: {  	s0 =	sld [smem:$0x3F97];
	_ =	swait.ge [sflag:s4], $0x0  }
0x19: {  	s7 =	sld [smem:$0x3F98]  }
0x1a: {  	s8 =	sadd.s32 $0xFFFFE003, lr  }
0x1b: {  	s9 =	sadd.s32 $0xFFFFFEF7, lr;
	s5 =	simm.s32 $0xFFFFFFFF;
	p2 =	slt.u32 s8, $0xFFFFF086  }
0x1c: {  	p1 =	slt.u32 s9, $0xF7A;
	s5 =	simm.s32 @!p2 $0x0  }
0x1d: {  	s5 =	simm.s32 @p1 $0x1;
	p0 =	seq.s32 s7, s2  }
0x1e: {  	s7 =	smul.u32 @!p0 $0xF7A, s2;
	p2 =	seq.s32 @!p0 s5, $0x0  }
0x1f: {  	s9 =	smul.u32 $0xF7A, s1;
	s8 =	simm.s32 @!p0 $0x1BF5;
	p2 =	por !p2, p0  }
0x20: {  	[sflag:s8] =	ssyncset.s32 @!p0 $0xFFFFF086;
	s6 =	sadd.s32 @!p0 s3, s7;
	s7 =	simm.s32 @!p0 $0x108  }
0x21: {  	s3 =	sadd.s32 s3, s9;
	s6 =	sadd.s32 @!p0 $0x88, s6;
	s7 =	simm.s32 @p2 $0x1082  }
0x22: {  	[simem:s7], [sflag:s8] =	dma.local @!p0 [hbm:s6], $0xF7A  }
0x23: {  	s9 =	sor.u32 $0xD0000000, s2;
	s6 =	simm.s32 $0x108;
	_ =	swait.ge @!p0 [sflag:s8], $0x0  }
0x24: {  	s3 =	sadd.s32 $0x88, s3;
	s6 =	simm.s32 @!p1 $0x1082;
	[sflag:s4] =	ssyncset.s32 $0xFFFFF086  }
0x25: {  	[simem:s6], [sflag:s4] =	dma.local [hbm:s3], $0xF7A  }
0x26: {  	[smem:$0x3F98] =	sst s1;
	(tag) =	ssettag s2;
	_ =	strace s9  }
0x27: {  	s1 =	sld [smem:$0x3FA8]  }
0x28: {  	s2 =	sld [smem:$0x3FA9]  }
0x29: {  	s4 =	sld [smem:$0x3FAB]  }
0x2a: {  	p0 =	seq.s32 s5, $0x0;
	s5 =	sld [smem:$0x3FAC]  }
0x2b: {  	s6 =	sld [smem:$0x3FAD]  }
0x2c: {  	s7 =	sld [smem:$0x3FAE]  }
0x2d: {  	s3 =	simm.s32 $0x108;
	s8 =	sld [smem:$0x3FAF]  }
0x2e: {  	s3 =	simm.s32 @!p0 $0x1082;
	s9 =	sld [smem:$0x3FB0]  }
0x2f: {  	lr =	sadd.s32 s0, s3;
	s0 =	sld [smem:$0x3FA7]  }
0x30: {  	s3 =	sld [smem:$0x3FAA]  }
0x31: {  	[smem:$0x3FB3] =	sst s10  }
0x32: {  	s10 =	sld [smem:$0x3FB1];
	_ =	sdelay $0x3  }
0x33: {  	p0 =	seq.s32 s10, $0x1;
	s10 =	sld [smem:$0x3FB3];
	_ =	sdelay $0x3  }
0x34: {  	[smem:$0x3FB3] =	sst s10  }
0x35: {  	s10 =	sld [smem:$0x3FB2];
	_ =	sdelay $0x3  }
0x36: {  	p1 =	seq.s32 s10, $0x1;
	s10 =	sld [smem:$0x3FB3];
	_ =	sdelay $0x3  }
0x37: {  	[smem:$0x3FB3] =	sst s10  }
0x38: {  	s10 =	sld [smem:$0x3FB4]  }
0x39: {  	_ = 	snop;
	(pc) =	sbr.ind lr, $3  }
0x3a: {  	_ = 	snop  }
0x3b: {  	_ = 	snop  }
0x3c: {  	p2 =	seq.s32 s10, $0x1;
	s10 =	sld [smem:$0x3FB3]  }
0x3d: {  	_ =	shalt  }
0x3e: {  	_ =	shalt  }
0x3f: {  	_ =	shalt  }
0x40: {  	_ =	shalt  }
0x41: {  	_ =	shalt  }
0x42: {  	_ =	shalt  }
0x43: {  	_ =	shalt  }
0x44: {  	_ =	shalt  }
0x45: {  	_ =	shalt  }
0x46: {  	_ =	shalt  }
0x47: {  	_ =	shalt  }
0x48: {  	_ =	shalt  }
0x49: {  	_ =	shalt  }
0x4a: {  	_ =	shalt  }
0x4b: {  	_ =	shalt  }
0x4c: {  	_ =	shalt  }
0x4d: {  	_ =	shalt  }
0x4e: {  	_ =	shalt  }
0x4f: {  	_ =	shalt  }
0x50: {  	_ =	shalt  }
0x51: {  	_ =	shalt  }
0x52: {  	_ =	shalt  }
0x53: {  	_ =	shalt  }
0x54: {  	_ =	shalt  }
0x55: {  	_ =	shalt  }
0x56: {  	_ =	shalt  }
0x57: {  	_ =	shalt  }
0x58: {  	_ =	shalt  }
0x59: {  	_ =	shalt  }
0x5a: {  	_ =	shalt  }
0x5b: {  	_ =	shalt  }
0x5c: {  	_ =	shalt  }
0x5d: {  	_ =	shalt  }
0x5e: {  	_ =	shalt  }
0x5f: {  	_ =	shalt  }
0x60: {  	_ =	shalt  }
0x61: {  	_ =	shalt  }
0x62: {  	_ =	shalt  }
0x63: {  	_ =	shalt  }
0x64: {  	_ =	shalt  }
0x65: {  	_ =	shalt  }
0x66: {  	_ =	shalt  }
0x67: {  	_ =	shalt  }
0x68: {  	_ =	shalt  }
0x69: {  	_ =	shalt  }
0x6a: {  	_ =	shalt  }
0x6b: {  	_ =	shalt  }
0x6c: {  	_ =	shalt  }
0x6d: {  	_ =	shalt  }
0x6e: {  	_ =	shalt  }
0x6f: {  	_ =	shalt  }
0x70: {  	_ =	shalt  }
0x71: {  	_ =	shalt  }
0x72: {  	_ =	shalt  }
0x73: {  	_ =	shalt  }
0x74: {  	_ =	shalt  }
0x75: {  	_ =	shalt  }
0x76: {  	_ =	shalt  }
0x77: {  	_ =	shalt  }
0x78: {  	_ =	shalt  }
0x79: {  	_ =	shalt  }
0x7a: {  	_ =	shalt  }
0x7b: {  	_ =	shalt  }
0x7c: {  	_ =	shalt  }
0x7d: {  	_ =	shalt  }
0x7e: {  	_ =	shalt  }
0x7f: {  	_ =	shalt  }
0x80: {  	_ =	shalt  }
0x81: {  	_ =	shalt  }
0x82: {  	_ =	shalt  }
0x83: {  	_ =	shalt  }
0x84: {  	_ =	shalt  }
0x85: {  	_ =	shalt  }
0x86: {  	_ =	shalt  }
0x87: {  	_ =	shalt  }
.Lfunc_end0:
.L_simem_size_0:
called_computation.2_lowered:
.L_overlay_start_0:
0x88: {  	s2 =	sld [smem:$0x3FD9]  }
0x89: {  	s3 =	sld [smem:$0x3FFE];
	_ =	sdelay $0x1  }
0x8a: {  	s1 =	srdreg.scid  }
0x8b: {  	s0 =	sand.u32 $0x1, s1  }
0x8c: {  	s16 =	sshll.u32 s0, $0xA;
	s2 =	sadd.s32 s3, s2  }
0x8d: {  	s2 =	sadd.s32 s2, s16  }
0x8e: {  	[smem:$0x3FBF] =	sst s2  }
0x8f: {  	_ = 	snop  }
0x90: {  	(tm) =	ssettm $0x1  }
0x91: {  	s17 =	sld [smem:$0x3FFB];
	_ =	sdelay $0x3  }
0x92: {  	_ =	strace s17  }
0x93: {  	s2 =	sld [smem:$0x3FFC];
	_ =	sdelay $0x3  }
0x94: {  	_ =	strace s2  }
0x95: {  	s2 =	sld [smem:$0x3FFD];
	_ =	sdelay $0x3  }
0x96: {  	_ =	strace s2  }
0x97: {  	_ =	strace $0x8FFFFFFF  }
0x98: {  	s18 =	sld [smem:$0x3FDB];
	_ =	sdelay $0x1  }
0x99: {  	s19 =	simm.s32 $_scs_section_size  }
0x9a: {  	s4 =	simm.s32 $_size__tile_overlayer_lowered;
	s5 =	simm.s32 $_tile_overlayer_lowered  }
0x9b: {  	s22 =	simm.s32 $0x1BFF;
	s21 =	sshll.u32 s5, $0x1;
	s2 =	sadd.s32 s19, s18  }
0x9c: {  	s6 =	simm.s32 $0x0;
	s20 =	sshll.u32 s4, $0x1;
	s4 =	sadd.s32 s21, s2  }
0x9d: {  	[timem:s6], [sflag:s22] =	dma.local [hbm:s4], s20  }
0x9e: {  	_ =	swait.ge [sflag:s22], s20  }
0x9f: {  	s3 =	ssub.s32 $0x0, s20;
	[sflag:s22] =	ssyncset.done $0x0  }
0xa0: {  	[sflag:s22] =	ssyncadd.s32 s3;
	_ =	sdelay $0x1  }
0xa1: {  	s23 =	simm.s32 $0x1B8B  }
0xa2: {  	_ =	swait.ge [sflag:s23], $0x1  }
0xa3: {  	[sflag:s23] =	ssyncset.done $0x0  }
0xa4: {  	s25 =	simm.s32 $0x1B8E;
	s24 =	sld [smem:$0x3FFE];
	[sflag:s23] =	ssyncadd.s32 $0xFFFFFFFF  }
0xa5: {  	s26 =	simm.s32 $execute0_lowered;
	[smem:$0x3FD2] =	sst s25  }
0xa6: {  	s4 =	sshll.u32 s26, $0x1;
	_ =	strace $0x8000004C;
	[dreg:$0x1] =	wrdreg $0xFFFFFFFF  }
0xa7: {  	s28 =	simm.s32 $_size_execute0_lowered;
	s2 =	sadd.s32 s2, s4;
	[dreg:$0x0] =	wrdreg $0x0  }
0xa8: {  	s4 =	sshll.u32 s28, $0x1;
	[dreg:$0x2] =	wrdreg s2  }
0xa9: {  	[dreg:$0x3] =	wrdreg s4  }
0xaa: {  	[dreg:$0x4] =	wrdreg $0xC0  }
0xab: {  	_ =	task [dreg:s6], $0x5FFFF  }
0xac: {  	[dreg:$0x1] =	wrdreg $0xFFFFFFFF  }
0xad: {  	[dreg:$0x0] =	wrdreg $0x60  }
0xae: {  	[dreg:$0x2] =	wrdreg s24  }
0xaf: {  	[dreg:$0x3] =	wrdreg $0x50000  }
0xb0: {  	[dreg:$0x4] =	wrdreg $0x9  }
0xb1: {  	_ =	task.clear_ibuf [dreg:s6], $0x5FFFF;
	_ =	strace $0x9000004C  }
0xb2: {  	s29 =	simm.s32 $0x9;
	_ =	strace $0x8000004E  }
0xb3: {  	_ =	swait.ge [sflag:s29], $0x1  }
0xb4: {  	[sflag:s29] =	ssyncadd.s32 $0xFFFFFFFF  }
0xb5: {  	_ =	strace $0x9000004E  }
0xb6: {  	_ =	sfence  }
0xb7: {  	s30 =	sld [smem:$0x0];
	_ =	sdelay $0x2  }
0xb8: {  	s31 =	sshll.u32 s1, $0xD;
	s1 =	sshrl.u32 s1, $0x2  }
0xb9: {  	s3 =	sand.u32 $0x4000, s31;
	s1 =	sadd.s32 s1, s30  }
0xba: {  	s0 =	sor.u32 s3, s0;
	s1 =	sshll.u32 s1, $0x11  }
0xbb: {  	s0 =	sor.u32 s1, s0  }
0xbc: {  	s0 =	sadd.s32 $0x8F2B, s0  }
0xbd: {  	[sflag:s0] =	ssyncadd.remote.s32 $0x1  }
0xbe: {  	_ =	sfence.sel $0xFFFF  }
0xbf: {  	[dreg:$0x0] =	wrdreg $0xFFFFFFFF;
	(pc) =	sbr.abs _section_cstart, $3  }
0xc0: {  	[dreg:$0x1] =	wrdreg $0xFFFFFFFF  }
0xc1: {  	_ =	task.clear_ibuf [dreg:s6], $0x2FFFF;
	_ =	strace $0x9FFFFFFF  }
0xc2: {  	(tm) =	ssettm $0x7FFFFFFF  }
0xc3: {  	_ =	shalt  }
tec
execute0_lowered:
.L_overlay_start_1:
0x0: {  	(tag) =	ssettag $0x1  }
0x1: {  	s0 =	rddreg [dreg:$0x0]  }
0x2: {  	s1 =	rddreg [dreg:$0x1];
	s2 =	simm.s32 $0x0;
	s3 =	srdreg.scid  }
0x3: {  	s11 =	stileid.u32;
	s28 =	simm.s32 $0x40;
	s29 =	simm.s32 $0x2000  }
0x4: {  	s30 =	simm.s32 $0x1;
	s31 =	simm.s32 $0x3000;
	[smem:$0x7FF] =	sst s2  }
0x5: {  	s4 =	sadd.s32 $0x16200, s0;
	s3 =	sand.u32 $0x1, s3;
	s8 =	smul.u32 $0x14000, s11  }
0x6: {  	s5 =	sadd.s32 $0x2200, s0;
	s6 =	sadd.s32 $0x20200, s0;
	s10 =	smul.u32 $0x28000, s11  }
0x7: {  	s0 =	sadd.s32 $0x34200, s0;
	s16 =	sshll.u32 s11, $0x1;
	_ =	strace $0x8000004D  }
0x8: {  	s7 =	ssub.s32 $0x2, s3;
	s12 =	sor.u32 s3, s16;
	s3 =	smul.u32 $0x140000, s3  }
0x9: {  	s9 =	sshrl.u32 s7, $0x1;
	s17 =	sshrl.u32 s8, $0x1;
	s10 =	sshrl.u32 s10, $0x2  }
0xa: {  	s14 =	sadd.s32 $0x4000, s8;
	s16 =	sadd.s32 $0x8000, s8;
	s7 =	ssub.s32 s7, s9  }
0xb: {  	s22 =	sadd.s32 s17, s1;
	s10 =	sadd.s32 s10, s1;
	s19 =	sshrl.u32 s14, $0x1  }
0xc: {  	s21 =	sshrl.u32 s16, $0x1;
	s14 =	sadd.s32 s3, s14;
	s17 =	smul.u32 $0x2800, s12  }
0xd: {  	s12 =	simm.s32 $0x780;
	s18 =	sadd.s32 $0x1000, s10;
	s23 =	sadd.s32 s19, s1  }
0xe: {  	s20 =	sadd.s32 $0x3000, s10;
	s24 =	sadd.s32 s21, s1;
	[dreg:$0x3] =	wrdreg s18  }
0xf: {  	s25 =	sadd.s32 $0x5000, s10;
	s19 =	sadd.s32 $0x10000, s8;
	[dreg:$0x4] =	wrdreg s20  }
0x10: {  	s11 =	sadd.s32 $0x7000, s10;
	s14 =	sshrl.u32 s14, $0x4;
	[dreg:$0x5] =	wrdreg s24  }
0x11: {  	s21 =	sadd.s32 s3, s16;
	s16 =	simm.s32 $0x7C0;
	[dreg:$0x6] =	wrdreg s25  }
0x12: {  	s18 =	sadd.s32 $0xC000, s8;
	[dreg:$0x8] =	wrdreg s11;
	s15 =	sshrl.u32 s19, $0x1  }
0x13: {  	s8 =	sadd.s32 s8, s3;
	s20 =	sadd.s32 s0, s14;
	s14 =	simm.s32 $0xF00  }
0x14: {  	s13 =	sshrl.u32 s18, $0x1;
	s15 =	sadd.s32 s15, s1;
	s8 =	sshrl.u32 s8, $0x4  }
0x15: {  	[dreg:$0xb] =	wrdreg s20;
	s24 =	sadd.s32 s3, s18;
	s3 =	sadd.s32 s3, s19  }
0x16: {  	s18 =	simm.s32 $0xF40;
	s19 =	simm.s32 $0xF80;
	s26 =	sadd.s32 s13, s1  }
0x17: {  	s20 =	simm.s32 $0xFC0;
	s13 =	sadd.s32 $0x9000, s10;
	[dreg:$0x7] =	wrdreg s26  }
0x18: {  	s8 =	sadd.s32 s0, s8;
	s10 =	sshrl.u32 s24, $0x4;
	[dreg:$0x9] =	wrdreg s13  }
0x19: {  	s3 =	sshrl.u32 s3, $0x4;
	s24 =	simm.s32 $0x1000;
	[dreg:$0xa] =	wrdreg s8  }
0x1a: {  	s8 =	sshrl.u32 s21, $0x4;
	s25 =	sadd.s32 s0, s10;
	s26 =	smax.u32 s7, $0x1  }
0x1b: {  	s10 =	simm.s32 $0x4;
	s8 =	sadd.s32 s0, s8;
	[dreg:$0xd] =	wrdreg s25  }
0x1c: {  	s0 =	sadd.s32 s0, s3;
	[dreg:$0xf] =	wrdreg s26;
	s25 =	simm.s32 $0x5  }
0x1d: {  	s26 =	simm.s32 $0x800;
	s3 =	simm.s32 $0x4000;
	[dreg:$0xc] =	wrdreg s8  }
0x1e: {  	v0 =	vimm.bf16 $0.0e+00;
	[dreg:$0xe] =	wrdreg s0;
	s0 =	simm.s32 $0x2;
	s8 =	simm.s32 $0x3  }
.LBB2_1:
0x1f: {  	s7 =	simm.s32 $0x0;
	s21 =	simm.s32 $0x200  }
.LBB2_2:
0x20: {  	p0 =	sne.s32 s21, $0x3E00;
	[tilespmem:s7+$0x1078] =	vst.msk $0xff, v0  }
0x21: {  	[tilespmem:s7+$0x1000] =	vst.msk $0xff, v0  }
0x22: {  	[tilespmem:s7+$0x1040] =	vst.msk $0xff, v0  }
0x23: {  	[tilespmem:s7+$0x1008] =	vst.msk $0xff, v0  }
0x24: {  	[tilespmem:s7+$0x1048] =	vst.msk $0xff, v0  }
0x25: {  	[tilespmem:s7+$0x1010] =	vst.msk $0xff, v0  }
0x26: {  	[tilespmem:s7+$0x1050] =	vst.msk $0xff, v0  }
0x27: {  	[tilespmem:s7+$0x1018] =	vst.msk $0xff, v0  }
0x28: {  	[tilespmem:s7+$0x1058] =	vst.msk $0xff, v0  }
0x29: {  	[tilespmem:s7+$0x1020] =	vst.msk $0xff, v0  }
0x2a: {  	[tilespmem:s7+$0x1060] =	vst.msk $0xff, v0  }
.Ltmp0:
0x2b: {  	[tilespmem:s7+$0x1028] =	vst.msk $0xff, v0;
	(pc) =	sbr.rel @p0 .LBB2_2-.Ltmp0, $4  }
0x2c: {  	[tilespmem:s7+$0x1068] =	vst.msk $0xff, v0  }
0x2d: {  	[tilespmem:s7+$0x1030] =	vst.msk $0xff, v0  }
0x2e: {  	[tilespmem:s7+$0x1070] =	vst.msk $0xff, v0  }
0x2f: {  	[tilespmem:s7+$0x1038] =	vst.msk $0xff, v0;
	s7 =	sshra.s32 s21, $0x2;
	s21 =	sadd.s32 $0x200, s21  }
0x30: {  	[tilespmem:s7+$0x1078] =	vst.msk $0xff, v0  }
0x31: {  	[tilespmem:s7+$0x1000] =	vst.msk $0xff, v0  }
0x32: {  	[tilespmem:s7+$0x1040] =	vst.msk $0xff, v0  }
0x33: {  	[tilespmem:s7+$0x1008] =	vst.msk $0xff, v0  }
0x34: {  	[tilespmem:s7+$0x1048] =	vst.msk $0xff, v0  }
0x35: {  	[tilespmem:s7+$0x1010] =	vst.msk $0xff, v0  }
0x36: {  	[tilespmem:s7+$0x1050] =	vst.msk $0xff, v0  }
0x37: {  	[tilespmem:s7+$0x1018] =	vst.msk $0xff, v0  }
0x38: {  	[tilespmem:s7+$0x1058] =	vst.msk $0xff, v0  }
0x39: {  	[tilespmem:s7+$0x1020] =	vst.msk $0xff, v0  }
0x3a: {  	[tilespmem:s7+$0x1060] =	vst.msk $0xff, v0  }
0x3b: {  	[tilespmem:s7+$0x1028] =	vst.msk $0xff, v0  }
0x3c: {  	[tilespmem:s7+$0x1068] =	vst.msk $0xff, v0  }
0x3d: {  	[tilespmem:s7+$0x1030] =	vst.msk $0xff, v0  }
0x3e: {  	[tilespmem:s7+$0x1070] =	vst.msk $0xff, v0  }
0x3f: {  	[tilespmem:s7+$0x1038] =	vst.msk $0xff, v0  }
0x40: {  	[spmem:s22] =	stream.linear.scatter [tilespmem:s24], [sflag:$0x5], $0x1000, $0x38;
	[tilespmem:$0xF000] =	vst v63  }
0x41: {  	_ =	swait.ge [sflag:s25], $0x1000  }
0x42: {  	[sflag:s25] =	ssyncset.done $0x0  }
0x43: {  	s21 =	rddreg [dreg:$0x3];
	[sflag:s25] =	ssyncadd.s32 $0xFFFFF000  }
0x44: {  	[spmem:s21] =	stream.linear.scatter [tilespmem:s24], [sflag:$0x5], $0x1000, $0x38;
	[tilespmem:$0xF000] =	vst v63  }
0x45: {  	_ =	swait.ge [sflag:s25], $0x1000  }
0x46: {  	[sflag:s25] =	ssyncset.done $0x0  }
0x47: {  	[sflag:s25] =	ssyncadd.s32 $0xFFFFF000  }
0x48: {  	[spmem:s23] =	stream.linear.scatter [tilespmem:s24], [sflag:$0x5], $0x1000, $0x38;
	[tilespmem:$0xF000] =	vst v63  }
0x49: {  	_ =	swait.ge [sflag:s25], $0x1000  }
0x4a: {  	[sflag:s25] =	ssyncset.done $0x0  }
0x4b: {  	s11 =	smov.u32 s22;
	s22 =	rddreg [dreg:$0x4];
	[sflag:s25] =	ssyncadd.s32 $0xFFFFF000  }
0x4c: {  	[spmem:s22] =	stream.linear.scatter [tilespmem:s24], [sflag:$0x5], $0x1000, $0x38;
	[tilespmem:$0xF000] =	vst v63  }
0x4d: {  	_ =	swait.ge [sflag:s25], $0x1000  }
0x4e: {  	[sflag:s25] =	ssyncset.done $0x0  }
0x4f: {  	s13 =	smov.u32 s23;
	s23 =	rddreg [dreg:$0x5];
	[sflag:s25] =	ssyncadd.s32 $0xFFFFF000  }
0x50: {  	[spmem:s23] =	stream.linear.scatter [tilespmem:s24], [sflag:$0x5], $0x1000, $0x38;
	[tilespmem:$0xF000] =	vst v63  }
0x51: {  	_ =	swait.ge [sflag:s25], $0x1000  }
0x52: {  	[sflag:s25] =	ssyncset.done $0x0  }
0x53: {  	s9 =	rddreg [dreg:$0x6];
	[sflag:s25] =	ssyncadd.s32 $0xFFFFF000  }
0x54: {  	[spmem:s9] =	stream.linear.scatter [tilespmem:s24], [sflag:$0x5], $0x1000, $0x38;
	[tilespmem:$0xF000] =	vst v63  }
0x55: {  	_ =	swait.ge [sflag:s25], $0x1000  }
0x56: {  	[sflag:s25] =	ssyncset.done $0x0  }
0x57: {  	s21 =	rddreg [dreg:$0x7];
	[sflag:s25] =	ssyncadd.s32 $0xFFFFF000  }
0x58: {  	[spmem:s21] =	stream.linear.scatter [tilespmem:s24], [sflag:$0x5], $0x1000, $0x38;
	[tilespmem:$0xF000] =	vst v63  }
0x59: {  	_ =	swait.ge [sflag:s25], $0x1000  }
0x5a: {  	[sflag:s25] =	ssyncset.done $0x0  }
0x5b: {  	s22 =	rddreg [dreg:$0x8];
	[sflag:s25] =	ssyncadd.s32 $0xFFFFF000  }
0x5c: {  	[spmem:s22] =	stream.linear.scatter [tilespmem:s24], [sflag:$0x5], $0x1000, $0x38;
	[tilespmem:$0xF000] =	vst v63  }
0x5d: {  	_ =	swait.ge [sflag:s25], $0x1000  }
0x5e: {  	[sflag:s25] =	ssyncset.done $0x0  }
0x5f: {  	[sflag:s25] =	ssyncadd.s32 $0xFFFFF000  }
0x60: {  	[spmem:s15] =	stream.linear.scatter [tilespmem:s24], [sflag:$0x5], $0x1000, $0x38;
	[tilespmem:$0xF000] =	vst v63  }
0x61: {  	_ =	swait.ge [sflag:s25], $0x1000  }
0x62: {  	[sflag:s25] =	ssyncset.done $0x0  }
0x63: {  	s23 =	rddreg [dreg:$0x9];
	[sflag:s25] =	ssyncadd.s32 $0xFFFFF000  }
0x64: {  	[spmem:s23] =	stream.linear.scatter [tilespmem:s24], [sflag:$0x5], $0x1000, $0x38;
	[tilespmem:$0xF000] =	vst v63  }
0x65: {  	_ =	swait.ge [sflag:s25], $0x1000  }
0x66: {  	[sflag:s25] =	ssyncset.done $0x0  }
0x67: {  	[sflag:s25] =	ssyncadd.s32 $0xFFFFF000  }
0x68: {  	s21 =	simm.s32 $0x0;
	s22 =	simm.s32 $0x0;
	[bflag:$0x0] =	sbarrier.arrive $0xFFFF  }
.LBB2_4:
0x69: {  	s7 =	sshll.u32 s22, $0xB  }
0x6a: {  	s7 =	sadd.s32 s17, s7  }
0x6b: {  	s7 =	sshrl.u32 s7, $0x3  }
0x6c: {  	s23 =	sadd.s32 s4, s7  }
0x6d: {  	[tilespmem:s21], [sflag:$0x5] =	stream.linear.gather [hbm4b:s23+s21], $0x800, $0x38;
	[tilespmem:$0xF000] =	vst v63  }
0x6e: {  	_ =	swait.ge [sflag:s25], $0x800  }
0x6f: {  	[sflag:s25] =	ssyncset.done $0x0  }
0x70: {  	s7 =	sadd.s32 s5, s7;
	[sflag:s25] =	ssyncadd.s32 $0xFFFFF800  }
0x71: {  	[tilespmem:s26], [sflag:$0x5] =	stream.linear.gather [hbm4b:s7+s21], $0x800, $0x38;
	[tilespmem:$0xF000] =	vst v63  }
0x72: {  	_ =	swait.ge [sflag:s25], $0x800  }
0x73: {  	[sflag:s25] =	ssyncset.done $0x0  }
0x74: {  	[sflag:s25] =	ssyncadd.s32 $0xFFFFF800  }
0x75: {  	[tilespmem:s24], [sflag:$0x1] =	stream.indirect.gather [hbm4b:s6+s28], $0x40, s21, s28, $0xb8;
	[tilespmem:$0xF000] =	vst v63  }
0x76: {  	_ = 	snop  }
0x77: {  	[tilespmem:s29], [sflag:$0x2] =	stream.indirect.gather [hbm4b:s6+s28], $0x40, s28, s28, $0xb8;
	[tilespmem:$0xF000] =	vst v63  }
0x78: {  	_ =	swait.ge [sflag:s30], $0x1000  }
0x79: {  	[sflag:s30] =	ssyncset.done $0x0  }
0x7a: {  	s9 =	simm.s32 $0x80;
	[sflag:s30] =	ssyncadd.s32 $0xFFFFF000  }
0x7b: {  	[tilespmem:s31], [sflag:$0x3] =	stream.indirect.gather [hbm4b:s6+s28], $0x40, s9, s28, $0xb8;
	[tilespmem:$0xF000] =	vst v63  }
0x7c: {  	s23 =	simm.s32 $0x800  }
0x7d: {  	[spmem:s1] =	stream.indirect.scatter.add.bf16 [tilespmem:s24], [sflag:$0x5], $0x40, s23, s28, $0xb8;
	[tilespmem:$0xF000] =	vst v63  }
0x7e: {  	_ =	swait.ge [sflag:s25], $0x1000  }
0x7f: {  	[sflag:s25] =	ssyncset.done $0x0  }
0x80: {  	[sflag:s25] =	ssyncadd.s32 $0xFFFFF000  }
0x81: {  	_ =	swait.ge [sflag:s0], $0x1000  }
0x82: {  	[sflag:s0] =	ssyncset.done $0x0  }
0x83: {  	s9 =	simm.s32 $0xC0;
	[sflag:s0] =	ssyncadd.s32 $0xFFFFF000  }
0x84: {  	[tilespmem:s3], [sflag:$0x4] =	stream.indirect.gather [hbm4b:s6+s28], $0x40, s9, s28, $0xb8;
	[tilespmem:$0xF000] =	vst v63  }
0x85: {  	s23 =	simm.s32 $0x840  }
0x86: {  	[spmem:s1] =	stream.indirect.scatter.add.bf16 [tilespmem:s29], [sflag:$0x5], $0x40, s23, s28, $0xb8;
	[tilespmem:$0xF000] =	vst v63  }
0x87: {  	_ =	swait.ge [sflag:s25], $0x1000  }
0x88: {  	[sflag:s25] =	ssyncset.done $0x0  }
0x89: {  	[sflag:s25] =	ssyncadd.s32 $0xFFFFF000  }
0x8a: {  	_ =	swait.ge [sflag:s8], $0x1000  }
0x8b: {  	[sflag:s8] =	ssyncset.done $0x0  }
0x8c: {  	s9 =	simm.s32 $0x100;
	[sflag:s8] =	ssyncadd.s32 $0xFFFFF000  }
0x8d: {  	[tilespmem:s24], [sflag:$0x1] =	stream.indirect.gather [hbm4b:s6+s28], $0x40, s9, s28, $0xb8;
	[tilespmem:$0xF000] =	vst v63  }
0x8e: {  	s23 =	simm.s32 $0x880  }
0x8f: {  	[spmem:s1] =	stream.indirect.scatter.add.bf16 [tilespmem:s31], [sflag:$0x5], $0x40, s23, s28, $0xb8;
	[tilespmem:$0xF000] =	vst v63  }
0x90: {  	_ =	swait.ge [sflag:s25], $0x1000  }
0x91: {  	[sflag:s25] =	ssyncset.done $0x0  }
0x92: {  	[sflag:s25] =	ssyncadd.s32 $0xFFFFF000  }
0x93: {  	_ =	swait.ge [sflag:s10], $0x1000  }
0x94: {  	[sflag:s10] =	ssyncset.done $0x0  }
0x95: {  	s9 =	simm.s32 $0x140;
	[sflag:s10] =	ssyncadd.s32 $0xFFFFF000  }
0x96: {  	[tilespmem:s29], [sflag:$0x2] =	stream.indirect.gather [hbm4b:s6+s28], $0x40, s9, s28, $0xb8;
	[tilespmem:$0xF000] =	vst v63  }
0x97: {  	s23 =	simm.s32 $0x8C0  }
0x98: {  	[spmem:s1] =	stream.indirect.scatter.add.bf16 [tilespmem:s3], [sflag:$0x5], $0x40, s23, s28, $0xb8;
	[tilespmem:$0xF000] =	vst v63  }
0x99: {  	_ =	swait.ge [sflag:s25], $0x1000  }
0x9a: {  	s23 =	simm.s32 $0x400;
	[sflag:s25] =	ssyncset.done $0x0  }
.LBB2_5:
0x9b: {  	p0 =	sne.s32 s23, $0x1800  }
0x9c: {  	[sflag:s25] =	ssyncadd.s32 $0xFFFFF000;
	s7 =	smov.u32 s23;
	s23 =	sadd.s32 $0x400, s23  }
0x9d: {  	_ = 	snop  }
0x9e: {  	_ =	swait.ge [sflag:s30], $0x1000  }
0x9f: {  	s7 =	sshra.s32 s7, $0x2;
	[sflag:s30] =	ssyncset.done $0x0  }
0xa0: {  	s9 =	sadd.s32 $0x80, s7;
	[sflag:s30] =	ssyncadd.s32 $0xFFFFF000  }
0xa1: {  	[tilespmem:s31], [sflag:$0x3] =	stream.indirect.gather [hbm4b:s6+s28], $0x40, s9, s28, $0xb8;
	[tilespmem:$0xF000] =	vst v63  }
0xa2: {  	s9 =	sadd.s32 $0x800, s7  }
0xa3: {  	[spmem:s1] =	stream.indirect.scatter.add.bf16 [tilespmem:s24], [sflag:$0x5], $0x40, s9, s28, $0xb8;
	[tilespmem:$0xF000] =	vst v63  }
0xa4: {  	_ =	swait.ge [sflag:s25], $0x1000  }
0xa5: {  	[sflag:s25] =	ssyncset.done $0x0  }
0xa6: {  	[sflag:s25] =	ssyncadd.s32 $0xFFFFF000  }
0xa7: {  	_ =	swait.ge [sflag:s0], $0x1000  }
0xa8: {  	[sflag:s0] =	ssyncset.done $0x0  }
0xa9: {  	s9 =	sadd.s32 $0xC0, s7;
	[sflag:s0] =	ssyncadd.s32 $0xFFFFF000  }
0xaa: {  	[tilespmem:s3], [sflag:$0x4] =	stream.indirect.gather [hbm4b:s6+s28], $0x40, s9, s28, $0xb8;
	[tilespmem:$0xF000] =	vst v63  }
0xab: {  	s9 =	sadd.s32 $0x840, s7  }
0xac: {  	[spmem:s1] =	stream.indirect.scatter.add.bf16 [tilespmem:s29], [sflag:$0x5], $0x40, s9, s28, $0xb8;
	[tilespmem:$0xF000] =	vst v63  }
0xad: {  	_ =	swait.ge [sflag:s25], $0x1000  }
0xae: {  	[sflag:s25] =	ssyncset.done $0x0  }
0xaf: {  	[sflag:s25] =	ssyncadd.s32 $0xFFFFF000  }
0xb0: {  	_ =	swait.ge [sflag:s8], $0x1000  }
0xb1: {  	[sflag:s8] =	ssyncset.done $0x0  }
0xb2: {  	s9 =	sadd.s32 $0x100, s7;
	[sflag:s8] =	ssyncadd.s32 $0xFFFFF000  }
0xb3: {  	[tilespmem:s24], [sflag:$0x1] =	stream.indirect.gather [hbm4b:s6+s28], $0x40, s9, s28, $0xb8;
	[tilespmem:$0xF000] =	vst v63  }
0xb4: {  	s9 =	sadd.s32 $0x880, s7  }
0xb5: {  	[spmem:s1] =	stream.indirect.scatter.add.bf16 [tilespmem:s31], [sflag:$0x5], $0x40, s9, s28, $0xb8;
	[tilespmem:$0xF000] =	vst v63  }
0xb6: {  	_ =	swait.ge [sflag:s25], $0x1000  }
0xb7: {  	[sflag:s25] =	ssyncset.done $0x0  }
0xb8: {  	[sflag:s25] =	ssyncadd.s32 $0xFFFFF000  }
0xb9: {  	_ =	swait.ge [sflag:s10], $0x1000  }
0xba: {  	[sflag:s10] =	ssyncset.done $0x0  }
0xbb: {  	s9 =	sadd.s32 $0x140, s7;
	[sflag:s10] =	ssyncadd.s32 $0xFFFFF000  }
0xbc: {  	[tilespmem:s29], [sflag:$0x2] =	stream.indirect.gather [hbm4b:s6+s28], $0x40, s9, s28, $0xb8;
	[tilespmem:$0xF000] =	vst v63  }
.Ltmp1:
0xbd: {  	_ = 	snop;
	(pc) =	sbr.rel @p0 .LBB2_5-.Ltmp1, $4  }
0xbe: {  	s7 =	sadd.s32 $0x8C0, s7  }
0xbf: {  	[spmem:s1] =	stream.indirect.scatter.add.bf16 [tilespmem:s3], [sflag:$0x5], $0x40, s7, s28, $0xb8;
	[tilespmem:$0xF000] =	vst v63  }
0xc0: {  	_ =	swait.ge [sflag:s25], $0x1000  }
0xc1: {  	[sflag:s25] =	ssyncset.done $0x0  }
0xc2: {  	[sflag:s25] =	ssyncadd.s32 $0xFFFFF000  }
0xc3: {  	_ =	swait.ge [sflag:s30], $0x1000  }
0xc4: {  	[sflag:s30] =	ssyncset.done $0x0  }
0xc5: {  	[sflag:s30] =	ssyncadd.s32 $0xFFFFF000  }
0xc6: {  	[tilespmem:s31], [sflag:$0x3] =	stream.indirect.gather [hbm4b:s6+s28], $0x40, s12, s28, $0xb8;
	[tilespmem:$0xF000] =	vst v63  }
0xc7: {  	_ = 	snop  }
0xc8: {  	[spmem:s1] =	stream.indirect.scatter.add.bf16 [tilespmem:s24], [sflag:$0x5], $0x40, s14, s28, $0xb8;
	[tilespmem:$0xF000] =	vst v63  }
0xc9: {  	_ =	swait.ge [sflag:s25], $0x1000  }
0xca: {  	[sflag:s25] =	ssyncset.done $0x0  }
0xcb: {  	[sflag:s25] =	ssyncadd.s32 $0xFFFFF000  }
0xcc: {  	_ =	swait.ge [sflag:s0], $0x1000  }
0xcd: {  	[sflag:s0] =	ssyncset.done $0x0  }
0xce: {  	[sflag:s0] =	ssyncadd.s32 $0xFFFFF000  }
0xcf: {  	[tilespmem:s3], [sflag:$0x4] =	stream.indirect.gather [hbm4b:s6+s28], $0x40, s16, s28, $0xb8;
	[tilespmem:$0xF000] =	vst v63  }
0xd0: {  	_ = 	snop  }
0xd1: {  	[spmem:s1] =	stream.indirect.scatter.add.bf16 [tilespmem:s29], [sflag:$0x5], $0x40, s18, s28, $0xb8;
	[tilespmem:$0xF000] =	vst v63  }
0xd2: {  	_ =	swait.ge [sflag:s25], $0x1000  }
0xd3: {  	[sflag:s25] =	ssyncset.done $0x0  }
0xd4: {  	[sflag:s25] =	ssyncadd.s32 $0xFFFFF000  }
0xd5: {  	_ =	swait.ge [sflag:s8], $0x1000  }
0xd6: {  	[sflag:s8] =	ssyncset.done $0x0  }
0xd7: {  	[sflag:s8] =	ssyncadd.s32 $0xFFFFF000  }
0xd8: {  	[spmem:s1] =	stream.indirect.scatter.add.bf16 [tilespmem:s31], [sflag:$0x5], $0x40, s19, s28, $0xb8;
	[tilespmem:$0xF000] =	vst v63  }
0xd9: {  	_ =	swait.ge [sflag:s25], $0x1000  }
0xda: {  	[sflag:s25] =	ssyncset.done $0x0  }
0xdb: {  	[sflag:s25] =	ssyncadd.s32 $0xFFFFF000  }
0xdc: {  	s22 =	sadd.s32 $0x1, s22;
	_ =	swait.ge [sflag:s10], $0x1000  }
0xdd: {  	p0 =	sne.s32 s22, $0x5;
	[sflag:s10] =	ssyncset.done $0x0  }
.Ltmp2:
0xde: {  	[sflag:s10] =	ssyncadd.s32 $0xFFFFF000;
	(pc) =	sbr.rel @p0 .LBB2_4-.Ltmp2, $4  }
0xdf: {  	[spmem:s1] =	stream.indirect.scatter.add.bf16 [tilespmem:s3], [sflag:$0x5], $0x40, s20, s28, $0xb8;
	[tilespmem:$0xF000] =	vst v63  }
0xe0: {  	_ =	swait.ge [sflag:s25], $0x1000  }
0xe1: {  	[sflag:s25] =	ssyncset.done $0x0  }
0xe2: {  	[sflag:s25] =	ssyncadd.s32 $0xFFFFF000  }
0xe3: {  	s7 =	stileid.u32  }
0xe4: {  	[bflag:$0x0] =	sbarrier.arrive $0xFFFF;
	s7 =	sshll.u32 s7, $0x6  }
0xe5: {  	s9 =	sshrl.u32 s11, $0x3;
	s23 =	rddreg [dreg:$0xa];
	s7 =	sor.u32 $0x1C05, s7  }
0xe6: {  	[hbm:s23], [sflag:s7] =	dma.local [spmem:s9], $0x400  }
0xe7: {  	_ =	swait.ge [sflag:s25], $0x400  }
0xe8: {  	s23 =	smov.u32 s13;
	[sflag:s25] =	ssyncset.done $0x0  }
0xe9: {  	s13 =	sshrl.u32 s13, $0x3;
	s21 =	rddreg [dreg:$0xb];
	[sflag:s25] =	ssyncadd.s32 $0xFFFFFC00  }
0xea: {  	[hbm:s21], [sflag:s7] =	dma.local [spmem:s13], $0x400  }
0xeb: {  	_ =	swait.ge [sflag:s25], $0x400  }
0xec: {  	[sflag:s25] =	ssyncset.done $0x0;
	s13 =	rddreg [dreg:$0x5]  }
0xed: {  	s21 =	rddreg [dreg:$0xc];
	[sflag:s25] =	ssyncadd.s32 $0xFFFFFC00;
	s9 =	sshrl.u32 s13, $0x3  }
0xee: {  	[hbm:s21], [sflag:s7] =	dma.local [spmem:s9], $0x400  }
0xef: {  	_ =	swait.ge [sflag:s25], $0x400  }
0xf0: {  	[sflag:s25] =	ssyncset.done $0x0;
	s13 =	rddreg [dreg:$0x7]  }
0xf1: {  	s21 =	rddreg [dreg:$0xd];
	[sflag:s25] =	ssyncadd.s32 $0xFFFFFC00;
	s9 =	sshrl.u32 s13, $0x3  }
0xf2: {  	[hbm:s21], [sflag:s7] =	dma.local [spmem:s9], $0x400  }
0xf3: {  	_ =	swait.ge [sflag:s25], $0x400  }
0xf4: {  	s22 =	smov.u32 s11;
	[sflag:s25] =	ssyncset.done $0x0  }
0xf5: {  	s11 =	sshrl.u32 s15, $0x3;
	s13 =	rddreg [dreg:$0xe];
	[sflag:s25] =	ssyncadd.s32 $0xFFFFFC00  }
0xf6: {  	[hbm:s13], [sflag:s7] =	dma.local [spmem:s11], $0x400  }
0xf7: {  	_ =	swait.ge [sflag:s25], $0x400  }
0xf8: {  	s2 =	sadd.s32 $0x1, s2;
	s21 =	rddreg [dreg:$0xf]  }
0xf9: {  	p0 =	sne.s32 s2, s21  }
.Ltmp3:
0xfa: {  	_ = 	snop;
	(pc) =	sbr.rel @p0 .LBB2_1-.Ltmp3, $3  }
0xfb: {  	_ =	sdelay $0x1  }
0xfc: {  	[sflag:s25] =	ssyncset.done $0x0  }
0xfd: {  	[sflag:s25] =	ssyncadd.s32 $0xFFFFFC00  }
0xfe: {  	_ =	sfence.sel $0x180000  }
0xff: {  	[bflag:$0x0] =	sbarrier.arrive $0xFFFF  }
0x100: {  	_ =	strace $0x9000004D  }
0x101: {  	s0 =	stileid.u32;
	[bflag:$0x2] =	sbarrier.arrive $0xFFFF  }
0x102: {  	p0 =	sne.s32 s0, $0x0;
	s0 =	rddreg [dreg:$0x2]  }
0x103: {  	s0 =	sadd.s32 @!p0 $0x100000, s0  }
0x104: {  	[sflag:s0] =	ssyncadd.tile.s32 @!p0 $0x1;
	_ =	shalt  }
.Lfunc_end2:
_tile_overlayer_lowered:
.L_overlay_start_2:
0x105: {  	(tag) =	ssettag $0x2  }
0x106: {  	s0 =	rddreg [dreg:$0x0];
	s2 =	stileid.u32  }
0x107: {  	s1 =	rddreg [dreg:$0x1];
	p0 =	sne.s32 s2, $0x0  }
0x108: {  	s3 =	rddreg [dreg:$0x2];
	[bflag:$0x3] =	sbarrier.arrive $0xFFFF;
	s2 =	simm.s32 @!p0 $0x1C05  }
0x109: {  	[timem:s3], [sflag:s2] =	dma.local @!p0 [hbm:s0], s1  }
0x10a: {  	s0 =	simm.s32 @!p0 $0x5  }
0x10b: {  	_ =	swait.ge @!p0 [sflag:s0], s1  }
0x10c: {  	s1 =	ssub.s32 @!p0 $0x0, s1;
	[sflag:s0] =	ssyncset.done @!p0 $0x0  }
0x10d: {  	[sflag:s0] =	ssyncadd.s32 @!p0 s1  }
0x10e: {  	[bflag:$0x3] =	sbarrier.arrive $0xFFFF  }
0x10f: {  	_ =	shalt  }

// kernel: kernel.8.cloned.1.call-start
scs
__scs_entry_jumppad:
0x0: {  	(pc) =	sbr.rel $0x88, $3  }
0x1: {  	(tag) =	ssettag $0x0;
	lr =	simm.s32 $0x1  }
0x2: {  	[smem:$0x3F98] =	sst lr;
	_ =	strace $0xD0000000  }
0x3: {  	_ = 	snop  }
0x4: {  	_ = 	snop  }
0x5: {  	_ = 	snop  }
0x6: {  	_ = 	snop  }
0x7: {  	_ = 	snop  }
__scs_overlays_trampoline_lowered:
0x8: {  	[smem:$0x3FA7] =	sst s0  }
0x9: {  	[smem:$0x3FA8] =	sst s1  }
0xa: {  	[smem:$0x3FA9] =	sst s2  }
0xb: {  	[smem:$0x3FAA] =	sst s3  }
0xc: {  	[smem:$0x3FAB] =	sst s4  }
0xd: {  	[smem:$0x3FAC] =	sst s5  }
0xe: {  	[smem:$0x3FAD] =	sst s6  }
0xf: {  	[smem:$0x3FAE] =	sst s7  }
0x10: {  	[smem:$0x3FAF] =	sst s8  }
0x11: {  	[smem:$0x3FB0] =	sst s9;
	s0 =	simm.s32 @!p0 $0x0  }
0x12: {  	s1 =	sld [smem:$0x3F96];
	s0 =	simm.s32 @p0 $0x1  }
0x13: {  	[smem:$0x3FB1] =	sst s0;
	s0 =	simm.s32 @!p1 $0x0  }
0x14: {  	s2 =	sld [smem:$0x3F95];
	s0 =	simm.s32 @p1 $0x1  }
0x15: {  	[smem:$0x3FB2] =	sst s0;
	s0 =	simm.s32 @!p2 $0x0  }
0x16: {  	s3 =	sld [smem:$0x3FDB];
	s0 =	simm.s32 @p2 $0x1  }
0x17: {  	s4 =	simm.s32 $0x1BF5;
	[smem:$0x3FB4] =	sst s0  }
0x18: {  	s0 =	sld [smem:$0x3F97];
	_ =	swait.ge [sflag:s4], $0x0  }
0x19: {  	s7 =	sld [smem:$0x3F98]  }
0x1a: {  	s8 =	sadd.s32 $0xFFFFE003, lr  }
0x1b: {  	s9 =	sadd.s32 $0xFFFFFEF7, lr;
	s5 =	simm.s32 $0xFFFFFFFF;
	p2 =	slt.u32 s8, $0xFFFFF086  }
0x1c: {  	p1 =	slt.u32 s9, $0xF7A;
	s5 =	simm.s32 @!p2 $0x0  }
0x1d: {  	s5 =	simm.s32 @p1 $0x1;
	p0 =	seq.s32 s7, s2  }
0x1e: {  	s7 =	smul.u32 @!p0 $0xF7A, s2;
	p2 =	seq.s32 @!p0 s5, $0x0  }
0x1f: {  	s9 =	smul.u32 $0xF7A, s1;
	s8 =	simm.s32 @!p0 $0x1BF5;
	p2 =	por !p2, p0  }
0x20: {  	[sflag:s8] =	ssyncset.s32 @!p0 $0xFFFFF086;
	s6 =	sadd.s32 @!p0 s3, s7;
	s7 =	simm.s32 @!p0 $0x108  }
0x21: {  	s3 =	sadd.s32 s3, s9;
	s6 =	sadd.s32 @!p0 $0x88, s6;
	s7 =	simm.s32 @p2 $0x1082  }
0x22: {  	[simem:s7], [sflag:s8] =	dma.local @!p0 [hbm:s6], $0xF7A  }
0x23: {  	s9 =	sor.u32 $0xD0000000, s2;
	s6 =	simm.s32 $0x108;
	_ =	swait.ge @!p0 [sflag:s8], $0x0  }
0x24: {  	s3 =	sadd.s32 $0x88, s3;
	s6 =	simm.s32 @!p1 $0x1082;
	[sflag:s4] =	ssyncset.s32 $0xFFFFF086  }
0x25: {  	[simem:s6], [sflag:s4] =	dma.local [hbm:s3], $0xF7A  }
0x26: {  	[smem:$0x3F98] =	sst s1;
	(tag) =	ssettag s2;
	_ =	strace s9  }
0x27: {  	s1 =	sld [smem:$0x3FA8]  }
0x28: {  	s2 =	sld [smem:$0x3FA9]  }
0x29: {  	s4 =	sld [smem:$0x3FAB]  }
0x2a: {  	p0 =	seq.s32 s5, $0x0;
	s5 =	sld [smem:$0x3FAC]  }
0x2b: {  	s6 =	sld [smem:$0x3FAD]  }
0x2c: {  	s7 =	sld [smem:$0x3FAE]  }
0x2d: {  	s3 =	simm.s32 $0x108;
	s8 =	sld [smem:$0x3FAF]  }
0x2e: {  	s3 =	simm.s32 @!p0 $0x1082;
	s9 =	sld [smem:$0x3FB0]  }
0x2f: {  	lr =	sadd.s32 s0, s3;
	s0 =	sld [smem:$0x3FA7]  }
0x30: {  	s3 =	sld [smem:$0x3FAA]  }
0x31: {  	[smem:$0x3FB3] =	sst s10  }
0x32: {  	s10 =	sld [smem:$0x3FB1];
	_ =	sdelay $0x3  }
0x33: {  	p0 =	seq.s32 s10, $0x1;
	s10 =	sld [smem:$0x3FB3];
	_ =	sdelay $0x3  }
0x34: {  	[smem:$0x3FB3] =	sst s10  }
0x35: {  	s10 =	sld [smem:$0x3FB2];
	_ =	sdelay $0x3  }
0x36: {  	p1 =	seq.s32 s10, $0x1;
	s10 =	sld [smem:$0x3FB3];
	_ =	sdelay $0x3  }
0x37: {  	[smem:$0x3FB3] =	sst s10  }
0x38: {  	s10 =	sld [smem:$0x3FB4]  }
0x39: {  	_ = 	snop;
	(pc) =	sbr.ind lr, $3  }
0x3a: {  	_ = 	snop  }
0x3b: {  	_ = 	snop  }
0x3c: {  	p2 =	seq.s32 s10, $0x1;
	s10 =	sld [smem:$0x3FB3]  }
0x3d: {  	_ =	shalt  }
0x3e: {  	_ =	shalt  }
0x3f: {  	_ =	shalt  }
0x40: {  	_ =	shalt  }
0x41: {  	_ =	shalt  }
0x42: {  	_ =	shalt  }
0x43: {  	_ =	shalt  }
0x44: {  	_ =	shalt  }
0x45: {  	_ =	shalt  }
0x46: {  	_ =	shalt  }
0x47: {  	_ =	shalt  }
0x48: {  	_ =	shalt  }
0x49: {  	_ =	shalt  }
0x4a: {  	_ =	shalt  }
0x4b: {  	_ =	shalt  }
0x4c: {  	_ =	shalt  }
0x4d: {  	_ =	shalt  }
0x4e: {  	_ =	shalt  }
0x4f: {  	_ =	shalt  }
0x50: {  	_ =	shalt  }
0x51: {  	_ =	shalt  }
0x52: {  	_ =	shalt  }
0x53: {  	_ =	shalt  }
0x54: {  	_ =	shalt  }
0x55: {  	_ =	shalt  }
0x56: {  	_ =	shalt  }
0x57: {  	_ =	shalt  }
0x58: {  	_ =	shalt  }
0x59: {  	_ =	shalt  }
0x5a: {  	_ =	shalt  }
0x5b: {  	_ =	shalt  }
0x5c: {  	_ =	shalt  }
0x5d: {  	_ =	shalt  }
0x5e: {  	_ =	shalt  }
0x5f: {  	_ =	shalt  }
0x60: {  	_ =	shalt  }
0x61: {  	_ =	shalt  }
0x62: {  	_ =	shalt  }
0x63: {  	_ =	shalt  }
0x64: {  	_ =	shalt  }
0x65: {  	_ =	shalt  }
0x66: {  	_ =	shalt  }
0x67: {  	_ =	shalt  }
0x68: {  	_ =	shalt  }
0x69: {  	_ =	shalt  }
0x6a: {  	_ =	shalt  }
0x6b: {  	_ =	shalt  }
0x6c: {  	_ =	shalt  }
0x6d: {  	_ =	shalt  }
0x6e: {  	_ =	shalt  }
0x6f: {  	_ =	shalt  }
0x70: {  	_ =	shalt  }
0x71: {  	_ =	shalt  }
0x72: {  	_ =	shalt  }
0x73: {  	_ =	shalt  }
0x74: {  	_ =	shalt  }
0x75: {  	_ =	shalt  }
0x76: {  	_ =	shalt  }
0x77: {  	_ =	shalt  }
0x78: {  	_ =	shalt  }
0x79: {  	_ =	shalt  }
0x7a: {  	_ =	shalt  }
0x7b: {  	_ =	shalt  }
0x7c: {  	_ =	shalt  }
0x7d: {  	_ =	shalt  }
0x7e: {  	_ =	shalt  }
0x7f: {  	_ =	shalt  }
0x80: {  	_ =	shalt  }
0x81: {  	_ =	shalt  }
0x82: {  	_ =	shalt  }
0x83: {  	_ =	shalt  }
0x84: {  	_ =	shalt  }
0x85: {  	_ =	shalt  }
0x86: {  	_ =	shalt  }
0x87: {  	_ =	shalt  }
.Lfunc_end0:
.L_simem_size_0:
called_computation_lowered:
.L_overlay_start_0:
0x88: {  	s2 =	sld [smem:$0x3FD9]  }
0x89: {  	s3 =	sld [smem:$0x3FFE];
	_ =	sdelay $0x1  }
0x8a: {  	s1 =	srdreg.scid  }
0x8b: {  	s0 =	sand.u32 $0x1, s1  }
0x8c: {  	s16 =	sshll.u32 s0, $0xA;
	s2 =	sadd.s32 s3, s2  }
0x8d: {  	s2 =	sadd.s32 s2, s16  }
0x8e: {  	[smem:$0x3FBF] =	sst s2  }
0x8f: {  	_ = 	snop  }
0x90: {  	(tm) =	ssettm $0x1  }
0x91: {  	s17 =	sld [smem:$0x3FFB];
	_ =	sdelay $0x3  }
0x92: {  	_ =	strace s17  }
0x93: {  	s2 =	sld [smem:$0x3FFC];
	_ =	sdelay $0x3  }
0x94: {  	_ =	strace s2  }
0x95: {  	s2 =	sld [smem:$0x3FFD];
	_ =	sdelay $0x3  }
0x96: {  	_ =	strace s2  }
0x97: {  	_ =	strace $0x8FFFFFFF  }
0x98: {  	s18 =	sld [smem:$0x3FDB];
	_ =	sdelay $0x1  }
0x99: {  	s19 =	simm.s32 $_scs_section_size  }
0x9a: {  	s4 =	simm.s32 $_size__tile_overlayer_lowered;
	s5 =	simm.s32 $_tile_overlayer_lowered  }
0x9b: {  	s22 =	simm.s32 $0x1BFF;
	s21 =	sshll.u32 s5, $0x1;
	s2 =	sadd.s32 s19, s18  }
0x9c: {  	s6 =	simm.s32 $0x0;
	s20 =	sshll.u32 s4, $0x1;
	s4 =	sadd.s32 s21, s2  }
0x9d: {  	[timem:s6], [sflag:s22] =	dma.local [hbm:s4], s20  }
0x9e: {  	_ =	swait.ge [sflag:s22], s20  }
0x9f: {  	s3 =	ssub.s32 $0x0, s20;
	[sflag:s22] =	ssyncset.done $0x0  }
0xa0: {  	[sflag:s22] =	ssyncadd.s32 s3;
	_ =	sdelay $0x1  }
0xa1: {  	s23 =	simm.s32 $0x1B8B  }
0xa2: {  	_ =	swait.ge [sflag:s23], $0x1  }
0xa3: {  	[sflag:s23] =	ssyncset.done $0x0  }
0xa4: {  	s25 =	simm.s32 $0x1B8E;
	s24 =	sld [smem:$0x3FFE];
	[sflag:s23] =	ssyncadd.s32 $0xFFFFFFFF  }
0xa5: {  	s26 =	simm.s32 $execute0_lowered;
	[smem:$0x3FD2] =	sst s25  }
0xa6: {  	s4 =	sshll.u32 s26, $0x1;
	_ =	strace $0x80000046;
	[dreg:$0x1] =	wrdreg $0xFFFFFFFF  }
0xa7: {  	s28 =	simm.s32 $_size_execute0_lowered;
	s2 =	sadd.s32 s2, s4;
	[dreg:$0x0] =	wrdreg $0x0  }
0xa8: {  	s4 =	sshll.u32 s28, $0x1;
	[dreg:$0x2] =	wrdreg s2  }
0xa9: {  	[dreg:$0x3] =	wrdreg s4  }
0xaa: {  	[dreg:$0x4] =	wrdreg $0xC0  }
0xab: {  	_ =	task [dreg:s6], $0x5FFFF  }
0xac: {  	[dreg:$0x1] =	wrdreg $0xFFFFFFFF  }
0xad: {  	[dreg:$0x0] =	wrdreg $0x60  }
0xae: {  	[dreg:$0x2] =	wrdreg s24  }
0xaf: {  	[dreg:$0x3] =	wrdreg $0x30000  }
0xb0: {  	[dreg:$0x4] =	wrdreg $0x9  }
0xb1: {  	_ =	task.clear_ibuf [dreg:s6], $0x5FFFF;
	_ =	strace $0x90000046  }
0xb2: {  	s29 =	simm.s32 $0x9;
	_ =	strace $0x80000048  }
0xb3: {  	_ =	swait.ge [sflag:s29], $0x1  }
0xb4: {  	[sflag:s29] =	ssyncadd.s32 $0xFFFFFFFF  }
0xb5: {  	_ =	strace $0x90000048  }
0xb6: {  	_ =	sfence  }
0xb7: {  	s30 =	sld [smem:$0x0];
	_ =	sdelay $0x2  }
0xb8: {  	s31 =	sshll.u32 s1, $0xD;
	s1 =	sshrl.u32 s1, $0x2  }
0xb9: {  	s3 =	sand.u32 $0x4000, s31;
	s1 =	sadd.s32 s1, s30  }
0xba: {  	s0 =	sor.u32 s3, s0;
	s1 =	sshll.u32 s1, $0x11  }
0xbb: {  	s0 =	sor.u32 s1, s0  }
0xbc: {  	s0 =	sadd.s32 $0x8F2B, s0  }
0xbd: {  	[sflag:s0] =	ssyncadd.remote.s32 $0x1  }
0xbe: {  	_ =	sfence.sel $0xFFFF  }
0xbf: {  	[dreg:$0x0] =	wrdreg $0xFFFFFFFF;
	(pc) =	sbr.abs _section_cstart, $3  }
0xc0: {  	[dreg:$0x1] =	wrdreg $0xFFFFFFFF  }
0xc1: {  	_ =	task.clear_ibuf [dreg:s6], $0x2FFFF;
	_ =	strace $0x9FFFFFFF  }
0xc2: {  	(tm) =	ssettm $0x7FFFFFFF  }
0xc3: {  	_ =	shalt  }
tec
execute0_lowered:
.L_overlay_start_1:
0x0: {  	(tag) =	ssettag $0x1  }
0x1: {  	s1 =	srdreg.scid;
	s4 =	rddreg [dreg:$0x0]  }
0x2: {  	s0 =	stileid.u32;
	s2 =	rddreg [dreg:$0x1]  }
0x3: {  	s3 =	simm.s32 $0x0;
	s6 =	sand.u32 $0x1, s1;
	s1 =	rddreg [dreg:$0x2]  }
0x4: {  	s28 =	sshll.u32 s0, $0x1;
	[smem:$0x7FF] =	sst s3  }
0x5: {  	s9 =	smul.u32 $0x2800, s0;
	s14 =	sadd.s32 $0xC200, s4;
	s5 =	sor.u32 s6, s28  }
0x6: {  	_ =	strace $0x80000047;
	s29 =	ssub.s32 $0x2, s6;
	s16 =	smul.u32 $0x28000, s6  }
0x7: {  	s5 =	smul.u32 $0x500, s5;
	s30 =	sshrl.u32 s29, $0x1;
	s11 =	sadd.s32 $0x800, s9  }
0x8: {  	s12 =	sadd.s32 $0x1000, s9;
	s13 =	sadd.s32 $0x1800, s9;
	s17 =	sadd.s32 $0x2000, s9  }
0x9: {  	s15 =	ssub.s32 s29, s30;
	s6 =	sadd.s32 s12, s2;
	s7 =	sadd.s32 s13, s2  }
0xa: {  	s8 =	sadd.s32 s17, s2;
	s18 =	sadd.s32 s9, s16;
	s12 =	sadd.s32 s16, s12  }
0xb: {  	s13 =	sadd.s32 s16, s13;
	s10 =	sadd.s32 s5, s4;
	s4 =	sadd.s32 s9, s2  }
0xc: {  	s5 =	sadd.s32 s11, s2;
	s11 =	sadd.s32 s16, s11;
	s31 =	sshrl.u32 s18, $0x3  }
0xd: {  	s12 =	sshrl.u32 s12, $0x3;
	s16 =	sadd.s32 s16, s17;
	s13 =	sshrl.u32 s13, $0x3  }
0xe: {  	s15 =	smax.u32 s15, $0x1;
	s17 =	simm.s32 $0x1;
	s18 =	simm.s32 $0x80  }
0xf: {  	s9 =	sadd.s32 $0x2200, s10;
	s11 =	sshrl.u32 s11, $0x3;
	s10 =	sadd.s32 s14, s31  }
0x10: {  	s12 =	sadd.s32 s14, s12;
	s16 =	sshrl.u32 s16, $0x3;
	s13 =	sadd.s32 s14, s13  }
0x11: {  	v0 =	vimm.f32 $0.0e+00;
	v1 =	vimm.f32 $1.000000000e+00;
	s11 =	sadd.s32 s14, s11;
	s14 =	sadd.s32 s14, s16;
	s16 =	simm.s32 $0x2800  }
.LBB2_1:
0x12: {  	s19 =	simm.s32 $0x40;
	s20 =	simm.s32 $0x0  }
.LBB2_2:
0x13: {  	p0 =	sne.s32 s19, $0x1FC0;
	[tilespmem:s20+$0x2800] =	vst v0;
	s20 =	smov.u32 s19;
	s19 =	sadd.s32 $0x40, s19  }
.Ltmp0:
0x14: {  	(pc) =	sbr.rel @p0 .LBB2_2-.Ltmp0, $2  }
0x15: {  	_ =	sdelay $0x2  }
0x16: {  	s20 =	sshra.s32 s20, $0x2  }
0x17: {  	[tilespmem:s20+$0x2800] =	vst v0  }
0x18: {  	[spmem:s4] =	stream.linear.scatter [tilespmem:s16], [sflag:$0x1], $0x800, $0x38;
	[tilespmem:$0x5800] =	vst v63  }
0x19: {  	_ =	swait.ge [sflag:s17], $0x800  }
0x1a: {  	[sflag:s17] =	ssyncset.done $0x0  }
0x1b: {  	[sflag:s17] =	ssyncadd.s32 $0xFFFFF800  }
0x1c: {  	[spmem:s5] =	stream.linear.scatter [tilespmem:s16], [sflag:$0x1], $0x800, $0x38;
	[tilespmem:$0x5800] =	vst v63  }
0x1d: {  	_ =	swait.ge [sflag:s17], $0x800  }
0x1e: {  	[sflag:s17] =	ssyncset.done $0x0  }
0x1f: {  	[sflag:s17] =	ssyncadd.s32 $0xFFFFF800  }
0x20: {  	[spmem:s6] =	stream.linear.scatter [tilespmem:s16], [sflag:$0x1], $0x800, $0x38;
	[tilespmem:$0x5800] =	vst v63  }
0x21: {  	_ =	swait.ge [sflag:s17], $0x800  }
0x22: {  	[sflag:s17] =	ssyncset.done $0x0  }
0x23: {  	[sflag:s17] =	ssyncadd.s32 $0xFFFFF800  }
0x24: {  	[spmem:s7] =	stream.linear.scatter [tilespmem:s16], [sflag:$0x1], $0x800, $0x38;
	[tilespmem:$0x5800] =	vst v63  }
0x25: {  	_ =	swait.ge [sflag:s17], $0x800  }
0x26: {  	[sflag:s17] =	ssyncset.done $0x0  }
0x27: {  	[sflag:s17] =	ssyncadd.s32 $0xFFFFF800  }
0x28: {  	[spmem:s8] =	stream.linear.scatter [tilespmem:s16], [sflag:$0x1], $0x800, $0x38;
	[tilespmem:$0x5800] =	vst v63  }
0x29: {  	_ =	swait.ge [sflag:s17], $0x800  }
0x2a: {  	[sflag:s17] =	ssyncset.done $0x0  }
0x2b: {  	s19 =	simm.s32 $0x40;
	s20 =	simm.s32 $0x0;
	[sflag:s17] =	ssyncadd.s32 $0xFFFFF800  }
.LBB2_4:
0x2c: {  	p0 =	sne.s32 s19, $0x1FC0;
	[tilespmem:s20+$0x2800] =	vst v1;
	s20 =	smov.u32 s19;
	s19 =	sadd.s32 $0x40, s19  }
.Ltmp1:
0x2d: {  	(pc) =	sbr.rel @p0 .LBB2_4-.Ltmp1, $2  }
0x2e: {  	_ =	sdelay $0x2  }
0x2f: {  	s20 =	sshra.s32 s20, $0x2  }
0x30: {  	[tilespmem:s20+$0x2800] =	vst v1;
	s19 =	simm.s32 $0x0  }
0x31: {  	[tilespmem:s19], [sflag:$0x1] =	stream.linear.gather [hbm4b:s9+s19], $0x2800, $0x38;
	[tilespmem:$0x5800] =	vst v63  }
0x32: {  	_ =	swait.ge [sflag:s17], $0x2800  }
0x33: {  	[sflag:s17] =	ssyncset.done $0x0  }
0x34: {  	[sflag:s17] =	ssyncadd.s32 $0xFFFFD800  }
0x35: {  	s31 =	simm.s32 $0x0;
	[bflag:$0x0] =	sbarrier.arrive $0xFFFF  }
0x36: {  	[spmem:s2] =	stream.indirect.scatter.add.f32 [tilespmem:s16], [sflag:$0x1], $0x10, s31, s18, $0xb8;
	[tilespmem:$0x5800] =	vst v63  }
0x37: {  	_ =	swait.ge [sflag:s17], $0x800  }
0x38: {  	s19 =	simm.s32 $0x200;
	[sflag:s17] =	ssyncset.done $0x0  }
.LBB2_6:
0x39: {  	s20 =	sshra.s32 s19, $0x2;
	[sflag:s17] =	ssyncadd.s32 $0xFFFFF800;
	p0 =	sne.s32 s19, $0x9E00  }
0x3a: {  	[spmem:s2] =	stream.indirect.scatter.add.f32 [tilespmem:s16], [sflag:$0x1], $0x10, s20, s18, $0xb8;
	[tilespmem:$0x5800] =	vst v63  }
.Ltmp2:
0x3b: {  	_ = 	snop;
	(pc) =	sbr.rel @p0 .LBB2_6-.Ltmp2, $4  }
0x3c: {  	_ = 	snop  }
0x3d: {  	s19 =	sadd.s32 $0x200, s19  }
0x3e: {  	_ =	swait.ge [sflag:s17], $0x800  }
0x3f: {  	[sflag:s17] =	ssyncset.done $0x0  }
0x40: {  	[sflag:s17] =	ssyncadd.s32 $0xFFFFF800;
	s19 =	sshll.u32 s0, $0x6  }
0x41: {  	s20 =	sshrl.u32 s4, $0x3;
	[bflag:$0x0] =	sbarrier.arrive $0xFFFF;
	s19 =	sor.u32 $0x1C01, s19  }
0x42: {  	[hbm:s10], [sflag:s19] =	dma.local [spmem:s20], $0x100  }
0x43: {  	_ =	swait.ge [sflag:s17], $0x100  }
0x44: {  	[sflag:s17] =	ssyncset.done $0x0  }
0x45: {  	s28 =	sshrl.u32 s5, $0x3;
	[sflag:s17] =	ssyncadd.s32 $0xFFFFFF00  }
0x46: {  	[hbm:s11], [sflag:s19] =	dma.local [spmem:s28], $0x100  }
0x47: {  	_ =	swait.ge [sflag:s17], $0x100  }
0x48: {  	[sflag:s17] =	ssyncset.done $0x0  }
0x49: {  	s29 =	sshrl.u32 s6, $0x3;
	[sflag:s17] =	ssyncadd.s32 $0xFFFFFF00  }
0x4a: {  	[hbm:s12], [sflag:s19] =	dma.local [spmem:s29], $0x100  }
0x4b: {  	_ =	swait.ge [sflag:s17], $0x100  }
0x4c: {  	[sflag:s17] =	ssyncset.done $0x0  }
0x4d: {  	s30 =	sshrl.u32 s7, $0x3;
	[sflag:s17] =	ssyncadd.s32 $0xFFFFFF00  }
0x4e: {  	[hbm:s13], [sflag:s19] =	dma.local [spmem:s30], $0x100  }
0x4f: {  	s3 =	sadd.s32 $0x1, s3;
	_ =	swait.ge [sflag:s17], $0x100  }
0x50: {  	p0 =	sne.s32 s3, s15;
	[sflag:s17] =	ssyncset.done $0x0  }
.Ltmp3:
0x51: {  	s31 =	sshrl.u32 s8, $0x3;
	[sflag:s17] =	ssyncadd.s32 $0xFFFFFF00;
	(pc) =	sbr.rel @p0 .LBB2_1-.Ltmp3, $4  }
0x52: {  	[hbm:s14], [sflag:s19] =	dma.local [spmem:s31], $0x100  }
0x53: {  	_ =	swait.ge [sflag:s17], $0x100  }
0x54: {  	[sflag:s17] =	ssyncset.done $0x0  }
0x55: {  	[sflag:s17] =	ssyncadd.s32 $0xFFFFFF00  }
0x56: {  	_ =	sfence.sel $0x180000  }
0x57: {  	[bflag:$0x0] =	sbarrier.arrive $0xFFFF  }
0x58: {  	p0 =	sne.s32 s0, $0x0;
	_ =	strace $0x90000047  }
0x59: {  	s0 =	sadd.s32 @!p0 $0x100000, s1;
	[bflag:$0x2] =	sbarrier.arrive $0xFFFF  }
0x5a: {  	[sflag:s0] =	ssyncadd.tile.s32 @!p0 $0x1;
	_ =	shalt  }
.Lfunc_end2:
_tile_overlayer_lowered:
.L_overlay_start_2:
0x5b: {  	(tag) =	ssettag $0x2  }
0x5c: {  	s0 =	rddreg [dreg:$0x0];
	s2 =	stileid.u32  }
0x5d: {  	s1 =	rddreg [dreg:$0x1];
	p0 =	sne.s32 s2, $0x0  }
0x5e: {  	s3 =	rddreg [dreg:$0x2];
	[bflag:$0x3] =	sbarrier.arrive $0xFFFF;
	s2 =	simm.s32 @!p0 $0x1C01  }
0x5f: {  	[timem:s3], [sflag:s2] =	dma.local @!p0 [hbm:s0], s1  }
0x60: {  	s0 =	simm.s32 @!p0 $0x1  }
0x61: {  	_ =	swait.ge @!p0 [sflag:s0], s1  }
0x62: {  	s1 =	ssub.s32 @!p0 $0x0, s1;
	[sflag:s0] =	ssyncset.done @!p0 $0x0  }
0x63: {  	[sflag:s0] =	ssyncadd.s32 @!p0 s1  }
0x64: {  	[bflag:$0x3] =	sbarrier.arrive $0xFFFF  }
0x65: {  	_ =	shalt  }

</sc_bundles>
